<compile_context>
chip_gen: v7x
topology: tpu7x:2x2x1
jax: 0.10.2.dev20260603
libtpu: 0.0.44.dev20260713+nightly
codegen_flags: <defaults>
</compile_context>

<pallas_src>
import functools

import jax
import jax.numpy as jnp
from jax import lax
from jax.experimental import pallas as pl
from jax.experimental.pallas import tpu as pltpu
from jax.experimental.pallas import tpu_sc as plsc

N_TOK = 2048
D_MODEL = 768
GENRE_DIM = 64
N_EXPERTS = 8
D_FF = 3072
TOP_K = 2

BLK = 256
N_BLOCKS = 24
NP = N_BLOCKS * BLK
FF_CHUNK = 768
N_FF = D_FF // FF_CHUNK

NSLOT = 2
NSPLIT = 4

NC, NS = 2, 16
NW = NC * NS
TPW = N_TOK // NW


def _lane_shift_exscan(v):
    s = jnp.concatenate([jnp.zeros((1, 1), v.dtype), v[:, : N_EXPERTS - 1]], axis=1)
    for sh in (1, 2, 4):
        s = s + jnp.concatenate(
            [jnp.zeros((1, sh), v.dtype), s[:, : N_EXPERTS - sh]], axis=1)
    return s


def _gate_body(x_ref, g_ref, wg_ref, bg_ref,
               pos0_ref, pos1_ref, w0_ref, w1_ref, be_ref, padded_ref):
    gate_in = jnp.concatenate([x_ref[...], g_ref[...]], axis=1)
    logits = jnp.dot(gate_in, wg_ref[...], preferred_element_type=jnp.float32)
    logits = logits + bg_ref[...]

    e_iota = lax.broadcasted_iota(jnp.int32, (N_TOK, N_EXPERTS), 1)
    m0 = jnp.max(logits, axis=1, keepdims=True)
    i0 = jnp.min(jnp.where(logits == m0, e_iota, N_EXPERTS), axis=1, keepdims=True)
    masked = jnp.where(e_iota == i0, -jnp.inf, logits)
    m1 = jnp.max(masked, axis=1, keepdims=True)
    i1 = jnp.min(jnp.where(masked == m1, e_iota, N_EXPERTS), axis=1, keepdims=True)

    d = jnp.exp(m1 - m0)
    w0_ref[...] = jnp.broadcast_to(1.0 / (1.0 + d), (N_TOK, 16))
    w1_ref[...] = jnp.broadcast_to(d / (1.0 + d), (N_TOK, 16))

    onehot0 = (e_iota == i0).astype(jnp.float32)
    onehot1 = (e_iota == i1).astype(jnp.float32)

    oh = jnp.concatenate([onehot0, onehot1], axis=1)
    s = jnp.concatenate(
        [jnp.zeros((1, 2 * N_EXPERTS), jnp.float32), oh[: N_TOK - 1]], axis=0)
    sh = 1
    while sh < N_TOK:
        s = s + jnp.concatenate(
            [jnp.zeros((sh, 2 * N_EXPERTS), jnp.float32), s[: N_TOK - sh]], axis=0)
        sh *= 2
    csum0, csum1 = s[:, :N_EXPERTS], s[:, N_EXPERTS:]

    cnt0 = jnp.sum(onehot0, axis=0, keepdims=True)
    cnt1 = jnp.sum(onehot1, axis=0, keepdims=True)
    ct = (cnt0 + cnt1).astype(jnp.int32)
    padded = ((ct + (BLK - 1)) >> 8) << 8
    poff = _lane_shift_exscan(padded)

    poff_f = poff.astype(jnp.float32)
    poff_b = jnp.broadcast_to(poff_f, (N_TOK, N_EXPERTS))
    cnt0_b = jnp.broadcast_to(cnt0, (N_TOK, N_EXPERTS))
    rank0 = jnp.sum(csum0 * onehot0, axis=1, keepdims=True)
    rank1 = jnp.sum(csum1 * onehot1, axis=1, keepdims=True)
    base0 = jnp.sum(poff_b * onehot0, axis=1, keepdims=True)
    base1 = jnp.sum((poff_b + cnt0_b) * onehot1, axis=1, keepdims=True)
    pos0_ref[...] = (base0 + rank0).astype(jnp.int32)
    pos1_ref[...] = (base1 + rank1).astype(jnp.int32)

    b_iota = lax.broadcasted_iota(jnp.int32, (1, 128), 1) * BLK
    be = jnp.full((1, 128), -1, jnp.int32)
    for e in range(N_EXPERTS):
        start_e = jnp.broadcast_to(poff[:, e : e + 1], (1, 128))
        be = be + (b_iota >= start_e).astype(jnp.int32)
    be_ref[...] = be
    padded_ref[...] = jnp.broadcast_to(
        jnp.concatenate(
            [padded, jnp.zeros((1, 128 - N_EXPERTS), jnp.int32)], axis=1),
        (1, 128))


def _gatemeta_body(be_in_ref, padded_ref, first_ref, rid_ref, meta_ref):
    be = be_in_ref[...]
    padded = padded_ref[:, :N_EXPERTS]
    used = jnp.sum(padded, axis=1, keepdims=True) >> 8
    used_b = jnp.broadcast_to(used, (1, 128))
    lane = lax.broadcasted_iota(jnp.int32, (1, 128), 1)
    be_sh = jnp.concatenate([jnp.full((1, 1), -1, jnp.int32), be[:, :127]], axis=1)
    first = jnp.where((be != be_sh) & (lane < used_b), 1, 0)
    rid = first
    for sh in (1, 2, 4, 8, 16, 32, 64):
        rid = rid + jnp.concatenate(
            [jnp.zeros((1, sh), jnp.int32), rid[:, : 128 - sh]], axis=1)
    rid = rid - 1
    n_runs = jnp.sum(first, axis=1, keepdims=True)
    rex_parts = []
    for r in range(N_EXPERTS):
        rex_parts.append(jnp.sum(
            jnp.where((first == 1) & (rid == r), be, 0), axis=1, keepdims=True))
    rex = jnp.concatenate(rex_parts, axis=1)
    first_ref[...] = first
    rid_ref[...] = rid
    meta_ref[...] = jnp.broadcast_to(
        jnp.concatenate([rex, n_runs, used,
                         jnp.zeros((1, 128 - N_EXPERTS - 2), jnp.int32)], axis=1),
        (1, 128))


def _ffn_body(be_ref, first_ref, rid_ref, meta_ref,
              xs_ref, w1_hbm, b1_ref, w2_hbm, b2_ref, ys_ref,
              w1_buf, w2_buf, w1b_ref, w2b_ref, sem1, sem2):
    del be_ref
    b = pl.program_id(0)
    r = rid_ref[b]
    slot = lax.rem(r, NSLOT)
    n_runs = meta_ref[N_EXPERTS]
    used = meta_ref[N_EXPERTS + 1]

    def start_fetch(e_next, into_slot):
        for c in range(NSPLIT):
            c1 = D_MODEL // NSPLIT
            pltpu.make_async_copy(
                w1_hbm.at[e_next, pl.ds(c * c1, c1)],
                w1_buf.at[into_slot, pl.ds(c * c1, c1)],
                sem1.at[into_slot, c]).start()
            c2 = D_FF // NSPLIT
            pltpu.make_async_copy(
                w2_hbm.at[e_next, pl.ds(c * c2, c2)],
                w2_buf.at[into_slot, pl.ds(c * c2, c2)],
                sem2.at[into_slot, c]).start()

    @pl.when(first_ref[b] == 1)
    def _():
        @pl.when(b == 0)
        def _():
            start_fetch(meta_ref[0], 0)
            for k in range(1, NSLOT - 1):
                @pl.when(k < n_runs)
                def _(k=k):
                    start_fetch(meta_ref[k], k)

        @pl.when(r + NSLOT - 1 < n_runs)
        def _():
            start_fetch(meta_ref[r + NSLOT - 1], lax.rem(r + NSLOT - 1, NSLOT))

        for c in range(NSPLIT):
            c1 = D_MODEL // NSPLIT
            pltpu.make_async_copy(
                w1_hbm.at[0, pl.ds(c * c1, c1)],
                w1_buf.at[slot, pl.ds(c * c1, c1)],
                sem1.at[slot, c]).wait()

        w1b_ref[...] = w1_buf[slot].astype(jnp.bfloat16)

        for c in range(NSPLIT):
            c2 = D_FF // NSPLIT
            pltpu.make_async_copy(
                w2_hbm.at[0, pl.ds(c * c2, c2)],
                w2_buf.at[slot, pl.ds(c * c2, c2)],
                sem2.at[slot, c]).wait()

        w2b_ref[...] = w2_buf[slot].astype(jnp.bfloat16)

    @pl.when(b < used)
    def _():
        h = jnp.dot(xs_ref[...].astype(jnp.bfloat16), w1b_ref[...],
                    preferred_element_type=jnp.float32)
        h = jax.nn.gelu(h + b1_ref[0])
        y = jnp.dot(h.astype(jnp.bfloat16), w2b_ref[...],
                    preferred_element_type=jnp.float32)
        ys_ref[...] = y + b2_ref[0]


@functools.cache
def _sc_kernels():
    mesh = plsc.VectorSubcoreMesh(core_axis_name="c", subcore_axis_name="s")

    @functools.partial(
        pl.kernel, mesh=mesh,
        out_type=jax.ShapeDtypeStruct((NP, D_MODEL), jnp.float32),
        scratch_types=[
            pltpu.VMEM((TPW, D_MODEL), jnp.float32),
            pltpu.VMEM((TPW,), jnp.int32),
            pltpu.VMEM((TPW,), jnp.int32),
            pltpu.SemaphoreType.DMA,
        ],
    )
    def scatter_rows(x_hbm, p0_hbm, p1_hbm, xs_hbm, xv, i0v, i1v, sem):
        wid = lax.axis_index("s") * NC + lax.axis_index("c")
        base = wid * TPW
        pltpu.sync_copy(x_hbm.at[pl.ds(base, TPW)], xv)
        pltpu.sync_copy(p0_hbm.at[pl.ds(base, TPW)], i0v)
        pltpu.sync_copy(p1_hbm.at[pl.ds(base, TPW)], i1v)
        pltpu.async_copy(xv, xs_hbm.at[i0v], sem).wait()
        pltpu.async_copy(xv, xs_hbm.at[i1v], sem).wait()

    @functools.partial(
        pl.kernel, mesh=mesh,
        out_type=jax.ShapeDtypeStruct((N_TOK, D_MODEL), jnp.float32),
        scratch_types=[
            pltpu.VMEM((TPW, D_MODEL), jnp.float32),
            pltpu.VMEM((TPW, D_MODEL), jnp.float32),
            pltpu.VMEM((TPW,), jnp.int32),
            pltpu.VMEM((TPW,), jnp.int32),
            pltpu.VMEM((TPW, 16), jnp.float32),
            pltpu.VMEM((TPW, 16), jnp.float32),
            pltpu.SemaphoreType.DMA,
            pltpu.SemaphoreType.DMA,
        ],
    )
    def gather_combine(ys_hbm, p0_hbm, p1_hbm, w0_hbm, w1_hbm, out_hbm,
                       g0v, g1v, i0v, i1v, w0v, w1v, sem0, sem1):
        wid = lax.axis_index("s") * NC + lax.axis_index("c")
        base = wid * TPW
        pltpu.sync_copy(p0_hbm.at[pl.ds(base, TPW)], i0v)
        pltpu.sync_copy(p1_hbm.at[pl.ds(base, TPW)], i1v)
        c0 = pltpu.async_copy(ys_hbm.at[i0v], g0v, sem0)
        c1 = pltpu.async_copy(ys_hbm.at[i1v], g1v, sem1)
        pltpu.sync_copy(w0_hbm.at[pl.ds(base, TPW)], w0v)
        pltpu.sync_copy(w1_hbm.at[pl.ds(base, TPW)], w1v)
        c0.wait()
        c1.wait()

        @pl.loop(0, TPW)
        def _(i):
            w0r = w0v[i, :]
            w1r = w1v[i, :]
            for c in range(D_MODEL // 16):
                a = g0v[i, pl.ds(c * 16, 16)]
                bb = g1v[i, pl.ds(c * 16, 16)]
                g0v[i, pl.ds(c * 16, 16)] = w0r * a + w1r * bb
        pltpu.sync_copy(g0v, out_hbm.at[pl.ds(base, TPW)])

    return scatter_rows, gather_combine


_gate_call = pl.pallas_call(
    _gate_body,
    out_shape=(
        jax.ShapeDtypeStruct((N_TOK, 1), jnp.int32),
        jax.ShapeDtypeStruct((N_TOK, 1), jnp.int32),
        jax.ShapeDtypeStruct((N_TOK, 16), jnp.float32),
        jax.ShapeDtypeStruct((N_TOK, 16), jnp.float32),
        jax.ShapeDtypeStruct((1, 128), jnp.int32),
        jax.ShapeDtypeStruct((1, 128), jnp.int32),
    ),
)

_gatemeta_call = pl.pallas_call(
    _gatemeta_body,
    out_shape=(
        jax.ShapeDtypeStruct((1, 128), jnp.int32),
        jax.ShapeDtypeStruct((1, 128), jnp.int32),
        jax.ShapeDtypeStruct((1, 128), jnp.int32),
    ),
)

_ffn_call = pl.pallas_call(
    _ffn_body,
    grid_spec=pltpu.PrefetchScalarGridSpec(
        num_scalar_prefetch=4,
        grid=(N_BLOCKS,),
        in_specs=[
            pl.BlockSpec((BLK, D_MODEL),
                         lambda b, be, fi, ri, me: (jnp.minimum(b, me[9] - 1), 0)),
            pl.BlockSpec(memory_space=pl.ANY),
            pl.BlockSpec((1, 1, D_FF), lambda b, be, fi, ri, me: (be[b], 0, 0)),
            pl.BlockSpec(memory_space=pl.ANY),
            pl.BlockSpec((1, 1, D_MODEL), lambda b, be, fi, ri, me: (be[b], 0, 0)),
        ],
        out_specs=pl.BlockSpec((BLK, D_MODEL), lambda b, be, fi, ri, me: (b, 0)),
        scratch_shapes=[
            pltpu.VMEM((NSLOT, D_MODEL, D_FF), jnp.float32),
            pltpu.VMEM((NSLOT, D_FF, D_MODEL), jnp.float32),
            pltpu.VMEM((D_MODEL, D_FF), jnp.bfloat16),
            pltpu.VMEM((D_FF, D_MODEL), jnp.bfloat16),
            pltpu.SemaphoreType.DMA((NSLOT, NSPLIT)),
            pltpu.SemaphoreType.DMA((NSLOT, NSPLIT)),
        ],
    ),
    out_shape=jax.ShapeDtypeStruct((NP, D_MODEL), jnp.float32),
    compiler_params=pltpu.CompilerParams(
        dimension_semantics=("arbitrary",),
        vmem_limit_bytes=62 * 1024 * 1024),
)

def kernel(x, genre_emb, Wg, bg, W1, b1, W2, b2):
    pos0_2d, pos1_2d, w0, w1, be, padded = _gate_call(
        x, genre_emb, Wg, bg.reshape(1, N_EXPERTS))
    pos0 = pos0_2d.reshape(N_TOK)
    pos1 = pos1_2d.reshape(N_TOK)
    first, rid, meta = _gatemeta_call(be, padded)
    be40 = be.reshape(128)[:N_BLOCKS]
    fi40 = first.reshape(128)[:N_BLOCKS]
    ri40 = rid.reshape(128)[:N_BLOCKS]
    me16 = meta.reshape(128)[:16]
    scatter_rows, gather_combine = _sc_kernels()
    xs = scatter_rows(x, pos0, pos1)
    ys = _ffn_call(be40, fi40, ri40, me16, xs, W1,
                   b1.reshape(N_EXPERTS, 1, D_FF), W2,
                   b2.reshape(N_EXPERTS, 1, D_MODEL))
    return gather_combine(ys, pos0, pos1, w0, w1)

# --- scband reference (transcript-rebuilt; emitter-appended) ---
"""Pipeline reference for scband-mo-egenre-gate-13357348291295 (READ-ONLY COPY).

The authoritative reference and input builder live on the scoring server;
editing this copy changes nothing except your own understanding.
"""

import jax, jax.numpy as jnp
import numpy as np

D_MODEL = 768
GENRE_DIM = 64
N_EXPERTS = 8
TOP_K = 2
D_FF = 3072
N_TOK = 2048


def setup_inputs(seed: int = 0) -> dict:
    key = jax.random.key(seed)
    ks = jax.random.split(key, 8)
    x = jax.random.normal(ks[0], (N_TOK, D_MODEL), dtype=jnp.float32)
    genre_emb = jax.random.normal(ks[1], (N_TOK, GENRE_DIM), dtype=jnp.float32)
    Wg = jax.random.normal(ks[2], (D_MODEL + GENRE_DIM, N_EXPERTS), dtype=jnp.float32) * 0.02
    bg = jnp.zeros((N_EXPERTS,), dtype=jnp.float32)
    W1 = jax.random.normal(ks[3], (N_EXPERTS, D_MODEL, D_FF), dtype=jnp.float32) * 0.02
    b1 = jnp.zeros((N_EXPERTS, D_FF), dtype=jnp.float32)
    W2 = jax.random.normal(ks[4], (N_EXPERTS, D_FF, D_MODEL), dtype=jnp.float32) * 0.02
    b2 = jnp.zeros((N_EXPERTS, D_MODEL), dtype=jnp.float32)
    return {"x": x, "genre_emb": genre_emb, "Wg": Wg, "bg": bg, "W1": W1, "b1": b1, "W2": W2, "b2": b2}


def reference(x, genre_emb, Wg, bg, W1, b1, W2, b2):
    n = x.shape[0]
    # Genre-conditioned gate: concat token rep with genre embedding
    gate_in = jnp.concatenate([x, genre_emb], axis=-1)
    logits = gate_in @ Wg + bg
    probs = jax.nn.softmax(logits, axis=-1)
    # top-k routing (maps to lax.top_k)
    topv, topi = jax.lax.top_k(probs, TOP_K)
    topv = topv / jnp.sum(topv, axis=-1, keepdims=True)
    # scatter renormalized weights into a dense [N, E] combine matrix (scatter-add)
    combine = jnp.zeros((n, N_EXPERTS), dtype=x.dtype).at[jnp.arange(n)[:, None], topi].add(topv)
    # expert FFNs (dense-over-experts, combined by routing weights)
    h = jnp.einsum('nd,edf->enf', x, W1) + b1[:, None, :]
    h = jax.nn.gelu(h)
    y = jnp.einsum('enf,efd->end', h, W2) + b2[:, None, :]
    out = jnp.einsum('ne,end->nd', combine, y)
    return out

if __name__ == "__main__":
    import jax
    _d = setup_inputs()
    print(jax.jit(kernel)(*tuple(_d.values())))

</pallas_src>

<mosaic_0001>
#map = affine_map<(d0, d1) -> (0, 0)>
#map1 = affine_map<(d0, d1) -> (0)>
module attributes {stable_mosaic.version = 14 : i64} {
  func.func @gather_combine(%arg0: i32, %arg1: i32, %arg2: memref<6144x768xf32, #tpu.memory_space<hbm>>, %arg3: memref<2048xi32, #tpu.memory_space<hbm>>, %arg4: memref<2048xi32, #tpu.memory_space<hbm>>, %arg5: memref<2048x16xf32, #tpu.memory_space<hbm>>, %arg6: memref<2048x16xf32, #tpu.memory_space<hbm>>, %arg7: memref<2048x768xf32, #tpu.memory_space<hbm>>, %arg8: memref<64x768xf32, #tpu.memory_space<vmem>>, %arg9: memref<64x768xf32, #tpu.memory_space<vmem>>, %arg10: memref<64xi32, #tpu.memory_space<vmem>>, %arg11: memref<64xi32, #tpu.memory_space<vmem>>, %arg12: memref<64x16xf32, #tpu.memory_space<vmem>>, %arg13: memref<64x16xf32, #tpu.memory_space<vmem>>, %arg14: memref<!tpu.dma_semaphore, #tpu.memory_space<semaphore_mem>>, %arg15: memref<!tpu.dma_semaphore, #tpu.memory_space<semaphore_mem>>) attributes {dimension_semantics = [#tpu.dimension_semantics<core_parallel>, #tpu.dimension_semantics<subcore_parallel>], iteration_bounds = array<i64: 2, 16>, scalar_prefetch = 0 : i64, scratch_operands = 8 : i64, tpu.core_type = #tpu.core_type<sc_vector_subcore>, window_params = [{transform_indices = #map}, {transform_indices = #map1}, {transform_indices = #map1}, {transform_indices = #map}, {transform_indices = #map}, {transform_indices = #map}]} {
    %mul3A = arith.constant 2 : i32
    %mul3A_0 = arith.muli %arg1, %mul3A : i32
    %add3A = arith.addi %mul3A_0, %arg0 : i32
    %mul3A_1 = arith.constant 64 : i32
    %mul3A_2 = arith.muli %add3A, %mul3A_1 : i32
    "tpu.region"() ({
      %run_scoped3A = tpu.sem_alloc : memref<!tpu.dma_semaphore, #tpu.memory_space<semaphore_mem>>
      %dma_start3A_17 = tpu.memref_slice %arg3[%mul3A_2] : memref<2048xi32, #tpu.memory_space<hbm>> -> memref<64xi32, #tpu.memory_space<hbm>>
      %dma_start3A_18 = tpu.memref_slice %arg3[%mul3A_2] : memref<2048xi32, #tpu.memory_space<hbm>> -> memref<64xi32, #tpu.memory_space<hbm>>
      tpu.enqueue_dma source(%dma_start3A_18 : memref<64xi32, #tpu.memory_space<hbm>>) target(%arg10 : memref<64xi32, #tpu.memory_space<vmem>>) target_semaphore(%run_scoped3A : memref<!tpu.dma_semaphore, #tpu.memory_space<semaphore_mem>>)
      %dma_wait3A_19 = tpu.memref_slice %arg3[%mul3A_2] : memref<2048xi32, #tpu.memory_space<hbm>> -> memref<64xi32, #tpu.memory_space<hbm>>
      %dma_wait3A_20 = tpu.memref_slice %arg3[%mul3A_2] : memref<2048xi32, #tpu.memory_space<hbm>> -> memref<64xi32, #tpu.memory_space<hbm>>
      tpu.wait_dma2 semaphore(%run_scoped3A : memref<!tpu.dma_semaphore, #tpu.memory_space<semaphore_mem>>) src(%dma_wait3A_20 : memref<64xi32, #tpu.memory_space<hbm>>) dst(%arg10 : memref<64xi32, #tpu.memory_space<vmem>>)
      tpu.yield
    }) : () -> ()
    "tpu.region"() ({
      %run_scoped3A = tpu.sem_alloc : memref<!tpu.dma_semaphore, #tpu.memory_space<semaphore_mem>>
      %dma_start3A_17 = tpu.memref_slice %arg4[%mul3A_2] : memref<2048xi32, #tpu.memory_space<hbm>> -> memref<64xi32, #tpu.memory_space<hbm>>
      %dma_start3A_18 = tpu.memref_slice %arg4[%mul3A_2] : memref<2048xi32, #tpu.memory_space<hbm>> -> memref<64xi32, #tpu.memory_space<hbm>>
      tpu.enqueue_dma source(%dma_start3A_18 : memref<64xi32, #tpu.memory_space<hbm>>) target(%arg11 : memref<64xi32, #tpu.memory_space<vmem>>) target_semaphore(%run_scoped3A : memref<!tpu.dma_semaphore, #tpu.memory_space<semaphore_mem>>)
      %dma_wait3A_19 = tpu.memref_slice %arg4[%mul3A_2] : memref<2048xi32, #tpu.memory_space<hbm>> -> memref<64xi32, #tpu.memory_space<hbm>>
      %dma_wait3A_20 = tpu.memref_slice %arg4[%mul3A_2] : memref<2048xi32, #tpu.memory_space<hbm>> -> memref<64xi32, #tpu.memory_space<hbm>>
      tpu.wait_dma2 semaphore(%run_scoped3A : memref<!tpu.dma_semaphore, #tpu.memory_space<semaphore_mem>>) src(%dma_wait3A_20 : memref<64xi32, #tpu.memory_space<hbm>>) dst(%arg11 : memref<64xi32, #tpu.memory_space<vmem>>)
      tpu.yield
    }) : () -> ()
    %dma_start3A = arith.constant 0 : i32
    %dma_start3A_3 = arith.constant 0 : i32
    %dma_start3A_4 = tpu.memref_slice %arg2[%dma_start3A, %dma_start3A_3] : memref<6144x768xf32, #tpu.memory_space<hbm>> -> memref<6144x768xf32, #tpu.memory_space<hbm>>
    tpu.enqueue_indirect_dma source(%dma_start3A_4 : memref<6144x768xf32, #tpu.memory_space<hbm>>) target(%arg8 : memref<64x768xf32, #tpu.memory_space<vmem>>) offsets(%arg10 : memref<64xi32, #tpu.memory_space<vmem>>) semaphore(%arg14 : memref<!tpu.dma_semaphore, #tpu.memory_space<semaphore_mem>>)
    %dma_start3A_5 = arith.constant 0 : i32
    %dma_start3A_6 = arith.constant 0 : i32
    %dma_start3A_7 = tpu.memref_slice %arg2[%dma_start3A_5, %dma_start3A_6] : memref<6144x768xf32, #tpu.memory_space<hbm>> -> memref<6144x768xf32, #tpu.memory_space<hbm>>
    tpu.enqueue_indirect_dma source(%dma_start3A_7 : memref<6144x768xf32, #tpu.memory_space<hbm>>) target(%arg9 : memref<64x768xf32, #tpu.memory_space<vmem>>) offsets(%arg11 : memref<64xi32, #tpu.memory_space<vmem>>) semaphore(%arg15 : memref<!tpu.dma_semaphore, #tpu.memory_space<semaphore_mem>>)
    "tpu.region"() ({
      %run_scoped3A = tpu.sem_alloc : memref<!tpu.dma_semaphore, #tpu.memory_space<semaphore_mem>>
      %dma_start3A_17 = arith.constant 0 : i32
      %dma_start3A_18 = tpu.memref_slice %arg5[%mul3A_2, %dma_start3A_17] : memref<2048x16xf32, #tpu.memory_space<hbm>> -> memref<64x16xf32, #tpu.memory_space<hbm>>
      %dma_start3A_19 = arith.constant 0 : i32
      %dma_start3A_20 = tpu.memref_slice %arg5[%mul3A_2, %dma_start3A_19] : memref<2048x16xf32, #tpu.memory_space<hbm>> -> memref<64x16xf32, #tpu.memory_space<hbm>>
      tpu.enqueue_dma source(%dma_start3A_20 : memref<64x16xf32, #tpu.memory_space<hbm>>) target(%arg12 : memref<64x16xf32, #tpu.memory_space<vmem>>) target_semaphore(%run_scoped3A : memref<!tpu.dma_semaphore, #tpu.memory_space<semaphore_mem>>)
      %dma_wait3A_21 = arith.constant 0 : i32
      %dma_wait3A_22 = tpu.memref_slice %arg5[%mul3A_2, %dma_wait3A_21] : memref<2048x16xf32, #tpu.memory_space<hbm>> -> memref<64x16xf32, #tpu.memory_space<hbm>>
      %dma_wait3A_23 = arith.constant 0 : i32
      %dma_wait3A_24 = tpu.memref_slice %arg5[%mul3A_2, %dma_wait3A_23] : memref<2048x16xf32, #tpu.memory_space<hbm>> -> memref<64x16xf32, #tpu.memory_space<hbm>>
      tpu.wait_dma2 semaphore(%run_scoped3A : memref<!tpu.dma_semaphore, #tpu.memory_space<semaphore_mem>>) src(%dma_wait3A_24 : memref<64x16xf32, #tpu.memory_space<hbm>>) dst(%arg12 : memref<64x16xf32, #tpu.memory_space<vmem>>)
      tpu.yield
    }) : () -> ()
    "tpu.region"() ({
      %run_scoped3A = tpu.sem_alloc : memref<!tpu.dma_semaphore, #tpu.memory_space<semaphore_mem>>
      %dma_start3A_17 = arith.constant 0 : i32
      %dma_start3A_18 = tpu.memref_slice %arg6[%mul3A_2, %dma_start3A_17] : memref<2048x16xf32, #tpu.memory_space<hbm>> -> memref<64x16xf32, #tpu.memory_space<hbm>>
      %dma_start3A_19 = arith.constant 0 : i32
      %dma_start3A_20 = tpu.memref_slice %arg6[%mul3A_2, %dma_start3A_19] : memref<2048x16xf32, #tpu.memory_space<hbm>> -> memref<64x16xf32, #tpu.memory_space<hbm>>
      tpu.enqueue_dma source(%dma_start3A_20 : memref<64x16xf32, #tpu.memory_space<hbm>>) target(%arg13 : memref<64x16xf32, #tpu.memory_space<vmem>>) target_semaphore(%run_scoped3A : memref<!tpu.dma_semaphore, #tpu.memory_space<semaphore_mem>>)
      %dma_wait3A_21 = arith.constant 0 : i32
      %dma_wait3A_22 = tpu.memref_slice %arg6[%mul3A_2, %dma_wait3A_21] : memref<2048x16xf32, #tpu.memory_space<hbm>> -> memref<64x16xf32, #tpu.memory_space<hbm>>
      %dma_wait3A_23 = arith.constant 0 : i32
      %dma_wait3A_24 = tpu.memref_slice %arg6[%mul3A_2, %dma_wait3A_23] : memref<2048x16xf32, #tpu.memory_space<hbm>> -> memref<64x16xf32, #tpu.memory_space<hbm>>
      tpu.wait_dma2 semaphore(%run_scoped3A : memref<!tpu.dma_semaphore, #tpu.memory_space<semaphore_mem>>) src(%dma_wait3A_24 : memref<64x16xf32, #tpu.memory_space<hbm>>) dst(%arg13 : memref<64x16xf32, #tpu.memory_space<vmem>>)
      tpu.yield
    }) : () -> ()
    %dma_wait3A = arith.constant 0 : i32
    %dma_wait3A_8 = arith.constant 0 : i32
    %dma_wait3A_9 = tpu.memref_slice %arg2[%dma_wait3A, %dma_wait3A_8] : memref<6144x768xf32, #tpu.memory_space<hbm>> -> memref<6144x768xf32, #tpu.memory_space<hbm>>
    tpu.wait_indirect_dma semaphore(%arg14 : memref<!tpu.dma_semaphore, #tpu.memory_space<semaphore_mem>>) src(%dma_wait3A_9 : memref<6144x768xf32, #tpu.memory_space<hbm>>) dst(%arg8 : memref<64x768xf32, #tpu.memory_space<vmem>>)
    %dma_wait3A_10 = arith.constant 0 : i32
    %dma_wait3A_11 = arith.constant 0 : i32
    %dma_wait3A_12 = tpu.memref_slice %arg2[%dma_wait3A_10, %dma_wait3A_11] : memref<6144x768xf32, #tpu.memory_space<hbm>> -> memref<6144x768xf32, #tpu.memory_space<hbm>>
    tpu.wait_indirect_dma semaphore(%arg15 : memref<!tpu.dma_semaphore, #tpu.memory_space<semaphore_mem>>) src(%dma_wait3A_12 : memref<6144x768xf32, #tpu.memory_space<hbm>>) dst(%arg9 : memref<64x768xf32, #tpu.memory_space<vmem>>)
    %scan3A = arith.constant 0 : i32
    %scan3A_13 = arith.constant 64 : i32
    %scan3A_14 = arith.addi %scan3A, %scan3A_13 : i32
    %scan3A_15 = arith.constant 1 : i32
    scf.for %scan3A_17 = %scan3A to %scan3A_14 step %scan3A_15  : i32 {
      %mul3A_18 = arith.constant 1 : i32
      %mul3A_19 = arith.muli %scan3A_17, %mul3A_18 : i32
      %add3A_20 = arith.constant 0 : i32
      %add3A_21 = arith.addi %add3A_20, %mul3A_19 : i32
      %get3A = arith.index_cast %add3A_21 : i32 to index
      %get3A_22 = arith.constant 0 : index
      %get3A_23 = tpu.vector_load %arg12[%get3A, %get3A_22] {strides = array<i32>} : memref<64x16xf32, #tpu.memory_space<vmem>>, vector<1x16xf32>,
      %get3A_24 = vector.shape_cast %get3A_23 : vector<1x16xf32> to vector<16xf32>
      %get3A_25 = arith.index_cast %add3A_21 : i32 to index
      %get3A_26 = arith.constant 0 : index
      %get3A_27 = tpu.vector_load %arg13[%get3A_25, %get3A_26] {strides = array<i32>} : memref<64x16xf32, #tpu.memory_space<vmem>>, vector<1x16xf32>,
      %get3A_28 = vector.shape_cast %get3A_27 : vector<1x16xf32> to vector<16xf32>
      %get3A_29 = arith.index_cast %add3A_21 : i32 to index
      %get3A_30 = arith.constant 0 : index
      %get3A_31 = tpu.vector_load %arg8[%get3A_29, %get3A_30] {strides = array<i32>} : memref<64x768xf32, #tpu.memory_space<vmem>>, vector<1x16xf32>,
      %get3A_32 = vector.shape_cast %get3A_31 : vector<1x16xf32> to vector<16xf32>
      %get3A_33 = arith.index_cast %add3A_21 : i32 to index
      %get3A_34 = arith.constant 0 : index
      %get3A_35 = tpu.vector_load %arg9[%get3A_33, %get3A_34] {strides = array<i32>} : memref<64x768xf32, #tpu.memory_space<vmem>>, vector<1x16xf32>,
      %get3A_36 = vector.shape_cast %get3A_35 : vector<1x16xf32> to vector<16xf32>
      %mul3A_37 = arith.mulf %get3A_24, %get3A_32 : vector<16xf32>
      %mul3A_38 = arith.mulf %get3A_28, %get3A_36 : vector<16xf32>
      %add3A_39 = arith.addf %mul3A_37, %mul3A_38 : vector<16xf32>
      %swap3A = arith.index_cast %add3A_21 : i32 to index
      %swap3A_40 = arith.constant 0 : index
      %swap3A_41 = tpu.vector_load %arg8[%swap3A, %swap3A_40] {strides = array<i32>} : memref<64x768xf32, #tpu.memory_space<vmem>>, vector<1x16xf32>,
      %swap3A_42 = vector.shape_cast %swap3A_41 : vector<1x16xf32> to vector<16xf32>
      %swap3A_43 = vector.shape_cast %add3A_39 : vector<16xf32> to vector<1x16xf32>
      tpu.vector_store %arg8[%swap3A, %swap3A_40], %swap3A_43 {strides = array<i32>} : memref<64x768xf32, #tpu.memory_space<vmem>>, vector<1x16xf32>,
      %get3A_44 = arith.index_cast %add3A_21 : i32 to index
      %get3A_45 = arith.constant 16 : index
      %get3A_46 = tpu.vector_load %arg8[%get3A_44, %get3A_45] {strides = array<i32>} : memref<64x768xf32, #tpu.memory_space<vmem>>, vector<1x16xf32>,
      %get3A_47 = vector.shape_cast %get3A_46 : vector<1x16xf32> to vector<16xf32>
      %get3A_48 = arith.index_cast %add3A_21 : i32 to index
      %get3A_49 = arith.constant 16 : index
      %get3A_50 = tpu.vector_load %arg9[%get3A_48, %get3A_49] {strides = array<i32>} : memref<64x768xf32, #tpu.memory_space<vmem>>, vector<1x16xf32>,
      %get3A_51 = vector.shape_cast %get3A_50 : vector<1x16xf32> to vector<16xf32>
      %mul3A_52 = arith.mulf %get3A_24, %get3A_47 : vector<16xf32>
      %mul3A_53 = arith.mulf %get3A_28, %get3A_51 : vector<16xf32>
      %add3A_54 = arith.addf %mul3A_52, %mul3A_53 : vector<16xf32>
      %swap3A_55 = arith.index_cast %add3A_21 : i32 to index
      %swap3A_56 = arith.constant 16 : index
      %swap3A_57 = tpu.vector_load %arg8[%swap3A_55, %swap3A_56] {strides = array<i32>} : memref<64x768xf32, #tpu.memory_space<vmem>>, vector<1x16xf32>,
      %swap3A_58 = vector.shape_cast %swap3A_57 : vector<1x16xf32> to vector<16xf32>
      %swap3A_59 = vector.shape_cast %add3A_54 : vector<16xf32> to vector<1x16xf32>
      tpu.vector_store %arg8[%swap3A_55, %swap3A_56], %swap3A_59 {strides = array<i32>} : memref<64x768xf32, #tpu.memory_space<vmem>>, vector<1x16xf32>,
      %get3A_60 = arith.index_cast %add3A_21 : i32 to index
      %get3A_61 = arith.constant 32 : index
      %get3A_62 = tpu.vector_load %arg8[%get3A_60, %get3A_61] {strides = array<i32>} : memref<64x768xf32, #tpu.memory_space<vmem>>, vector<1x16xf32>,
      %get3A_63 = vector.shape_cast %get3A_62 : vector<1x16xf32> to vector<16xf32>
      %get3A_64 = arith.index_cast %add3A_21 : i32 to index
      %get3A_65 = arith.constant 32 : index
      %get3A_66 = tpu.vector_load %arg9[%get3A_64, %get3A_65] {strides = array<i32>} : memref<64x768xf32, #tpu.memory_space<vmem>>, vector<1x16xf32>,
      %get3A_67 = vector.shape_cast %get3A_66 : vector<1x16xf32> to vector<16xf32>
      %mul3A_68 = arith.mulf %get3A_24, %get3A_63 : vector<16xf32>
      %mul3A_69 = arith.mulf %get3A_28, %get3A_67 : vector<16xf32>
      %add3A_70 = arith.addf %mul3A_68, %mul3A_69 : vector<16xf32>
      %swap3A_71 = arith.index_cast %add3A_21 : i32 to index
      %swap3A_72 = arith.constant 32 : index
      %swap3A_73 = tpu.vector_load %arg8[%swap3A_71, %swap3A_72] {strides = array<i32>} : memref<64x768xf32, #tpu.memory_space<vmem>>, vector<1x16xf32>,
      %swap3A_74 = vector.shape_cast %swap3A_73 : vector<1x16xf32> to vector<16xf32>
      %swap3A_75 = vector.shape_cast %add3A_70 : vector<16xf32> to vector<1x16xf32>
      tpu.vector_store %arg8[%swap3A_71, %swap3A_72], %swap3A_75 {strides = array<i32>} : memref<64x768xf32, #tpu.memory_space<vmem>>, vector<1x16xf32>,
      %get3A_76 = arith.index_cast %add3A_21 : i32 to index
      %get3A_77 = arith.constant 48 : index
      %get3A_78 = tpu.vector_load %arg8[%get3A_76, %get3A_77] {strides = array<i32>} : memref<64x768xf32, #tpu.memory_space<vmem>>, vector<1x16xf32>,
      %get3A_79 = vector.shape_cast %get3A_78 : vector<1x16xf32> to vector<16xf32>
      %get3A_80 = arith.index_cast %add3A_21 : i32 to index
      %get3A_81 = arith.constant 48 : index
      %get3A_82 = tpu.vector_load %arg9[%get3A_80, %get3A_81] {strides = array<i32>} : memref<64x768xf32, #tpu.memory_space<vmem>>, vector<1x16xf32>,
      %get3A_83 = vector.shape_cast %get3A_82 : vector<1x16xf32> to vector<16xf32>
      %mul3A_84 = arith.mulf %get3A_24, %get3A_79 : vector<16xf32>
      %mul3A_85 = arith.mulf %get3A_28, %get3A_83 : vector<16xf32>
      %add3A_86 = arith.addf %mul3A_84, %mul3A_85 : vector<16xf32>
      %swap3A_87 = arith.index_cast %add3A_21 : i32 to index
      %swap3A_88 = arith.constant 48 : index
      %swap3A_89 = tpu.vector_load %arg8[%swap3A_87, %swap3A_88] {strides = array<i32>} : memref<64x768xf32, #tpu.memory_space<vmem>>, vector<1x16xf32>,
      %swap3A_90 = vector.shape_cast %swap3A_89 : vector<1x16xf32> to vector<16xf32>
      %swap3A_91 = vector.shape_cast %add3A_86 : vector<16xf32> to vector<1x16xf32>
      tpu.vector_store %arg8[%swap3A_87, %swap3A_88], %swap3A_91 {strides = array<i32>} : memref<64x768xf32, #tpu.memory_space<vmem>>, vector<1x16xf32>,
      %get3A_92 = arith.index_cast %add3A_21 : i32 to index
      %get3A_93 = arith.constant 64 : index
      %get3A_94 = tpu.vector_load %arg8[%get3A_92, %get3A_93] {strides = array<i32>} : memref<64x768xf32, #tpu.memory_space<vmem>>, vector<1x16xf32>,
      %get3A_95 = vector.shape_cast %get3A_94 : vector<1x16xf32> to vector<16xf32>
      %get3A_96 = arith.index_cast %add3A_21 : i32 to index
      %get3A_97 = arith.constant 64 : index
      %get3A_98 = tpu.vector_load %arg9[%get3A_96, %get3A_97] {strides = array<i32>} : memref<64x768xf32, #tpu.memory_space<vmem>>, vector<1x16xf32>,
      %get3A_99 = vector.shape_cast %get3A_98 : vector<1x16xf32> to vector<16xf32>
      %mul3A_100 = arith.mulf %get3A_24, %get3A_95 : vector<16xf32>
      %mul3A_101 = arith.mulf %get3A_28, %get3A_99 : vector<16xf32>
      %add3A_102 = arith.addf %mul3A_100, %mul3A_101 : vector<16xf32>
      %swap3A_103 = arith.index_cast %add3A_21 : i32 to index
      %swap3A_104 = arith.constant 64 : index
      %swap3A_105 = tpu.vector_load %arg8[%swap3A_103, %swap3A_104] {strides = array<i32>} : memref<64x768xf32, #tpu.memory_space<vmem>>, vector<1x16xf32>,
      %swap3A_106 = vector.shape_cast %swap3A_105 : vector<1x16xf32> to vector<16xf32>
      %swap3A_107 = vector.shape_cast %add3A_102 : vector<16xf32> to vector<1x16xf32>
      tpu.vector_store %arg8[%swap3A_103, %swap3A_104], %swap3A_107 {strides = array<i32>} : memref<64x768xf32, #tpu.memory_space<vmem>>, vector<1x16xf32>,
      %get3A_108 = arith.index_cast %add3A_21 : i32 to index
      %get3A_109 = arith.constant 80 : index
      %get3A_110 = tpu.vector_load %arg8[%get3A_108, %get3A_109] {strides = array<i32>} : memref<64x768xf32, #tpu.memory_space<vmem>>, vector<1x16xf32>,
      %get3A_111 = vector.shape_cast %get3A_110 : vector<1x16xf32> to vector<16xf32>
      %get3A_112 = arith.index_cast %add3A_21 : i32 to index
      %get3A_113 = arith.constant 80 : index
      %get3A_114 = tpu.vector_load %arg9[%get3A_112, %get3A_113] {strides = array<i32>} : memref<64x768xf32, #tpu.memory_space<vmem>>, vector<1x16xf32>,
      %get3A_115 = vector.shape_cast %get3A_114 : vector<1x16xf32> to vector<16xf32>
      %mul3A_116 = arith.mulf %get3A_24, %get3A_111 : vector<16xf32>
      %mul3A_117 = arith.mulf %get3A_28, %get3A_115 : vector<16xf32>
      %add3A_118 = arith.addf %mul3A_116, %mul3A_117 : vector<16xf32>
      %swap3A_119 = arith.index_cast %add3A_21 : i32 to index
      %swap3A_120 = arith.constant 80 : index
      %swap3A_121 = tpu.vector_load %arg8[%swap3A_119, %swap3A_120] {strides = array<i32>} : memref<64x768xf32, #tpu.memory_space<vmem>>, vector<1x16xf32>,
      %swap3A_122 = vector.shape_cast %swap3A_121 : vector<1x16xf32> to vector<16xf32>
      %swap3A_123 = vector.shape_cast %add3A_118 : vector<16xf32> to vector<1x16xf32>
      tpu.vector_store %arg8[%swap3A_119, %swap3A_120], %swap3A_123 {strides = array<i32>} : memref<64x768xf32, #tpu.memory_space<vmem>>, vector<1x16xf32>,
      %get3A_124 = arith.index_cast %add3A_21 : i32 to index
      %get3A_125 = arith.constant 96 : index
      %get3A_126 = tpu.vector_load %arg8[%get3A_124, %get3A_125] {strides = array<i32>} : memref<64x768xf32, #tpu.memory_space<vmem>>, vector<1x16xf32>,
      %get3A_127 = vector.shape_cast %get3A_126 : vector<1x16xf32> to vector<16xf32>
      %get3A_128 = arith.index_cast %add3A_21 : i32 to index
      %get3A_129 = arith.constant 96 : index
      %get3A_130 = tpu.vector_load %arg9[%get3A_128, %get3A_129] {strides = array<i32>} : memref<64x768xf32, #tpu.memory_space<vmem>>, vector<1x16xf32>,
      %get3A_131 = vector.shape_cast %get3A_130 : vector<1x16xf32> to vector<16xf32>
      %mul3A_132 = arith.mulf %get3A_24, %get3A_127 : vector<16xf32>
      %mul3A_133 = arith.mulf %get3A_28, %get3A_131 : vector<16xf32>
      %add3A_134 = arith.addf %mul3A_132, %mul3A_133 : vector<16xf32>
      %swap3A_135 = arith.index_cast %add3A_21 : i32 to index
      %swap3A_136 = arith.constant 96 : index
      %swap3A_137 = tpu.vector_load %arg8[%swap3A_135, %swap3A_136] {strides = array<i32>} : memref<64x768xf32, #tpu.memory_space<vmem>>, vector<1x16xf32>,
      %swap3A_138 = vector.shape_cast %swap3A_137 : vector<1x16xf32> to vector<16xf32>
      %swap3A_139 = vector.shape_cast %add3A_134 : vector<16xf32> to vector<1x16xf32>
      tpu.vector_store %arg8[%swap3A_135, %swap3A_136], %swap3A_139 {strides = array<i32>} : memref<64x768xf32, #tpu.memory_space<vmem>>, vector<1x16xf32>,
      %get3A_140 = arith.index_cast %add3A_21 : i32 to index
      %get3A_141 = arith.constant 112 : index
      %get3A_142 = tpu.vector_load %arg8[%get3A_140, %get3A_141] {strides = array<i32>} : memref<64x768xf32, #tpu.memory_space<vmem>>, vector<1x16xf32>,
      %get3A_143 = vector.shape_cast %get3A_142 : vector<1x16xf32> to vector<16xf32>
      %get3A_144 = arith.index_cast %add3A_21 : i32 to index
      %get3A_145 = arith.constant 112 : index
      %get3A_146 = tpu.vector_load %arg9[%get3A_144, %get3A_145] {strides = array<i32>} : memref<64x768xf32, #tpu.memory_space<vmem>>, vector<1x16xf32>,
      %get3A_147 = vector.shape_cast %get3A_146 : vector<1x16xf32> to vector<16xf32>
      %mul3A_148 = arith.mulf %get3A_24, %get3A_143 : vector<16xf32>
      %mul3A_149 = arith.mulf %get3A_28, %get3A_147 : vector<16xf32>
      %add3A_150 = arith.addf %mul3A_148, %mul3A_149 : vector<16xf32>
      %swap3A_151 = arith.index_cast %add3A_21 : i32 to index
      %swap3A_152 = arith.constant 112 : index
      %swap3A_153 = tpu.vector_load %arg8[%swap3A_151, %swap3A_152] {strides = array<i32>} : memref<64x768xf32, #tpu.memory_space<vmem>>, vector<1x16xf32>,
      %swap3A_154 = vector.shape_cast %swap3A_153 : vector<1x16xf32> to vector<16xf32>
      %swap3A_155 = vector.shape_cast %add3A_150 : vector<16xf32> to vector<1x16xf32>
      tpu.vector_store %arg8[%swap3A_151, %swap3A_152], %swap3A_155 {strides = array<i32>} : memref<64x768xf32, #tpu.memory_space<vmem>>, vector<1x16xf32>,
      %get3A_156 = arith.index_cast %add3A_21 : i32 to index
      %get3A_157 = arith.constant 128 : index
      %get3A_158 = tpu.vector_load %arg8[%get3A_156, %get3A_157] {strides = array<i32>} : memref<64x768xf32, #tpu.memory_space<vmem>>, vector<1x16xf32>,
      %get3A_159 = vector.shape_cast %get3A_158 : vector<1x16xf32> to vector<16xf32>
      %get3A_160 = arith.index_cast %add3A_21 : i32 to index
      %get3A_161 = arith.constant 128 : index
      %get3A_162 = tpu.vector_load %arg9[%get3A_160, %get3A_161] {strides = array<i32>} : memref<64x768xf32, #tpu.memory_space<vmem>>, vector<1x16xf32>,
      %get3A_163 = vector.shape_cast %get3A_162 : vector<1x16xf32> to vector<16xf32>
      %mul3A_164 = arith.mulf %get3A_24, %get3A_159 : vector<16xf32>
      %mul3A_165 = arith.mulf %get3A_28, %get3A_163 : vector<16xf32>
      %add3A_166 = arith.addf %mul3A_164, %mul3A_165 : vector<16xf32>
      %swap3A_167 = arith.index_cast %add3A_21 : i32 to index
      %swap3A_168 = arith.constant 128 : index
      %swap3A_169 = tpu.vector_load %arg8[%swap3A_167, %swap3A_168] {strides = array<i32>} : memref<64x768xf32, #tpu.memory_space<vmem>>, vector<1x16xf32>,
      %swap3A_170 = vector.shape_cast %swap3A_169 : vector<1x16xf32> to vector<16xf32>
      %swap3A_171 = vector.shape_cast %add3A_166 : vector<16xf32> to vector<1x16xf32>
      tpu.vector_store %arg8[%swap3A_167, %swap3A_168], %swap3A_171 {strides = array<i32>} : memref<64x768xf32, #tpu.memory_space<vmem>>, vector<1x16xf32>,
      %get3A_172 = arith.index_cast %add3A_21 : i32 to index
      %get3A_173 = arith.constant 144 : index
      %get3A_174 = tpu.vector_load %arg8[%get3A_172, %get3A_173] {strides = array<i32>} : memref<64x768xf32, #tpu.memory_space<vmem>>, vector<1x16xf32>,
      %get3A_175 = vector.shape_cast %get3A_174 : vector<1x16xf32> to vector<16xf32>
      %get3A_176 = arith.index_cast %add3A_21 : i32 to index
      %get3A_177 = arith.constant 144 : index
      %get3A_178 = tpu.vector_load %arg9[%get3A_176, %get3A_177] {strides = array<i32>} : memref<64x768xf32, #tpu.memory_space<vmem>>, vector<1x16xf32>,
      %get3A_179 = vector.shape_cast %get3A_178 : vector<1x16xf32> to vector<16xf32>
      %mul3A_180 = arith.mulf %get3A_24, %get3A_175 : vector<16xf32>
      %mul3A_181 = arith.mulf %get3A_28, %get3A_179 : vector<16xf32>
      %add3A_182 = arith.addf %mul3A_180, %mul3A_181 : vector<16xf32>
      %swap3A_183 = arith.index_cast %add3A_21 : i32 to index
      %swap3A_184 = arith.constant 144 : index
      %swap3A_185 = tpu.vector_load %arg8[%swap3A_183, %swap3A_184] {strides = array<i32>} : memref<64x768xf32, #tpu.memory_space<vmem>>, vector<1x16xf32>,
      %swap3A_186 = vector.shape_cast %swap3A_185 : vector<1x16xf32> to vector<16xf32>
      %swap3A_187 = vector.shape_cast %add3A_182 : vector<16xf32> to vector<1x16xf32>
      tpu.vector_store %arg8[%swap3A_183, %swap3A_184], %swap3A_187 {strides = array<i32>} : memref<64x768xf32, #tpu.memory_space<vmem>>, vector<1x16xf32>,
      %get3A_188 = arith.index_cast %add3A_21 : i32 to index
      %get3A_189 = arith.constant 160 : index
      %get3A_190 = tpu.vector_load %arg8[%get3A_188, %get3A_189] {strides = array<i32>} : memref<64x768xf32, #tpu.memory_space<vmem>>, vector<1x16xf32>,
      %get3A_191 = vector.shape_cast %get3A_190 : vector<1x16xf32> to vector<16xf32>
      %get3A_192 = arith.index_cast %add3A_21 : i32 to index
      %get3A_193 = arith.constant 160 : index
      %get3A_194 = tpu.vector_load %arg9[%get3A_192, %get3A_193] {strides = array<i32>} : memref<64x768xf32, #tpu.memory_space<vmem>>, vector<1x16xf32>,
      %get3A_195 = vector.shape_cast %get3A_194 : vector<1x16xf32> to vector<16xf32>
      %mul3A_196 = arith.mulf %get3A_24, %get3A_191 : vector<16xf32>
      %mul3A_197 = arith.mulf %get3A_28, %get3A_195 : vector<16xf32>
      %add3A_198 = arith.addf %mul3A_196, %mul3A_197 : vector<16xf32>
      %swap3A_199 = arith.index_cast %add3A_21 : i32 to index
      %swap3A_200 = arith.constant 160 : index
      %swap3A_201 = tpu.vector_load %arg8[%swap3A_199, %swap3A_200] {strides = array<i32>} : memref<64x768xf32, #tpu.memory_space<vmem>>, vector<1x16xf32>,
      %swap3A_202 = vector.shape_cast %swap3A_201 : vector<1x16xf32> to vector<16xf32>
      %swap3A_203 = vector.shape_cast %add3A_198 : vector<16xf32> to vector<1x16xf32>
      tpu.vector_store %arg8[%swap3A_199, %swap3A_200], %swap3A_203 {strides = array<i32>} : memref<64x768xf32, #tpu.memory_space<vmem>>, vector<1x16xf32>,
      %get3A_204 = arith.index_cast %add3A_21 : i32 to index
      %get3A_205 = arith.constant 176 : index
      %get3A_206 = tpu.vector_load %arg8[%get3A_204, %get3A_205] {strides = array<i32>} : memref<64x768xf32, #tpu.memory_space<vmem>>, vector<1x16xf32>,
      %get3A_207 = vector.shape_cast %get3A_206 : vector<1x16xf32> to vector<16xf32>
      %get3A_208 = arith.index_cast %add3A_21 : i32 to index
      %get3A_209 = arith.constant 176 : index
      %get3A_210 = tpu.vector_load %arg9[%get3A_208, %get3A_209] {strides = array<i32>} : memref<64x768xf32, #tpu.memory_space<vmem>>, vector<1x16xf32>,
      %get3A_211 = vector.shape_cast %get3A_210 : vector<1x16xf32> to vector<16xf32>
      %mul3A_212 = arith.mulf %get3A_24, %get3A_207 : vector<16xf32>
      %mul3A_213 = arith.mulf %get3A_28, %get3A_211 : vector<16xf32>
      %add3A_214 = arith.addf %mul3A_212, %mul3A_213 : vector<16xf32>
      %swap3A_215 = arith.index_cast %add3A_21 : i32 to index
      %swap3A_216 = arith.constant 176 : index
      %swap3A_217 = tpu.vector_load %arg8[%swap3A_215, %swap3A_216] {strides = array<i32>} : memref<64x768xf32, #tpu.memory_space<vmem>>, vector<1x16xf32>,
      %swap3A_218 = vector.shape_cast %swap3A_217 : vector<1x16xf32> to vector<16xf32>
      %swap3A_219 = vector.shape_cast %add3A_214 : vector<16xf32> to vector<1x16xf32>
      tpu.vector_store %arg8[%swap3A_215, %swap3A_216], %swap3A_219 {strides = array<i32>} : memref<64x768xf32, #tpu.memory_space<vmem>>, vector<1x16xf32>,
      %get3A_220 = arith.index_cast %add3A_21 : i32 to index
      %get3A_221 = arith.constant 192 : index
      %get3A_222 = tpu.vector_load %arg8[%get3A_220, %get3A_221] {strides = array<i32>} : memref<64x768xf32, #tpu.memory_space<vmem>>, vector<1x16xf32>,
      %get3A_223 = vector.shape_cast %get3A_222 : vector<1x16xf32> to vector<16xf32>
      %get3A_224 = arith.index_cast %add3A_21 : i32 to index
      %get3A_225 = arith.constant 192 : index
      %get3A_226 = tpu.vector_load %arg9[%get3A_224, %get3A_225] {strides = array<i32>} : memref<64x768xf32, #tpu.memory_space<vmem>>, vector<1x16xf32>,
      %get3A_227 = vector.shape_cast %get3A_226 : vector<1x16xf32> to vector<16xf32>
      %mul3A_228 = arith.mulf %get3A_24, %get3A_223 : vector<16xf32>
      %mul3A_229 = arith.mulf %get3A_28, %get3A_227 : vector<16xf32>
      %add3A_230 = arith.addf %mul3A_228, %mul3A_229 : vector<16xf32>
      %swap3A_231 = arith.index_cast %add3A_21 : i32 to index
      %swap3A_232 = arith.constant 192 : index
      %swap3A_233 = tpu.vector_load %arg8[%swap3A_231, %swap3A_232] {strides = array<i32>} : memref<64x768xf32, #tpu.memory_space<vmem>>, vector<1x16xf32>,
      %swap3A_234 = vector.shape_cast %swap3A_233 : vector<1x16xf32> to vector<16xf32>
      %swap3A_235 = vector.shape_cast %add3A_230 : vector<16xf32> to vector<1x16xf32>
      tpu.vector_store %arg8[%swap3A_231, %swap3A_232], %swap3A_235 {strides = array<i32>} : memref<64x768xf32, #tpu.memory_space<vmem>>, vector<1x16xf32>,
      %get3A_236 = arith.index_cast %add3A_21 : i32 to index
      %get3A_237 = arith.constant 208 : index
      %get3A_238 = tpu.vector_load %arg8[%get3A_236, %get3A_237] {strides = array<i32>} : memref<64x768xf32, #tpu.memory_space<vmem>>, vector<1x16xf32>,
      %get3A_239 = vector.shape_cast %get3A_238 : vector<1x16xf32> to vector<16xf32>
      %get3A_240 = arith.index_cast %add3A_21 : i32 to index
      %get3A_241 = arith.constant 208 : index
      %get3A_242 = tpu.vector_load %arg9[%get3A_240, %get3A_241] {strides = array<i32>} : memref<64x768xf32, #tpu.memory_space<vmem>>, vector<1x16xf32>,
      %get3A_243 = vector.shape_cast %get3A_242 : vector<1x16xf32> to vector<16xf32>
      %mul3A_244 = arith.mulf %get3A_24, %get3A_239 : vector<16xf32>
      %mul3A_245 = arith.mulf %get3A_28, %get3A_243 : vector<16xf32>
      %add3A_246 = arith.addf %mul3A_244, %mul3A_245 : vector<16xf32>
      %swap3A_247 = arith.index_cast %add3A_21 : i32 to index
      %swap3A_248 = arith.constant 208 : index
      %swap3A_249 = tpu.vector_load %arg8[%swap3A_247, %swap3A_248] {strides = array<i32>} : memref<64x768xf32, #tpu.memory_space<vmem>>, vector<1x16xf32>,
      %swap3A_250 = vector.shape_cast %swap3A_249 : vector<1x16xf32> to vector<16xf32>
      %swap3A_251 = vector.shape_cast %add3A_246 : vector<16xf32> to vector<1x16xf32>
      tpu.vector_store %arg8[%swap3A_247, %swap3A_248], %swap3A_251 {strides = array<i32>} : memref<64x768xf32, #tpu.memory_space<vmem>>, vector<1x16xf32>,
      %get3A_252 = arith.index_cast %add3A_21 : i32 to index
      %get3A_253 = arith.constant 224 : index
      %get3A_254 = tpu.vector_load %arg8[%get3A_252, %get3A_253] {strides = array<i32>} : memref<64x768xf32, #tpu.memory_space<vmem>>, vector<1x16xf32>,
      %get3A_255 = vector.shape_cast %get3A_254 : vector<1x16xf32> to vector<16xf32>
      %get3A_256 = arith.index_cast %add3A_21 : i32 to index
      %get3A_257 = arith.constant 224 : index
      %get3A_258 = tpu.vector_load %arg9[%get3A_256, %get3A_257] {strides = array<i32>} : memref<64x768xf32, #tpu.memory_space<vmem>>, vector<1x16xf32>,
      %get3A_259 = vector.shape_cast %get3A_258 : vector<1x16xf32> to vector<16xf32>
      %mul3A_260 = arith.mulf %get3A_24, %get3A_255 : vector<16xf32>
      %mul3A_261 = arith.mulf %get3A_28, %get3A_259 : vector<16xf32>
      %add3A_262 = arith.addf %mul3A_260, %mul3A_261 : vector<16xf32>
      %swap3A_263 = arith.index_cast %add3A_21 : i32 to index
      %swap3A_264 = arith.constant 224 : index
      %swap3A_265 = tpu.vector_load %arg8[%swap3A_263, %swap3A_264] {strides = array<i32>} : memref<64x768xf32, #tpu.memory_space<vmem>>, vector<1x16xf32>,
      %swap3A_266 = vector.shape_cast %swap3A_265 : vector<1x16xf32> to vector<16xf32>
      %swap3A_267 = vector.shape_cast %add3A_262 : vector<16xf32> to vector<1x16xf32>
      tpu.vector_store %arg8[%swap3A_263, %swap3A_264], %swap3A_267 {strides = array<i32>} : memref<64x768xf32, #tpu.memory_space<vmem>>, vector<1x16xf32>,
      %get3A_268 = arith.index_cast %add3A_21 : i32 to index
      %get3A_269 = arith.constant 240 : index
      %get3A_270 = tpu.vector_load %arg8[%get3A_268, %get3A_269] {strides = array<i32>} : memref<64x768xf32, #tpu.memory_space<vmem>>, vector<1x16xf32>,
      %get3A_271 = vector.shape_cast %get3A_270 : vector<1x16xf32> to vector<16xf32>
      %get3A_272 = arith.index_cast %add3A_21 : i32 to index
      %get3A_273 = arith.constant 240 : index
      %get3A_274 = tpu.vector_load %arg9[%get3A_272, %get3A_273] {strides = array<i32>} : memref<64x768xf32, #tpu.memory_space<vmem>>, vector<1x16xf32>,
      %get3A_275 = vector.shape_cast %get3A_274 : vector<1x16xf32> to vector<16xf32>
      %mul3A_276 = arith.mulf %get3A_24, %get3A_271 : vector<16xf32>
      %mul3A_277 = arith.mulf %get3A_28, %get3A_275 : vector<16xf32>
      %add3A_278 = arith.addf %mul3A_276, %mul3A_277 : vector<16xf32>
      %swap3A_279 = arith.index_cast %add3A_21 : i32 to index
      %swap3A_280 = arith.constant 240 : index
      %swap3A_281 = tpu.vector_load %arg8[%swap3A_279, %swap3A_280] {strides = array<i32>} : memref<64x768xf32, #tpu.memory_space<vmem>>, vector<1x16xf32>,
      %swap3A_282 = vector.shape_cast %swap3A_281 : vector<1x16xf32> to vector<16xf32>
      %swap3A_283 = vector.shape_cast %add3A_278 : vector<16xf32> to vector<1x16xf32>
      tpu.vector_store %arg8[%swap3A_279, %swap3A_280], %swap3A_283 {strides = array<i32>} : memref<64x768xf32, #tpu.memory_space<vmem>>, vector<1x16xf32>,
      %get3A_284 = arith.index_cast %add3A_21 : i32 to index
      %get3A_285 = arith.constant 256 : index
      %get3A_286 = tpu.vector_load %arg8[%get3A_284, %get3A_285] {strides = array<i32>} : memref<64x768xf32, #tpu.memory_space<vmem>>, vector<1x16xf32>,
      %get3A_287 = vector.shape_cast %get3A_286 : vector<1x16xf32> to vector<16xf32>
      %get3A_288 = arith.index_cast %add3A_21 : i32 to index
      %get3A_289 = arith.constant 256 : index
      %get3A_290 = tpu.vector_load %arg9[%get3A_288, %get3A_289] {strides = array<i32>} : memref<64x768xf32, #tpu.memory_space<vmem>>, vector<1x16xf32>,
      %get3A_291 = vector.shape_cast %get3A_290 : vector<1x16xf32> to vector<16xf32>
      %mul3A_292 = arith.mulf %get3A_24, %get3A_287 : vector<16xf32>
      %mul3A_293 = arith.mulf %get3A_28, %get3A_291 : vector<16xf32>
      %add3A_294 = arith.addf %mul3A_292, %mul3A_293 : vector<16xf32>
      %swap3A_295 = arith.index_cast %add3A_21 : i32 to index
      %swap3A_296 = arith.constant 256 : index
      %swap3A_297 = tpu.vector_load %arg8[%swap3A_295, %swap3A_296] {strides = array<i32>} : memref<64x768xf32, #tpu.memory_space<vmem>>, vector<1x16xf32>,
      %swap3A_298 = vector.shape_cast %swap3A_297 : vector<1x16xf32> to vector<16xf32>
      %swap3A_299 = vector.shape_cast %add3A_294 : vector<16xf32> to vector<1x16xf32>
      tpu.vector_store %arg8[%swap3A_295, %swap3A_296], %swap3A_299 {strides = array<i32>} : memref<64x768xf32, #tpu.memory_space<vmem>>, vector<1x16xf32>,
      %get3A_300 = arith.index_cast %add3A_21 : i32 to index
      %get3A_301 = arith.constant 272 : index
      %get3A_302 = tpu.vector_load %arg8[%get3A_300, %get3A_301] {strides = array<i32>} : memref<64x768xf32, #tpu.memory_space<vmem>>, vector<1x16xf32>,
      %get3A_303 = vector.shape_cast %get3A_302 : vector<1x16xf32> to vector<16xf32>
      %get3A_304 = arith.index_cast %add3A_21 : i32 to index
      %get3A_305 = arith.constant 272 : index
      %get3A_306 = tpu.vector_load %arg9[%get3A_304, %get3A_305] {strides = array<i32>} : memref<64x768xf32, #tpu.memory_space<vmem>>, vector<1x16xf32>,
      %get3A_307 = vector.shape_cast %get3A_306 : vector<1x16xf32> to vector<16xf32>
      %mul3A_308 = arith.mulf %get3A_24, %get3A_303 : vector<16xf32>
      %mul3A_309 = arith.mulf %get3A_28, %get3A_307 : vector<16xf32>
      %add3A_310 = arith.addf %mul3A_308, %mul3A_309 : vector<16xf32>
      %swap3A_311 = arith.index_cast %add3A_21 : i32 to index
      %swap3A_312 = arith.constant 272 : index
      %swap3A_313 = tpu.vector_load %arg8[%swap3A_311, %swap3A_312] {strides = array<i32>} : memref<64x768xf32, #tpu.memory_space<vmem>>, vector<1x16xf32>,
      %swap3A_314 = vector.shape_cast %swap3A_313 : vector<1x16xf32> to vector<16xf32>
      %swap3A_315 = vector.shape_cast %add3A_310 : vector<16xf32> to vector<1x16xf32>
      tpu.vector_store %arg8[%swap3A_311, %swap3A_312], %swap3A_315 {strides = array<i32>} : memref<64x768xf32, #tpu.memory_space<vmem>>, vector<1x16xf32>,
      %get3A_316 = arith.index_cast %add3A_21 : i32 to index
      %get3A_317 = arith.constant 288 : index
      %get3A_318 = tpu.vector_load %arg8[%get3A_316, %get3A_317] {strides = array<i32>} : memref<64x768xf32, #tpu.memory_space<vmem>>, vector<1x16xf32>,
      %get3A_319 = vector.shape_cast %get3A_318 : vector<1x16xf32> to vector<16xf32>
      %get3A_320 = arith.index_cast %add3A_21 : i32 to index
      %get3A_321 = arith.constant 288 : index
      %get3A_322 = tpu.vector_load %arg9[%get3A_320, %get3A_321] {strides = array<i32>} : memref<64x768xf32, #tpu.memory_space<vmem>>, vector<1x16xf32>,
      %get3A_323 = vector.shape_cast %get3A_322 : vector<1x16xf32> to vector<16xf32>
      %mul3A_324 = arith.mulf %get3A_24, %get3A_319 : vector<16xf32>
      %mul3A_325 = arith.mulf %get3A_28, %get3A_323 : vector<16xf32>
      %add3A_326 = arith.addf %mul3A_324, %mul3A_325 : vector<16xf32>
      %swap3A_327 = arith.index_cast %add3A_21 : i32 to index
      %swap3A_328 = arith.constant 288 : index
      %swap3A_329 = tpu.vector_load %arg8[%swap3A_327, %swap3A_328] {strides = array<i32>} : memref<64x768xf32, #tpu.memory_space<vmem>>, vector<1x16xf32>,
      %swap3A_330 = vector.shape_cast %swap3A_329 : vector<1x16xf32> to vector<16xf32>
      %swap3A_331 = vector.shape_cast %add3A_326 : vector<16xf32> to vector<1x16xf32>
      tpu.vector_store %arg8[%swap3A_327, %swap3A_328], %swap3A_331 {strides = array<i32>} : memref<64x768xf32, #tpu.memory_space<vmem>>, vector<1x16xf32>,
      %get3A_332 = arith.index_cast %add3A_21 : i32 to index
      %get3A_333 = arith.constant 304 : index
      %get3A_334 = tpu.vector_load %arg8[%get3A_332, %get3A_333] {strides = array<i32>} : memref<64x768xf32, #tpu.memory_space<vmem>>, vector<1x16xf32>,
      %get3A_335 = vector.shape_cast %get3A_334 : vector<1x16xf32> to vector<16xf32>
      %get3A_336 = arith.index_cast %add3A_21 : i32 to index
      %get3A_337 = arith.constant 304 : index
      %get3A_338 = tpu.vector_load %arg9[%get3A_336, %get3A_337] {strides = array<i32>} : memref<64x768xf32, #tpu.memory_space<vmem>>, vector<1x16xf32>,
      %get3A_339 = vector.shape_cast %get3A_338 : vector<1x16xf32> to vector<16xf32>
      %mul3A_340 = arith.mulf %get3A_24, %get3A_335 : vector<16xf32>
      %mul3A_341 = arith.mulf %get3A_28, %get3A_339 : vector<16xf32>
      %add3A_342 = arith.addf %mul3A_340, %mul3A_341 : vector<16xf32>
      %swap3A_343 = arith.index_cast %add3A_21 : i32 to index
      %swap3A_344 = arith.constant 304 : index
      %swap3A_345 = tpu.vector_load %arg8[%swap3A_343, %swap3A_344] {strides = array<i32>} : memref<64x768xf32, #tpu.memory_space<vmem>>, vector<1x16xf32>,
      %swap3A_346 = vector.shape_cast %swap3A_345 : vector<1x16xf32> to vector<16xf32>
      %swap3A_347 = vector.shape_cast %add3A_342 : vector<16xf32> to vector<1x16xf32>
      tpu.vector_store %arg8[%swap3A_343, %swap3A_344], %swap3A_347 {strides = array<i32>} : memref<64x768xf32, #tpu.memory_space<vmem>>, vector<1x16xf32>,
      %get3A_348 = arith.index_cast %add3A_21 : i32 to index
      %get3A_349 = arith.constant 320 : index
      %get3A_350 = tpu.vector_load %arg8[%get3A_348, %get3A_349] {strides = array<i32>} : memref<64x768xf32, #tpu.memory_space<vmem>>, vector<1x16xf32>,
      %get3A_351 = vector.shape_cast %get3A_350 : vector<1x16xf32> to vector<16xf32>
      %get3A_352 = arith.index_cast %add3A_21 : i32 to index
      %get3A_353 = arith.constant 320 : index
      %get3A_354 = tpu.vector_load %arg9[%get3A_352, %get3A_353] {strides = array<i32>} : memref<64x768xf32, #tpu.memory_space<vmem>>, vector<1x16xf32>,
      %get3A_355 = vector.shape_cast %get3A_354 : vector<1x16xf32> to vector<16xf32>
      %mul3A_356 = arith.mulf %get3A_24, %get3A_351 : vector<16xf32>
      %mul3A_357 = arith.mulf %get3A_28, %get3A_355 : vector<16xf32>
      %add3A_358 = arith.addf %mul3A_356, %mul3A_357 : vector<16xf32>
      %swap3A_359 = arith.index_cast %add3A_21 : i32 to index
      %swap3A_360 = arith.constant 320 : index
      %swap3A_361 = tpu.vector_load %arg8[%swap3A_359, %swap3A_360] {strides = array<i32>} : memref<64x768xf32, #tpu.memory_space<vmem>>, vector<1x16xf32>,
      %swap3A_362 = vector.shape_cast %swap3A_361 : vector<1x16xf32> to vector<16xf32>
      %swap3A_363 = vector.shape_cast %add3A_358 : vector<16xf32> to vector<1x16xf32>
      tpu.vector_store %arg8[%swap3A_359, %swap3A_360], %swap3A_363 {strides = array<i32>} : memref<64x768xf32, #tpu.memory_space<vmem>>, vector<1x16xf32>,
      %get3A_364 = arith.index_cast %add3A_21 : i32 to index
      %get3A_365 = arith.constant 336 : index
      %get3A_366 = tpu.vector_load %arg8[%get3A_364, %get3A_365] {strides = array<i32>} : memref<64x768xf32, #tpu.memory_space<vmem>>, vector<1x16xf32>,
      %get3A_367 = vector.shape_cast %get3A_366 : vector<1x16xf32> to vector<16xf32>
      %get3A_368 = arith.index_cast %add3A_21 : i32 to index
      %get3A_369 = arith.constant 336 : index
      %get3A_370 = tpu.vector_load %arg9[%get3A_368, %get3A_369] {strides = array<i32>} : memref<64x768xf32, #tpu.memory_space<vmem>>, vector<1x16xf32>,
      %get3A_371 = vector.shape_cast %get3A_370 : vector<1x16xf32> to vector<16xf32>
      %mul3A_372 = arith.mulf %get3A_24, %get3A_367 : vector<16xf32>
      %mul3A_373 = arith.mulf %get3A_28, %get3A_371 : vector<16xf32>
      %add3A_374 = arith.addf %mul3A_372, %mul3A_373 : vector<16xf32>
      %swap3A_375 = arith.index_cast %add3A_21 : i32 to index
      %swap3A_376 = arith.constant 336 : index
      %swap3A_377 = tpu.vector_load %arg8[%swap3A_375, %swap3A_376] {strides = array<i32>} : memref<64x768xf32, #tpu.memory_space<vmem>>, vector<1x16xf32>,
      %swap3A_378 = vector.shape_cast %swap3A_377 : vector<1x16xf32> to vector<16xf32>
      %swap3A_379 = vector.shape_cast %add3A_374 : vector<16xf32> to vector<1x16xf32>
      tpu.vector_store %arg8[%swap3A_375, %swap3A_376], %swap3A_379 {strides = array<i32>} : memref<64x768xf32, #tpu.memory_space<vmem>>, vector<1x16xf32>,
      %get3A_380 = arith.index_cast %add3A_21 : i32 to index
      %get3A_381 = arith.constant 352 : index
      %get3A_382 = tpu.vector_load %arg8[%get3A_380, %get3A_381] {strides = array<i32>} : memref<64x768xf32, #tpu.memory_space<vmem>>, vector<1x16xf32>,
      %get3A_383 = vector.shape_cast %get3A_382 : vector<1x16xf32> to vector<16xf32>
      %get3A_384 = arith.index_cast %add3A_21 : i32 to index
      %get3A_385 = arith.constant 352 : index
      %get3A_386 = tpu.vector_load %arg9[%get3A_384, %get3A_385] {strides = array<i32>} : memref<64x768xf32, #tpu.memory_space<vmem>>, vector<1x16xf32>,
      %get3A_387 = vector.shape_cast %get3A_386 : vector<1x16xf32> to vector<16xf32>
      %mul3A_388 = arith.mulf %get3A_24, %get3A_383 : vector<16xf32>
      %mul3A_389 = arith.mulf %get3A_28, %get3A_387 : vector<16xf32>
      %add3A_390 = arith.addf %mul3A_388, %mul3A_389 : vector<16xf32>
      %swap3A_391 = arith.index_cast %add3A_21 : i32 to index
      %swap3A_392 = arith.constant 352 : index
      %swap3A_393 = tpu.vector_load %arg8[%swap3A_391, %swap3A_392] {strides = array<i32>} : memref<64x768xf32, #tpu.memory_space<vmem>>, vector<1x16xf32>,
      %swap3A_394 = vector.shape_cast %swap3A_393 : vector<1x16xf32> to vector<16xf32>
      %swap3A_395 = vector.shape_cast %add3A_390 : vector<16xf32> to vector<1x16xf32>
      tpu.vector_store %arg8[%swap3A_391, %swap3A_392], %swap3A_395 {strides = array<i32>} : memref<64x768xf32, #tpu.memory_space<vmem>>, vector<1x16xf32>,
      %get3A_396 = arith.index_cast %add3A_21 : i32 to index
      %get3A_397 = arith.constant 368 : index
      %get3A_398 = tpu.vector_load %arg8[%get3A_396, %get3A_397] {strides = array<i32>} : memref<64x768xf32, #tpu.memory_space<vmem>>, vector<1x16xf32>,
      %get3A_399 = vector.shape_cast %get3A_398 : vector<1x16xf32> to vector<16xf32>
      %get3A_400 = arith.index_cast %add3A_21 : i32 to index
      %get3A_401 = arith.constant 368 : index
      %get3A_402 = tpu.vector_load %arg9[%get3A_400, %get3A_401] {strides = array<i32>} : memref<64x768xf32, #tpu.memory_space<vmem>>, vector<1x16xf32>,
      %get3A_403 = vector.shape_cast %get3A_402 : vector<1x16xf32> to vector<16xf32>
      %mul3A_404 = arith.mulf %get3A_24, %get3A_399 : vector<16xf32>
      %mul3A_405 = arith.mulf %get3A_28, %get3A_403 : vector<16xf32>
      %add3A_406 = arith.addf %mul3A_404, %mul3A_405 : vector<16xf32>
      %swap3A_407 = arith.index_cast %add3A_21 : i32 to index
      %swap3A_408 = arith.constant 368 : index
      %swap3A_409 = tpu.vector_load %arg8[%swap3A_407, %swap3A_408] {strides = array<i32>} : memref<64x768xf32, #tpu.memory_space<vmem>>, vector<1x16xf32>,
      %swap3A_410 = vector.shape_cast %swap3A_409 : vector<1x16xf32> to vector<16xf32>
      %swap3A_411 = vector.shape_cast %add3A_406 : vector<16xf32> to vector<1x16xf32>
      tpu.vector_store %arg8[%swap3A_407, %swap3A_408], %swap3A_411 {strides = array<i32>} : memref<64x768xf32, #tpu.memory_space<vmem>>, vector<1x16xf32>,
      %get3A_412 = arith.index_cast %add3A_21 : i32 to index
      %get3A_413 = arith.constant 384 : index
      %get3A_414 = tpu.vector_load %arg8[%get3A_412, %get3A_413] {strides = array<i32>} : memref<64x768xf32, #tpu.memory_space<vmem>>, vector<1x16xf32>,
      %get3A_415 = vector.shape_cast %get3A_414 : vector<1x16xf32> to vector<16xf32>
      %get3A_416 = arith.index_cast %add3A_21 : i32 to index
      %get3A_417 = arith.constant 384 : index
      %get3A_418 = tpu.vector_load %arg9[%get3A_416, %get3A_417] {strides = array<i32>} : memref<64x768xf32, #tpu.memory_space<vmem>>, vector<1x16xf32>,
      %get3A_419 = vector.shape_cast %get3A_418 : vector<1x16xf32> to vector<16xf32>
      %mul3A_420 = arith.mulf %get3A_24, %get3A_415 : vector<16xf32>
      %mul3A_421 = arith.mulf %get3A_28, %get3A_419 : vector<16xf32>
      %add3A_422 = arith.addf %mul3A_420, %mul3A_421 : vector<16xf32>
      %swap3A_423 = arith.index_cast %add3A_21 : i32 to index
      %swap3A_424 = arith.constant 384 : index
      %swap3A_425 = tpu.vector_load %arg8[%swap3A_423, %swap3A_424] {strides = array<i32>} : memref<64x768xf32, #tpu.memory_space<vmem>>, vector<1x16xf32>,
      %swap3A_426 = vector.shape_cast %swap3A_425 : vector<1x16xf32> to vector<16xf32>
      %swap3A_427 = vector.shape_cast %add3A_422 : vector<16xf32> to vector<1x16xf32>
      tpu.vector_store %arg8[%swap3A_423, %swap3A_424], %swap3A_427 {strides = array<i32>} : memref<64x768xf32, #tpu.memory_space<vmem>>, vector<1x16xf32>,
      %get3A_428 = arith.index_cast %add3A_21 : i32 to index
      %get3A_429 = arith.constant 400 : index
      %get3A_430 = tpu.vector_load %arg8[%get3A_428, %get3A_429] {strides = array<i32>} : memref<64x768xf32, #tpu.memory_space<vmem>>, vector<1x16xf32>,
      %get3A_431 = vector.shape_cast %get3A_430 : vector<1x16xf32> to vector<16xf32>
      %get3A_432 = arith.index_cast %add3A_21 : i32 to index
      %get3A_433 = arith.constant 400 : index
      %get3A_434 = tpu.vector_load %arg9[%get3A_432, %get3A_433] {strides = array<i32>} : memref<64x768xf32, #tpu.memory_space<vmem>>, vector<1x16xf32>,
      %get3A_435 = vector.shape_cast %get3A_434 : vector<1x16xf32> to vector<16xf32>
      %mul3A_436 = arith.mulf %get3A_24, %get3A_431 : vector<16xf32>
      %mul3A_437 = arith.mulf %get3A_28, %get3A_435 : vector<16xf32>
      %add3A_438 = arith.addf %mul3A_436, %mul3A_437 : vector<16xf32>
      %swap3A_439 = arith.index_cast %add3A_21 : i32 to index
      %swap3A_440 = arith.constant 400 : index
      %swap3A_441 = tpu.vector_load %arg8[%swap3A_439, %swap3A_440] {strides = array<i32>} : memref<64x768xf32, #tpu.memory_space<vmem>>, vector<1x16xf32>,
      %swap3A_442 = vector.shape_cast %swap3A_441 : vector<1x16xf32> to vector<16xf32>
      %swap3A_443 = vector.shape_cast %add3A_438 : vector<16xf32> to vector<1x16xf32>
      tpu.vector_store %arg8[%swap3A_439, %swap3A_440], %swap3A_443 {strides = array<i32>} : memref<64x768xf32, #tpu.memory_space<vmem>>, vector<1x16xf32>,
      %get3A_444 = arith.index_cast %add3A_21 : i32 to index
      %get3A_445 = arith.constant 416 : index
      %get3A_446 = tpu.vector_load %arg8[%get3A_444, %get3A_445] {strides = array<i32>} : memref<64x768xf32, #tpu.memory_space<vmem>>, vector<1x16xf32>,
      %get3A_447 = vector.shape_cast %get3A_446 : vector<1x16xf32> to vector<16xf32>
      %get3A_448 = arith.index_cast %add3A_21 : i32 to index
      %get3A_449 = arith.constant 416 : index
      %get3A_450 = tpu.vector_load %arg9[%get3A_448, %get3A_449] {strides = array<i32>} : memref<64x768xf32, #tpu.memory_space<vmem>>, vector<1x16xf32>,
      %get3A_451 = vector.shape_cast %get3A_450 : vector<1x16xf32> to vector<16xf32>
      %mul3A_452 = arith.mulf %get3A_24, %get3A_447 : vector<16xf32>
      %mul3A_453 = arith.mulf %get3A_28, %get3A_451 : vector<16xf32>
      %add3A_454 = arith.addf %mul3A_452, %mul3A_453 : vector<16xf32>
      %swap3A_455 = arith.index_cast %add3A_21 : i32 to index
      %swap3A_456 = arith.constant 416 : index
      %swap3A_457 = tpu.vector_load %arg8[%swap3A_455, %swap3A_456] {strides = array<i32>} : memref<64x768xf32, #tpu.memory_space<vmem>>, vector<1x16xf32>,
      %swap3A_458 = vector.shape_cast %swap3A_457 : vector<1x16xf32> to vector<16xf32>
      %swap3A_459 = vector.shape_cast %add3A_454 : vector<16xf32> to vector<1x16xf32>
      tpu.vector_store %arg8[%swap3A_455, %swap3A_456], %swap3A_459 {strides = array<i32>} : memref<64x768xf32, #tpu.memory_space<vmem>>, vector<1x16xf32>,
      %get3A_460 = arith.index_cast %add3A_21 : i32 to index
      %get3A_461 = arith.constant 432 : index
      %get3A_462 = tpu.vector_load %arg8[%get3A_460, %get3A_461] {strides = array<i32>} : memref<64x768xf32, #tpu.memory_space<vmem>>, vector<1x16xf32>,
      %get3A_463 = vector.shape_cast %get3A_462 : vector<1x16xf32> to vector<16xf32>
      %get3A_464 = arith.index_cast %add3A_21 : i32 to index
      %get3A_465 = arith.constant 432 : index
      %get3A_466 = tpu.vector_load %arg9[%get3A_464, %get3A_465] {strides = array<i32>} : memref<64x768xf32, #tpu.memory_space<vmem>>, vector<1x16xf32>,
      %get3A_467 = vector.shape_cast %get3A_466 : vector<1x16xf32> to vector<16xf32>
      %mul3A_468 = arith.mulf %get3A_24, %get3A_463 : vector<16xf32>
      %mul3A_469 = arith.mulf %get3A_28, %get3A_467 : vector<16xf32>
      %add3A_470 = arith.addf %mul3A_468, %mul3A_469 : vector<16xf32>
      %swap3A_471 = arith.index_cast %add3A_21 : i32 to index
      %swap3A_472 = arith.constant 432 : index
      %swap3A_473 = tpu.vector_load %arg8[%swap3A_471, %swap3A_472] {strides = array<i32>} : memref<64x768xf32, #tpu.memory_space<vmem>>, vector<1x16xf32>,
      %swap3A_474 = vector.shape_cast %swap3A_473 : vector<1x16xf32> to vector<16xf32>
      %swap3A_475 = vector.shape_cast %add3A_470 : vector<16xf32> to vector<1x16xf32>
      tpu.vector_store %arg8[%swap3A_471, %swap3A_472], %swap3A_475 {strides = array<i32>} : memref<64x768xf32, #tpu.memory_space<vmem>>, vector<1x16xf32>,
      %get3A_476 = arith.index_cast %add3A_21 : i32 to index
      %get3A_477 = arith.constant 448 : index
      %get3A_478 = tpu.vector_load %arg8[%get3A_476, %get3A_477] {strides = array<i32>} : memref<64x768xf32, #tpu.memory_space<vmem>>, vector<1x16xf32>,
      %get3A_479 = vector.shape_cast %get3A_478 : vector<1x16xf32> to vector<16xf32>
      %get3A_480 = arith.index_cast %add3A_21 : i32 to index
      %get3A_481 = arith.constant 448 : index
      %get3A_482 = tpu.vector_load %arg9[%get3A_480, %get3A_481] {strides = array<i32>} : memref<64x768xf32, #tpu.memory_space<vmem>>, vector<1x16xf32>,
      %get3A_483 = vector.shape_cast %get3A_482 : vector<1x16xf32> to vector<16xf32>
      %mul3A_484 = arith.mulf %get3A_24, %get3A_479 : vector<16xf32>
      %mul3A_485 = arith.mulf %get3A_28, %get3A_483 : vector<16xf32>
      %add3A_486 = arith.addf %mul3A_484, %mul3A_485 : vector<16xf32>
      %swap3A_487 = arith.index_cast %add3A_21 : i32 to index
      %swap3A_488 = arith.constant 448 : index
      %swap3A_489 = tpu.vector_load %arg8[%swap3A_487, %swap3A_488] {strides = array<i32>} : memref<64x768xf32, #tpu.memory_space<vmem>>, vector<1x16xf32>,
      %swap3A_490 = vector.shape_cast %swap3A_489 : vector<1x16xf32> to vector<16xf32>
      %swap3A_491 = vector.shape_cast %add3A_486 : vector<16xf32> to vector<1x16xf32>
      tpu.vector_store %arg8[%swap3A_487, %swap3A_488], %swap3A_491 {strides = array<i32>} : memref<64x768xf32, #tpu.memory_space<vmem>>, vector<1x16xf32>,
      %get3A_492 = arith.index_cast %add3A_21 : i32 to index
      %get3A_493 = arith.constant 464 : index
      %get3A_494 = tpu.vector_load %arg8[%get3A_492, %get3A_493] {strides = array<i32>} : memref<64x768xf32, #tpu.memory_space<vmem>>, vector<1x16xf32>,
      %get3A_495 = vector.shape_cast %get3A_494 : vector<1x16xf32> to vector<16xf32>
      %get3A_496 = arith.index_cast %add3A_21 : i32 to index
      %get3A_497 = arith.constant 464 : index
      %get3A_498 = tpu.vector_load %arg9[%get3A_496, %get3A_497] {strides = array<i32>} : memref<64x768xf32, #tpu.memory_space<vmem>>, vector<1x16xf32>,
      %get3A_499 = vector.shape_cast %get3A_498 : vector<1x16xf32> to vector<16xf32>
      %mul3A_500 = arith.mulf %get3A_24, %get3A_495 : vector<16xf32>
      %mul3A_501 = arith.mulf %get3A_28, %get3A_499 : vector<16xf32>
      %add3A_502 = arith.addf %mul3A_500, %mul3A_501 : vector<16xf32>
      %swap3A_503 = arith.index_cast %add3A_21 : i32 to index
      %swap3A_504 = arith.constant 464 : index
      %swap3A_505 = tpu.vector_load %arg8[%swap3A_503, %swap3A_504] {strides = array<i32>} : memref<64x768xf32, #tpu.memory_space<vmem>>, vector<1x16xf32>,
      %swap3A_506 = vector.shape_cast %swap3A_505 : vector<1x16xf32> to vector<16xf32>
      %swap3A_507 = vector.shape_cast %add3A_502 : vector<16xf32> to vector<1x16xf32>
      tpu.vector_store %arg8[%swap3A_503, %swap3A_504], %swap3A_507 {strides = array<i32>} : memref<64x768xf32, #tpu.memory_space<vmem>>, vector<1x16xf32>,
      %get3A_508 = arith.index_cast %add3A_21 : i32 to index
      %get3A_509 = arith.constant 480 : index
      %get3A_510 = tpu.vector_load %arg8[%get3A_508, %get3A_509] {strides = array<i32>} : memref<64x768xf32, #tpu.memory_space<vmem>>, vector<1x16xf32>,
      %get3A_511 = vector.shape_cast %get3A_510 : vector<1x16xf32> to vector<16xf32>
      %get3A_512 = arith.index_cast %add3A_21 : i32 to index
      %get3A_513 = arith.constant 480 : index
      %get3A_514 = tpu.vector_load %arg9[%get3A_512, %get3A_513] {strides = array<i32>} : memref<64x768xf32, #tpu.memory_space<vmem>>, vector<1x16xf32>,
      %get3A_515 = vector.shape_cast %get3A_514 : vector<1x16xf32> to vector<16xf32>
      %mul3A_516 = arith.mulf %get3A_24, %get3A_511 : vector<16xf32>
      %mul3A_517 = arith.mulf %get3A_28, %get3A_515 : vector<16xf32>
      %add3A_518 = arith.addf %mul3A_516, %mul3A_517 : vector<16xf32>
      %swap3A_519 = arith.index_cast %add3A_21 : i32 to index
      %swap3A_520 = arith.constant 480 : index
      %swap3A_521 = tpu.vector_load %arg8[%swap3A_519, %swap3A_520] {strides = array<i32>} : memref<64x768xf32, #tpu.memory_space<vmem>>, vector<1x16xf32>,
      %swap3A_522 = vector.shape_cast %swap3A_521 : vector<1x16xf32> to vector<16xf32>
      %swap3A_523 = vector.shape_cast %add3A_518 : vector<16xf32> to vector<1x16xf32>
      tpu.vector_store %arg8[%swap3A_519, %swap3A_520], %swap3A_523 {strides = array<i32>} : memref<64x768xf32, #tpu.memory_space<vmem>>, vector<1x16xf32>,
      %get3A_524 = arith.index_cast %add3A_21 : i32 to index
      %get3A_525 = arith.constant 496 : index
      %get3A_526 = tpu.vector_load %arg8[%get3A_524, %get3A_525] {strides = array<i32>} : memref<64x768xf32, #tpu.memory_space<vmem>>, vector<1x16xf32>,
      %get3A_527 = vector.shape_cast %get3A_526 : vector<1x16xf32> to vector<16xf32>
      %get3A_528 = arith.index_cast %add3A_21 : i32 to index
      %get3A_529 = arith.constant 496 : index
      %get3A_530 = tpu.vector_load %arg9[%get3A_528, %get3A_529] {strides = array<i32>} : memref<64x768xf32, #tpu.memory_space<vmem>>, vector<1x16xf32>,
      %get3A_531 = vector.shape_cast %get3A_530 : vector<1x16xf32> to vector<16xf32>
      %mul3A_532 = arith.mulf %get3A_24, %get3A_527 : vector<16xf32>
      %mul3A_533 = arith.mulf %get3A_28, %get3A_531 : vector<16xf32>
      %add3A_534 = arith.addf %mul3A_532, %mul3A_533 : vector<16xf32>
      %swap3A_535 = arith.index_cast %add3A_21 : i32 to index
      %swap3A_536 = arith.constant 496 : index
      %swap3A_537 = tpu.vector_load %arg8[%swap3A_535, %swap3A_536] {strides = array<i32>} : memref<64x768xf32, #tpu.memory_space<vmem>>, vector<1x16xf32>,
      %swap3A_538 = vector.shape_cast %swap3A_537 : vector<1x16xf32> to vector<16xf32>
      %swap3A_539 = vector.shape_cast %add3A_534 : vector<16xf32> to vector<1x16xf32>
      tpu.vector_store %arg8[%swap3A_535, %swap3A_536], %swap3A_539 {strides = array<i32>} : memref<64x768xf32, #tpu.memory_space<vmem>>, vector<1x16xf32>,
      %get3A_540 = arith.index_cast %add3A_21 : i32 to index
      %get3A_541 = arith.constant 512 : index
      %get3A_542 = tpu.vector_load %arg8[%get3A_540, %get3A_541] {strides = array<i32>} : memref<64x768xf32, #tpu.memory_space<vmem>>, vector<1x16xf32>,
      %get3A_543 = vector.shape_cast %get3A_542 : vector<1x16xf32> to vector<16xf32>
      %get3A_544 = arith.index_cast %add3A_21 : i32 to index
      %get3A_545 = arith.constant 512 : index
      %get3A_546 = tpu.vector_load %arg9[%get3A_544, %get3A_545] {strides = array<i32>} : memref<64x768xf32, #tpu.memory_space<vmem>>, vector<1x16xf32>,
      %get3A_547 = vector.shape_cast %get3A_546 : vector<1x16xf32> to vector<16xf32>
      %mul3A_548 = arith.mulf %get3A_24, %get3A_543 : vector<16xf32>
      %mul3A_549 = arith.mulf %get3A_28, %get3A_547 : vector<16xf32>
      %add3A_550 = arith.addf %mul3A_548, %mul3A_549 : vector<16xf32>
      %swap3A_551 = arith.index_cast %add3A_21 : i32 to index
      %swap3A_552 = arith.constant 512 : index
      %swap3A_553 = tpu.vector_load %arg8[%swap3A_551, %swap3A_552] {strides = array<i32>} : memref<64x768xf32, #tpu.memory_space<vmem>>, vector<1x16xf32>,
      %swap3A_554 = vector.shape_cast %swap3A_553 : vector<1x16xf32> to vector<16xf32>
      %swap3A_555 = vector.shape_cast %add3A_550 : vector<16xf32> to vector<1x16xf32>
      tpu.vector_store %arg8[%swap3A_551, %swap3A_552], %swap3A_555 {strides = array<i32>} : memref<64x768xf32, #tpu.memory_space<vmem>>, vector<1x16xf32>,
      %get3A_556 = arith.index_cast %add3A_21 : i32 to index
      %get3A_557 = arith.constant 528 : index
      %get3A_558 = tpu.vector_load %arg8[%get3A_556, %get3A_557] {strides = array<i32>} : memref<64x768xf32, #tpu.memory_space<vmem>>, vector<1x16xf32>,
      %get3A_559 = vector.shape_cast %get3A_558 : vector<1x16xf32> to vector<16xf32>
      %get3A_560 = arith.index_cast %add3A_21 : i32 to index
      %get3A_561 = arith.constant 528 : index
      %get3A_562 = tpu.vector_load %arg9[%get3A_560, %get3A_561] {strides = array<i32>} : memref<64x768xf32, #tpu.memory_space<vmem>>, vector<1x16xf32>,
      %get3A_563 = vector.shape_cast %get3A_562 : vector<1x16xf32> to vector<16xf32>
      %mul3A_564 = arith.mulf %get3A_24, %get3A_559 : vector<16xf32>
      %mul3A_565 = arith.mulf %get3A_28, %get3A_563 : vector<16xf32>
      %add3A_566 = arith.addf %mul3A_564, %mul3A_565 : vector<16xf32>
      %swap3A_567 = arith.index_cast %add3A_21 : i32 to index
      %swap3A_568 = arith.constant 528 : index
      %swap3A_569 = tpu.vector_load %arg8[%swap3A_567, %swap3A_568] {strides = array<i32>} : memref<64x768xf32, #tpu.memory_space<vmem>>, vector<1x16xf32>,
      %swap3A_570 = vector.shape_cast %swap3A_569 : vector<1x16xf32> to vector<16xf32>
      %swap3A_571 = vector.shape_cast %add3A_566 : vector<16xf32> to vector<1x16xf32>
      tpu.vector_store %arg8[%swap3A_567, %swap3A_568], %swap3A_571 {strides = array<i32>} : memref<64x768xf32, #tpu.memory_space<vmem>>, vector<1x16xf32>,
      %get3A_572 = arith.index_cast %add3A_21 : i32 to index
      %get3A_573 = arith.constant 544 : index
      %get3A_574 = tpu.vector_load %arg8[%get3A_572, %get3A_573] {strides = array<i32>} : memref<64x768xf32, #tpu.memory_space<vmem>>, vector<1x16xf32>,
      %get3A_575 = vector.shape_cast %get3A_574 : vector<1x16xf32> to vector<16xf32>
      %get3A_576 = arith.index_cast %add3A_21 : i32 to index
      %get3A_577 = arith.constant 544 : index
      %get3A_578 = tpu.vector_load %arg9[%get3A_576, %get3A_577] {strides = array<i32>} : memref<64x768xf32, #tpu.memory_space<vmem>>, vector<1x16xf32>,
      %get3A_579 = vector.shape_cast %get3A_578 : vector<1x16xf32> to vector<16xf32>
      %mul3A_580 = arith.mulf %get3A_24, %get3A_575 : vector<16xf32>
      %mul3A_581 = arith.mulf %get3A_28, %get3A_579 : vector<16xf32>
      %add3A_582 = arith.addf %mul3A_580, %mul3A_581 : vector<16xf32>
      %swap3A_583 = arith.index_cast %add3A_21 : i32 to index
      %swap3A_584 = arith.constant 544 : index
      %swap3A_585 = tpu.vector_load %arg8[%swap3A_583, %swap3A_584] {strides = array<i32>} : memref<64x768xf32, #tpu.memory_space<vmem>>, vector<1x16xf32>,
      %swap3A_586 = vector.shape_cast %swap3A_585 : vector<1x16xf32> to vector<16xf32>
      %swap3A_587 = vector.shape_cast %add3A_582 : vector<16xf32> to vector<1x16xf32>
      tpu.vector_store %arg8[%swap3A_583, %swap3A_584], %swap3A_587 {strides = array<i32>} : memref<64x768xf32, #tpu.memory_space<vmem>>, vector<1x16xf32>,
      %get3A_588 = arith.index_cast %add3A_21 : i32 to index
      %get3A_589 = arith.constant 560 : index
      %get3A_590 = tpu.vector_load %arg8[%get3A_588, %get3A_589] {strides = array<i32>} : memref<64x768xf32, #tpu.memory_space<vmem>>, vector<1x16xf32>,
      %get3A_591 = vector.shape_cast %get3A_590 : vector<1x16xf32> to vector<16xf32>
      %get3A_592 = arith.index_cast %add3A_21 : i32 to index
      %get3A_593 = arith.constant 560 : index
      %get3A_594 = tpu.vector_load %arg9[%get3A_592, %get3A_593] {strides = array<i32>} : memref<64x768xf32, #tpu.memory_space<vmem>>, vector<1x16xf32>,
      %get3A_595 = vector.shape_cast %get3A_594 : vector<1x16xf32> to vector<16xf32>
      %mul3A_596 = arith.mulf %get3A_24, %get3A_591 : vector<16xf32>
      %mul3A_597 = arith.mulf %get3A_28, %get3A_595 : vector<16xf32>
      %add3A_598 = arith.addf %mul3A_596, %mul3A_597 : vector<16xf32>
      %swap3A_599 = arith.index_cast %add3A_21 : i32 to index
      %swap3A_600 = arith.constant 560 : index
      %swap3A_601 = tpu.vector_load %arg8[%swap3A_599, %swap3A_600] {strides = array<i32>} : memref<64x768xf32, #tpu.memory_space<vmem>>, vector<1x16xf32>,
      %swap3A_602 = vector.shape_cast %swap3A_601 : vector<1x16xf32> to vector<16xf32>
      %swap3A_603 = vector.shape_cast %add3A_598 : vector<16xf32> to vector<1x16xf32>
      tpu.vector_store %arg8[%swap3A_599, %swap3A_600], %swap3A_603 {strides = array<i32>} : memref<64x768xf32, #tpu.memory_space<vmem>>, vector<1x16xf32>,
      %get3A_604 = arith.index_cast %add3A_21 : i32 to index
      %get3A_605 = arith.constant 576 : index
      %get3A_606 = tpu.vector_load %arg8[%get3A_604, %get3A_605] {strides = array<i32>} : memref<64x768xf32, #tpu.memory_space<vmem>>, vector<1x16xf32>,
      %get3A_607 = vector.shape_cast %get3A_606 : vector<1x16xf32> to vector<16xf32>
      %get3A_608 = arith.index_cast %add3A_21 : i32 to index
      %get3A_609 = arith.constant 576 : index
      %get3A_610 = tpu.vector_load %arg9[%get3A_608, %get3A_609] {strides = array<i32>} : memref<64x768xf32, #tpu.memory_space<vmem>>, vector<1x16xf32>,
      %get3A_611 = vector.shape_cast %get3A_610 : vector<1x16xf32> to vector<16xf32>
      %mul3A_612 = arith.mulf %get3A_24, %get3A_607 : vector<16xf32>
      %mul3A_613 = arith.mulf %get3A_28, %get3A_611 : vector<16xf32>
      %add3A_614 = arith.addf %mul3A_612, %mul3A_613 : vector<16xf32>
      %swap3A_615 = arith.index_cast %add3A_21 : i32 to index
      %swap3A_616 = arith.constant 576 : index
      %swap3A_617 = tpu.vector_load %arg8[%swap3A_615, %swap3A_616] {strides = array<i32>} : memref<64x768xf32, #tpu.memory_space<vmem>>, vector<1x16xf32>,
      %swap3A_618 = vector.shape_cast %swap3A_617 : vector<1x16xf32> to vector<16xf32>
      %swap3A_619 = vector.shape_cast %add3A_614 : vector<16xf32> to vector<1x16xf32>
      tpu.vector_store %arg8[%swap3A_615, %swap3A_616], %swap3A_619 {strides = array<i32>} : memref<64x768xf32, #tpu.memory_space<vmem>>, vector<1x16xf32>,
      %get3A_620 = arith.index_cast %add3A_21 : i32 to index
      %get3A_621 = arith.constant 592 : index
      %get3A_622 = tpu.vector_load %arg8[%get3A_620, %get3A_621] {strides = array<i32>} : memref<64x768xf32, #tpu.memory_space<vmem>>, vector<1x16xf32>,
      %get3A_623 = vector.shape_cast %get3A_622 : vector<1x16xf32> to vector<16xf32>
      %get3A_624 = arith.index_cast %add3A_21 : i32 to index
      %get3A_625 = arith.constant 592 : index
      %get3A_626 = tpu.vector_load %arg9[%get3A_624, %get3A_625] {strides = array<i32>} : memref<64x768xf32, #tpu.memory_space<vmem>>, vector<1x16xf32>,
      %get3A_627 = vector.shape_cast %get3A_626 : vector<1x16xf32> to vector<16xf32>
      %mul3A_628 = arith.mulf %get3A_24, %get3A_623 : vector<16xf32>
      %mul3A_629 = arith.mulf %get3A_28, %get3A_627 : vector<16xf32>
      %add3A_630 = arith.addf %mul3A_628, %mul3A_629 : vector<16xf32>
      %swap3A_631 = arith.index_cast %add3A_21 : i32 to index
      %swap3A_632 = arith.constant 592 : index
      %swap3A_633 = tpu.vector_load %arg8[%swap3A_631, %swap3A_632] {strides = array<i32>} : memref<64x768xf32, #tpu.memory_space<vmem>>, vector<1x16xf32>,
      %swap3A_634 = vector.shape_cast %swap3A_633 : vector<1x16xf32> to vector<16xf32>
      %swap3A_635 = vector.shape_cast %add3A_630 : vector<16xf32> to vector<1x16xf32>
      tpu.vector_store %arg8[%swap3A_631, %swap3A_632], %swap3A_635 {strides = array<i32>} : memref<64x768xf32, #tpu.memory_space<vmem>>, vector<1x16xf32>,
      %get3A_636 = arith.index_cast %add3A_21 : i32 to index
      %get3A_637 = arith.constant 608 : index
      %get3A_638 = tpu.vector_load %arg8[%get3A_636, %get3A_637] {strides = array<i32>} : memref<64x768xf32, #tpu.memory_space<vmem>>, vector<1x16xf32>,
      %get3A_639 = vector.shape_cast %get3A_638 : vector<1x16xf32> to vector<16xf32>
      %get3A_640 = arith.index_cast %add3A_21 : i32 to index
      %get3A_641 = arith.constant 608 : index
      %get3A_642 = tpu.vector_load %arg9[%get3A_640, %get3A_641] {strides = array<i32>} : memref<64x768xf32, #tpu.memory_space<vmem>>, vector<1x16xf32>,
      %get3A_643 = vector.shape_cast %get3A_642 : vector<1x16xf32> to vector<16xf32>
      %mul3A_644 = arith.mulf %get3A_24, %get3A_639 : vector<16xf32>
      %mul3A_645 = arith.mulf %get3A_28, %get3A_643 : vector<16xf32>
      %add3A_646 = arith.addf %mul3A_644, %mul3A_645 : vector<16xf32>
      %swap3A_647 = arith.index_cast %add3A_21 : i32 to index
      %swap3A_648 = arith.constant 608 : index
      %swap3A_649 = tpu.vector_load %arg8[%swap3A_647, %swap3A_648] {strides = array<i32>} : memref<64x768xf32, #tpu.memory_space<vmem>>, vector<1x16xf32>,
      %swap3A_650 = vector.shape_cast %swap3A_649 : vector<1x16xf32> to vector<16xf32>
      %swap3A_651 = vector.shape_cast %add3A_646 : vector<16xf32> to vector<1x16xf32>
      tpu.vector_store %arg8[%swap3A_647, %swap3A_648], %swap3A_651 {strides = array<i32>} : memref<64x768xf32, #tpu.memory_space<vmem>>, vector<1x16xf32>,
      %get3A_652 = arith.index_cast %add3A_21 : i32 to index
      %get3A_653 = arith.constant 624 : index
      %get3A_654 = tpu.vector_load %arg8[%get3A_652, %get3A_653] {strides = array<i32>} : memref<64x768xf32, #tpu.memory_space<vmem>>, vector<1x16xf32>,
      %get3A_655 = vector.shape_cast %get3A_654 : vector<1x16xf32> to vector<16xf32>
      %get3A_656 = arith.index_cast %add3A_21 : i32 to index
      %get3A_657 = arith.constant 624 : index
      %get3A_658 = tpu.vector_load %arg9[%get3A_656, %get3A_657] {strides = array<i32>} : memref<64x768xf32, #tpu.memory_space<vmem>>, vector<1x16xf32>,
      %get3A_659 = vector.shape_cast %get3A_658 : vector<1x16xf32> to vector<16xf32>
      %mul3A_660 = arith.mulf %get3A_24, %get3A_655 : vector<16xf32>
      %mul3A_661 = arith.mulf %get3A_28, %get3A_659 : vector<16xf32>
      %add3A_662 = arith.addf %mul3A_660, %mul3A_661 : vector<16xf32>
      %swap3A_663 = arith.index_cast %add3A_21 : i32 to index
      %swap3A_664 = arith.constant 624 : index
      %swap3A_665 = tpu.vector_load %arg8[%swap3A_663, %swap3A_664] {strides = array<i32>} : memref<64x768xf32, #tpu.memory_space<vmem>>, vector<1x16xf32>,
      %swap3A_666 = vector.shape_cast %swap3A_665 : vector<1x16xf32> to vector<16xf32>
      %swap3A_667 = vector.shape_cast %add3A_662 : vector<16xf32> to vector<1x16xf32>
      tpu.vector_store %arg8[%swap3A_663, %swap3A_664], %swap3A_667 {strides = array<i32>} : memref<64x768xf32, #tpu.memory_space<vmem>>, vector<1x16xf32>,
      %get3A_668 = arith.index_cast %add3A_21 : i32 to index
      %get3A_669 = arith.constant 640 : index
      %get3A_670 = tpu.vector_load %arg8[%get3A_668, %get3A_669] {strides = array<i32>} : memref<64x768xf32, #tpu.memory_space<vmem>>, vector<1x16xf32>,
      %get3A_671 = vector.shape_cast %get3A_670 : vector<1x16xf32> to vector<16xf32>
      %get3A_672 = arith.index_cast %add3A_21 : i32 to index
      %get3A_673 = arith.constant 640 : index
      %get3A_674 = tpu.vector_load %arg9[%get3A_672, %get3A_673] {strides = array<i32>} : memref<64x768xf32, #tpu.memory_space<vmem>>, vector<1x16xf32>,
      %get3A_675 = vector.shape_cast %get3A_674 : vector<1x16xf32> to vector<16xf32>
      %mul3A_676 = arith.mulf %get3A_24, %get3A_671 : vector<16xf32>
      %mul3A_677 = arith.mulf %get3A_28, %get3A_675 : vector<16xf32>
      %add3A_678 = arith.addf %mul3A_676, %mul3A_677 : vector<16xf32>
      %swap3A_679 = arith.index_cast %add3A_21 : i32 to index
      %swap3A_680 = arith.constant 640 : index
      %swap3A_681 = tpu.vector_load %arg8[%swap3A_679, %swap3A_680] {strides = array<i32>} : memref<64x768xf32, #tpu.memory_space<vmem>>, vector<1x16xf32>,
      %swap3A_682 = vector.shape_cast %swap3A_681 : vector<1x16xf32> to vector<16xf32>
      %swap3A_683 = vector.shape_cast %add3A_678 : vector<16xf32> to vector<1x16xf32>
      tpu.vector_store %arg8[%swap3A_679, %swap3A_680], %swap3A_683 {strides = array<i32>} : memref<64x768xf32, #tpu.memory_space<vmem>>, vector<1x16xf32>,
      %get3A_684 = arith.index_cast %add3A_21 : i32 to index
      %get3A_685 = arith.constant 656 : index
      %get3A_686 = tpu.vector_load %arg8[%get3A_684, %get3A_685] {strides = array<i32>} : memref<64x768xf32, #tpu.memory_space<vmem>>, vector<1x16xf32>,
      %get3A_687 = vector.shape_cast %get3A_686 : vector<1x16xf32> to vector<16xf32>
      %get3A_688 = arith.index_cast %add3A_21 : i32 to index
      %get3A_689 = arith.constant 656 : index
      %get3A_690 = tpu.vector_load %arg9[%get3A_688, %get3A_689] {strides = array<i32>} : memref<64x768xf32, #tpu.memory_space<vmem>>, vector<1x16xf32>,
      %get3A_691 = vector.shape_cast %get3A_690 : vector<1x16xf32> to vector<16xf32>
      %mul3A_692 = arith.mulf %get3A_24, %get3A_687 : vector<16xf32>
      %mul3A_693 = arith.mulf %get3A_28, %get3A_691 : vector<16xf32>
      %add3A_694 = arith.addf %mul3A_692, %mul3A_693 : vector<16xf32>
      %swap3A_695 = arith.index_cast %add3A_21 : i32 to index
      %swap3A_696 = arith.constant 656 : index
      %swap3A_697 = tpu.vector_load %arg8[%swap3A_695, %swap3A_696] {strides = array<i32>} : memref<64x768xf32, #tpu.memory_space<vmem>>, vector<1x16xf32>,
      %swap3A_698 = vector.shape_cast %swap3A_697 : vector<1x16xf32> to vector<16xf32>
      %swap3A_699 = vector.shape_cast %add3A_694 : vector<16xf32> to vector<1x16xf32>
      tpu.vector_store %arg8[%swap3A_695, %swap3A_696], %swap3A_699 {strides = array<i32>} : memref<64x768xf32, #tpu.memory_space<vmem>>, vector<1x16xf32>,
      %get3A_700 = arith.index_cast %add3A_21 : i32 to index
      %get3A_701 = arith.constant 672 : index
      %get3A_702 = tpu.vector_load %arg8[%get3A_700, %get3A_701] {strides = array<i32>} : memref<64x768xf32, #tpu.memory_space<vmem>>, vector<1x16xf32>,
      %get3A_703 = vector.shape_cast %get3A_702 : vector<1x16xf32> to vector<16xf32>
      %get3A_704 = arith.index_cast %add3A_21 : i32 to index
      %get3A_705 = arith.constant 672 : index
      %get3A_706 = tpu.vector_load %arg9[%get3A_704, %get3A_705] {strides = array<i32>} : memref<64x768xf32, #tpu.memory_space<vmem>>, vector<1x16xf32>,
      %get3A_707 = vector.shape_cast %get3A_706 : vector<1x16xf32> to vector<16xf32>
      %mul3A_708 = arith.mulf %get3A_24, %get3A_703 : vector<16xf32>
      %mul3A_709 = arith.mulf %get3A_28, %get3A_707 : vector<16xf32>
      %add3A_710 = arith.addf %mul3A_708, %mul3A_709 : vector<16xf32>
      %swap3A_711 = arith.index_cast %add3A_21 : i32 to index
      %swap3A_712 = arith.constant 672 : index
      %swap3A_713 = tpu.vector_load %arg8[%swap3A_711, %swap3A_712] {strides = array<i32>} : memref<64x768xf32, #tpu.memory_space<vmem>>, vector<1x16xf32>,
      %swap3A_714 = vector.shape_cast %swap3A_713 : vector<1x16xf32> to vector<16xf32>
      %swap3A_715 = vector.shape_cast %add3A_710 : vector<16xf32> to vector<1x16xf32>
      tpu.vector_store %arg8[%swap3A_711, %swap3A_712], %swap3A_715 {strides = array<i32>} : memref<64x768xf32, #tpu.memory_space<vmem>>, vector<1x16xf32>,
      %get3A_716 = arith.index_cast %add3A_21 : i32 to index
      %get3A_717 = arith.constant 688 : index
      %get3A_718 = tpu.vector_load %arg8[%get3A_716, %get3A_717] {strides = array<i32>} : memref<64x768xf32, #tpu.memory_space<vmem>>, vector<1x16xf32>,
      %get3A_719 = vector.shape_cast %get3A_718 : vector<1x16xf32> to vector<16xf32>
      %get3A_720 = arith.index_cast %add3A_21 : i32 to index
      %get3A_721 = arith.constant 688 : index
      %get3A_722 = tpu.vector_load %arg9[%get3A_720, %get3A_721] {strides = array<i32>} : memref<64x768xf32, #tpu.memory_space<vmem>>, vector<1x16xf32>,
      %get3A_723 = vector.shape_cast %get3A_722 : vector<1x16xf32> to vector<16xf32>
      %mul3A_724 = arith.mulf %get3A_24, %get3A_719 : vector<16xf32>
      %mul3A_725 = arith.mulf %get3A_28, %get3A_723 : vector<16xf32>
      %add3A_726 = arith.addf %mul3A_724, %mul3A_725 : vector<16xf32>
      %swap3A_727 = arith.index_cast %add3A_21 : i32 to index
      %swap3A_728 = arith.constant 688 : index
      %swap3A_729 = tpu.vector_load %arg8[%swap3A_727, %swap3A_728] {strides = array<i32>} : memref<64x768xf32, #tpu.memory_space<vmem>>, vector<1x16xf32>,
      %swap3A_730 = vector.shape_cast %swap3A_729 : vector<1x16xf32> to vector<16xf32>
      %swap3A_731 = vector.shape_cast %add3A_726 : vector<16xf32> to vector<1x16xf32>
      tpu.vector_store %arg8[%swap3A_727, %swap3A_728], %swap3A_731 {strides = array<i32>} : memref<64x768xf32, #tpu.memory_space<vmem>>, vector<1x16xf32>,
      %get3A_732 = arith.index_cast %add3A_21 : i32 to index
      %get3A_733 = arith.constant 704 : index
      %get3A_734 = tpu.vector_load %arg8[%get3A_732, %get3A_733] {strides = array<i32>} : memref<64x768xf32, #tpu.memory_space<vmem>>, vector<1x16xf32>,
      %get3A_735 = vector.shape_cast %get3A_734 : vector<1x16xf32> to vector<16xf32>
      %get3A_736 = arith.index_cast %add3A_21 : i32 to index
      %get3A_737 = arith.constant 704 : index
      %get3A_738 = tpu.vector_load %arg9[%get3A_736, %get3A_737] {strides = array<i32>} : memref<64x768xf32, #tpu.memory_space<vmem>>, vector<1x16xf32>,
      %get3A_739 = vector.shape_cast %get3A_738 : vector<1x16xf32> to vector<16xf32>
      %mul3A_740 = arith.mulf %get3A_24, %get3A_735 : vector<16xf32>
      %mul3A_741 = arith.mulf %get3A_28, %get3A_739 : vector<16xf32>
      %add3A_742 = arith.addf %mul3A_740, %mul3A_741 : vector<16xf32>
      %swap3A_743 = arith.index_cast %add3A_21 : i32 to index
      %swap3A_744 = arith.constant 704 : index
      %swap3A_745 = tpu.vector_load %arg8[%swap3A_743, %swap3A_744] {strides = array<i32>} : memref<64x768xf32, #tpu.memory_space<vmem>>, vector<1x16xf32>,
      %swap3A_746 = vector.shape_cast %swap3A_745 : vector<1x16xf32> to vector<16xf32>
      %swap3A_747 = vector.shape_cast %add3A_742 : vector<16xf32> to vector<1x16xf32>
      tpu.vector_store %arg8[%swap3A_743, %swap3A_744], %swap3A_747 {strides = array<i32>} : memref<64x768xf32, #tpu.memory_space<vmem>>, vector<1x16xf32>,
      %get3A_748 = arith.index_cast %add3A_21 : i32 to index
      %get3A_749 = arith.constant 720 : index
      %get3A_750 = tpu.vector_load %arg8[%get3A_748, %get3A_749] {strides = array<i32>} : memref<64x768xf32, #tpu.memory_space<vmem>>, vector<1x16xf32>,
      %get3A_751 = vector.shape_cast %get3A_750 : vector<1x16xf32> to vector<16xf32>
      %get3A_752 = arith.index_cast %add3A_21 : i32 to index
      %get3A_753 = arith.constant 720 : index
      %get3A_754 = tpu.vector_load %arg9[%get3A_752, %get3A_753] {strides = array<i32>} : memref<64x768xf32, #tpu.memory_space<vmem>>, vector<1x16xf32>,
      %get3A_755 = vector.shape_cast %get3A_754 : vector<1x16xf32> to vector<16xf32>
      %mul3A_756 = arith.mulf %get3A_24, %get3A_751 : vector<16xf32>
      %mul3A_757 = arith.mulf %get3A_28, %get3A_755 : vector<16xf32>
      %add3A_758 = arith.addf %mul3A_756, %mul3A_757 : vector<16xf32>
      %swap3A_759 = arith.index_cast %add3A_21 : i32 to index
      %swap3A_760 = arith.constant 720 : index
      %swap3A_761 = tpu.vector_load %arg8[%swap3A_759, %swap3A_760] {strides = array<i32>} : memref<64x768xf32, #tpu.memory_space<vmem>>, vector<1x16xf32>,
      %swap3A_762 = vector.shape_cast %swap3A_761 : vector<1x16xf32> to vector<16xf32>
      %swap3A_763 = vector.shape_cast %add3A_758 : vector<16xf32> to vector<1x16xf32>
      tpu.vector_store %arg8[%swap3A_759, %swap3A_760], %swap3A_763 {strides = array<i32>} : memref<64x768xf32, #tpu.memory_space<vmem>>, vector<1x16xf32>,
      %get3A_764 = arith.index_cast %add3A_21 : i32 to index
      %get3A_765 = arith.constant 736 : index
      %get3A_766 = tpu.vector_load %arg8[%get3A_764, %get3A_765] {strides = array<i32>} : memref<64x768xf32, #tpu.memory_space<vmem>>, vector<1x16xf32>,
      %get3A_767 = vector.shape_cast %get3A_766 : vector<1x16xf32> to vector<16xf32>
      %get3A_768 = arith.index_cast %add3A_21 : i32 to index
      %get3A_769 = arith.constant 736 : index
      %get3A_770 = tpu.vector_load %arg9[%get3A_768, %get3A_769] {strides = array<i32>} : memref<64x768xf32, #tpu.memory_space<vmem>>, vector<1x16xf32>,
      %get3A_771 = vector.shape_cast %get3A_770 : vector<1x16xf32> to vector<16xf32>
      %mul3A_772 = arith.mulf %get3A_24, %get3A_767 : vector<16xf32>
      %mul3A_773 = arith.mulf %get3A_28, %get3A_771 : vector<16xf32>
      %add3A_774 = arith.addf %mul3A_772, %mul3A_773 : vector<16xf32>
      %swap3A_775 = arith.index_cast %add3A_21 : i32 to index
      %swap3A_776 = arith.constant 736 : index
      %swap3A_777 = tpu.vector_load %arg8[%swap3A_775, %swap3A_776] {strides = array<i32>} : memref<64x768xf32, #tpu.memory_space<vmem>>, vector<1x16xf32>,
      %swap3A_778 = vector.shape_cast %swap3A_777 : vector<1x16xf32> to vector<16xf32>
      %swap3A_779 = vector.shape_cast %add3A_774 : vector<16xf32> to vector<1x16xf32>
      tpu.vector_store %arg8[%swap3A_775, %swap3A_776], %swap3A_779 {strides = array<i32>} : memref<64x768xf32, #tpu.memory_space<vmem>>, vector<1x16xf32>,
      %get3A_780 = arith.index_cast %add3A_21 : i32 to index
      %get3A_781 = arith.constant 752 : index
      %get3A_782 = tpu.vector_load %arg8[%get3A_780, %get3A_781] {strides = array<i32>} : memref<64x768xf32, #tpu.memory_space<vmem>>, vector<1x16xf32>,
      %get3A_783 = vector.shape_cast %get3A_782 : vector<1x16xf32> to vector<16xf32>
      %get3A_784 = arith.index_cast %add3A_21 : i32 to index
      %get3A_785 = arith.constant 752 : index
      %get3A_786 = tpu.vector_load %arg9[%get3A_784, %get3A_785] {strides = array<i32>} : memref<64x768xf32, #tpu.memory_space<vmem>>, vector<1x16xf32>,
      %get3A_787 = vector.shape_cast %get3A_786 : vector<1x16xf32> to vector<16xf32>
      %mul3A_788 = arith.mulf %get3A_24, %get3A_783 : vector<16xf32>
      %mul3A_789 = arith.mulf %get3A_28, %get3A_787 : vector<16xf32>
      %add3A_790 = arith.addf %mul3A_788, %mul3A_789 : vector<16xf32>
      %swap3A_791 = arith.index_cast %add3A_21 : i32 to index
      %swap3A_792 = arith.constant 752 : index
      %swap3A_793 = tpu.vector_load %arg8[%swap3A_791, %swap3A_792] {strides = array<i32>} : memref<64x768xf32, #tpu.memory_space<vmem>>, vector<1x16xf32>,
      %swap3A_794 = vector.shape_cast %swap3A_793 : vector<1x16xf32> to vector<16xf32>
      %swap3A_795 = vector.shape_cast %add3A_790 : vector<16xf32> to vector<1x16xf32>
      tpu.vector_store %arg8[%swap3A_791, %swap3A_792], %swap3A_795 {strides = array<i32>} : memref<64x768xf32, #tpu.memory_space<vmem>>, vector<1x16xf32>,
    }
    %scan3A_16 = arith.constant 64 : i32
    "tpu.region"() ({
      %run_scoped3A = tpu.sem_alloc : memref<!tpu.dma_semaphore, #tpu.memory_space<semaphore_mem>>
      %dma_start3A_17 = arith.constant 0 : i32
      %dma_start3A_18 = tpu.memref_slice %arg7[%mul3A_2, %dma_start3A_17] : memref<2048x768xf32, #tpu.memory_space<hbm>> -> memref<64x768xf32, #tpu.memory_space<hbm>>
      %dma_start3A_19 = arith.constant 0 : i32
      %dma_start3A_20 = tpu.memref_slice %arg7[%mul3A_2, %dma_start3A_19] : memref<2048x768xf32, #tpu.memory_space<hbm>> -> memref<64x768xf32, #tpu.memory_space<hbm>>
      tpu.enqueue_dma source(%arg8 : memref<64x768xf32, #tpu.memory_space<vmem>>) target(%dma_start3A_20 : memref<64x768xf32, #tpu.memory_space<hbm>>) target_semaphore(%run_scoped3A : memref<!tpu.dma_semaphore, #tpu.memory_space<semaphore_mem>>)
      %dma_wait3A_21 = arith.constant 0 : i32
      %dma_wait3A_22 = tpu.memref_slice %arg7[%mul3A_2, %dma_wait3A_21] : memref<2048x768xf32, #tpu.memory_space<hbm>> -> memref<64x768xf32, #tpu.memory_space<hbm>>
      %dma_wait3A_23 = arith.constant 0 : i32
      %dma_wait3A_24 = tpu.memref_slice %arg7[%mul3A_2, %dma_wait3A_23] : memref<2048x768xf32, #tpu.memory_space<hbm>> -> memref<64x768xf32, #tpu.memory_space<hbm>>
      tpu.wait_dma2 semaphore(%run_scoped3A : memref<!tpu.dma_semaphore, #tpu.memory_space<semaphore_mem>>) src(%arg8 : memref<64x768xf32, #tpu.memory_space<vmem>>) dst(%dma_wait3A_24 : memref<64x768xf32, #tpu.memory_space<hbm>>)
      tpu.yield
    }) : () -> ()
    return
  }
}

#map = affine_map<(d0, d1) -> (0, 0)>
#map1 = affine_map<(d0, d1) -> (0)>
module attributes {stable_mosaic.version = 14 : i64} {
  func.func @scatter_rows(%arg0: i32, %arg1: i32, %arg2: memref<2048x768xf32, #tpu.memory_space<hbm>>, %arg3: memref<2048xi32, #tpu.memory_space<hbm>>, %arg4: memref<2048xi32, #tpu.memory_space<hbm>>, %arg5: memref<6144x768xf32, #tpu.memory_space<hbm>>, %arg6: memref<64x768xf32, #tpu.memory_space<vmem>>, %arg7: memref<64xi32, #tpu.memory_space<vmem>>, %arg8: memref<64xi32, #tpu.memory_space<vmem>>, %arg9: memref<!tpu.dma_semaphore, #tpu.memory_space<semaphore_mem>>) attributes {dimension_semantics = [#tpu.dimension_semantics<core_parallel>, #tpu.dimension_semantics<subcore_parallel>], iteration_bounds = array<i64: 2, 16>, scalar_prefetch = 0 : i64, scratch_operands = 4 : i64, tpu.core_type = #tpu.core_type<sc_vector_subcore>, window_params = [{transform_indices = #map}, {transform_indices = #map1}, {transform_indices = #map1}, {transform_indices = #map}]} {
    %mul3A = arith.constant 2 : i32
    %mul3A_0 = arith.muli %arg1, %mul3A : i32
    %add3A = arith.addi %mul3A_0, %arg0 : i32
    %mul3A_1 = arith.constant 64 : i32
    %mul3A_2 = arith.muli %add3A, %mul3A_1 : i32
    "tpu.region"() ({
      %run_scoped3A = tpu.sem_alloc : memref<!tpu.dma_semaphore, #tpu.memory_space<semaphore_mem>>
      %dma_start3A_13 = arith.constant 0 : i32
      %dma_start3A_14 = tpu.memref_slice %arg2[%mul3A_2, %dma_start3A_13] : memref<2048x768xf32, #tpu.memory_space<hbm>> -> memref<64x768xf32, #tpu.memory_space<hbm>>
      %dma_start3A_15 = arith.constant 0 : i32
      %dma_start3A_16 = tpu.memref_slice %arg2[%mul3A_2, %dma_start3A_15] : memref<2048x768xf32, #tpu.memory_space<hbm>> -> memref<64x768xf32, #tpu.memory_space<hbm>>
      tpu.enqueue_dma source(%dma_start3A_16 : memref<64x768xf32, #tpu.memory_space<hbm>>) target(%arg6 : memref<64x768xf32, #tpu.memory_space<vmem>>) target_semaphore(%run_scoped3A : memref<!tpu.dma_semaphore, #tpu.memory_space<semaphore_mem>>)
      %dma_wait3A_17 = arith.constant 0 : i32
      %dma_wait3A_18 = tpu.memref_slice %arg2[%mul3A_2, %dma_wait3A_17] : memref<2048x768xf32, #tpu.memory_space<hbm>> -> memref<64x768xf32, #tpu.memory_space<hbm>>
      %dma_wait3A_19 = arith.constant 0 : i32
      %dma_wait3A_20 = tpu.memref_slice %arg2[%mul3A_2, %dma_wait3A_19] : memref<2048x768xf32, #tpu.memory_space<hbm>> -> memref<64x768xf32, #tpu.memory_space<hbm>>
      tpu.wait_dma2 semaphore(%run_scoped3A : memref<!tpu.dma_semaphore, #tpu.memory_space<semaphore_mem>>) src(%dma_wait3A_20 : memref<64x768xf32, #tpu.memory_space<hbm>>) dst(%arg6 : memref<64x768xf32, #tpu.memory_space<vmem>>)
      tpu.yield
    }) : () -> ()
    "tpu.region"() ({
      %run_scoped3A = tpu.sem_alloc : memref<!tpu.dma_semaphore, #tpu.memory_space<semaphore_mem>>
      %dma_start3A_13 = tpu.memref_slice %arg3[%mul3A_2] : memref<2048xi32, #tpu.memory_space<hbm>> -> memref<64xi32, #tpu.memory_space<hbm>>
      %dma_start3A_14 = tpu.memref_slice %arg3[%mul3A_2] : memref<2048xi32, #tpu.memory_space<hbm>> -> memref<64xi32, #tpu.memory_space<hbm>>
      tpu.enqueue_dma source(%dma_start3A_14 : memref<64xi32, #tpu.memory_space<hbm>>) target(%arg7 : memref<64xi32, #tpu.memory_space<vmem>>) target_semaphore(%run_scoped3A : memref<!tpu.dma_semaphore, #tpu.memory_space<semaphore_mem>>)
      %dma_wait3A_15 = tpu.memref_slice %arg3[%mul3A_2] : memref<2048xi32, #tpu.memory_space<hbm>> -> memref<64xi32, #tpu.memory_space<hbm>>
      %dma_wait3A_16 = tpu.memref_slice %arg3[%mul3A_2] : memref<2048xi32, #tpu.memory_space<hbm>> -> memref<64xi32, #tpu.memory_space<hbm>>
      tpu.wait_dma2 semaphore(%run_scoped3A : memref<!tpu.dma_semaphore, #tpu.memory_space<semaphore_mem>>) src(%dma_wait3A_16 : memref<64xi32, #tpu.memory_space<hbm>>) dst(%arg7 : memref<64xi32, #tpu.memory_space<vmem>>)
      tpu.yield
    }) : () -> ()
    "tpu.region"() ({
      %run_scoped3A = tpu.sem_alloc : memref<!tpu.dma_semaphore, #tpu.memory_space<semaphore_mem>>
      %dma_start3A_13 = tpu.memref_slice %arg4[%mul3A_2] : memref<2048xi32, #tpu.memory_space<hbm>> -> memref<64xi32, #tpu.memory_space<hbm>>
      %dma_start3A_14 = tpu.memref_slice %arg4[%mul3A_2] : memref<2048xi32, #tpu.memory_space<hbm>> -> memref<64xi32, #tpu.memory_space<hbm>>
      tpu.enqueue_dma source(%dma_start3A_14 : memref<64xi32, #tpu.memory_space<hbm>>) target(%arg8 : memref<64xi32, #tpu.memory_space<vmem>>) target_semaphore(%run_scoped3A : memref<!tpu.dma_semaphore, #tpu.memory_space<semaphore_mem>>)
      %dma_wait3A_15 = tpu.memref_slice %arg4[%mul3A_2] : memref<2048xi32, #tpu.memory_space<hbm>> -> memref<64xi32, #tpu.memory_space<hbm>>
      %dma_wait3A_16 = tpu.memref_slice %arg4[%mul3A_2] : memref<2048xi32, #tpu.memory_space<hbm>> -> memref<64xi32, #tpu.memory_space<hbm>>
      tpu.wait_dma2 semaphore(%run_scoped3A : memref<!tpu.dma_semaphore, #tpu.memory_space<semaphore_mem>>) src(%dma_wait3A_16 : memref<64xi32, #tpu.memory_space<hbm>>) dst(%arg8 : memref<64xi32, #tpu.memory_space<vmem>>)
      tpu.yield
    }) : () -> ()
    %dma_start3A = arith.constant 0 : i32
    %dma_start3A_3 = arith.constant 0 : i32
    %dma_start3A_4 = tpu.memref_slice %arg5[%dma_start3A, %dma_start3A_3] : memref<6144x768xf32, #tpu.memory_space<hbm>> -> memref<6144x768xf32, #tpu.memory_space<hbm>>
    tpu.enqueue_indirect_dma source(%arg6 : memref<64x768xf32, #tpu.memory_space<vmem>>) target(%dma_start3A_4 : memref<6144x768xf32, #tpu.memory_space<hbm>>) offsets(%arg7 : memref<64xi32, #tpu.memory_space<vmem>>) semaphore(%arg9 : memref<!tpu.dma_semaphore, #tpu.memory_space<semaphore_mem>>)
    %dma_wait3A = arith.constant 0 : i32
    %dma_wait3A_5 = arith.constant 0 : i32
    %dma_wait3A_6 = tpu.memref_slice %arg5[%dma_wait3A, %dma_wait3A_5] : memref<6144x768xf32, #tpu.memory_space<hbm>> -> memref<6144x768xf32, #tpu.memory_space<hbm>>
    tpu.wait_indirect_dma semaphore(%arg9 : memref<!tpu.dma_semaphore, #tpu.memory_space<semaphore_mem>>) src(%arg6 : memref<64x768xf32, #tpu.memory_space<vmem>>) dst(%dma_wait3A_6 : memref<6144x768xf32, #tpu.memory_space<hbm>>)
    %dma_start3A_7 = arith.constant 0 : i32
    %dma_start3A_8 = arith.constant 0 : i32
    %dma_start3A_9 = tpu.memref_slice %arg5[%dma_start3A_7, %dma_start3A_8] : memref<6144x768xf32, #tpu.memory_space<hbm>> -> memref<6144x768xf32, #tpu.memory_space<hbm>>
    tpu.enqueue_indirect_dma source(%arg6 : memref<64x768xf32, #tpu.memory_space<vmem>>) target(%dma_start3A_9 : memref<6144x768xf32, #tpu.memory_space<hbm>>) offsets(%arg8 : memref<64xi32, #tpu.memory_space<vmem>>) semaphore(%arg9 : memref<!tpu.dma_semaphore, #tpu.memory_space<semaphore_mem>>)
    %dma_wait3A_10 = arith.constant 0 : i32
    %dma_wait3A_11 = arith.constant 0 : i32
    %dma_wait3A_12 = tpu.memref_slice %arg5[%dma_wait3A_10, %dma_wait3A_11] : memref<6144x768xf32, #tpu.memory_space<hbm>> -> memref<6144x768xf32, #tpu.memory_space<hbm>>
    tpu.wait_indirect_dma semaphore(%arg9 : memref<!tpu.dma_semaphore, #tpu.memory_space<semaphore_mem>>) src(%arg6 : memref<64x768xf32, #tpu.memory_space<vmem>>) dst(%dma_wait3A_12 : memref<6144x768xf32, #tpu.memory_space<hbm>>)
    return
  }
}

module attributes {stable_mosaic.version = 14 : i64} {
  func.func @_gate_body(%arg0: memref<2048x768xf32, #tpu.memory_space<vmem>>, %arg1: memref<2048x64xf32, #tpu.memory_space<vmem>>, %arg2: memref<832x8xf32, #tpu.memory_space<vmem>>, %arg3: memref<1x8xf32, #tpu.memory_space<vmem>>, %arg4: memref<2048x1xi32, #tpu.memory_space<vmem>>, %arg5: memref<2048x1xi32, #tpu.memory_space<vmem>>, %arg6: memref<2048x16xf32, #tpu.memory_space<vmem>>, %arg7: memref<2048x16xf32, #tpu.memory_space<vmem>>, %arg8: memref<1x128xi32, #tpu.memory_space<vmem>>, %arg9: memref<1x128xi32, #tpu.memory_space<vmem>>) attributes {dimension_semantics = [], scalar_prefetch = 0 : i64, scratch_operands = 0 : i64, tpu.core_type = #tpu.core_type<tc>} {
    %get3A = arith.constant 0 : index
    %get3A_0 = arith.constant 0 : index
    %get3A_1 = vector.load %arg0[%get3A, %get3A_0] : memref<2048x768xf32, #tpu.memory_space<vmem>>, vector<2048x768xf32>
    %get3A_2 = arith.constant 0 : index
    %get3A_3 = arith.constant 0 : index
    %get3A_4 = vector.load %arg1[%get3A_2, %get3A_3] : memref<2048x64xf32, #tpu.memory_space<vmem>>, vector<2048x64xf32>
    %concatenate3A = tpu.concatenate %get3A_1, %get3A_4 in 1 : vector<2048x768xf32>, vector<2048x64xf32> -> vector<2048x832xf32>
    %get3A_5 = arith.constant 0 : index
    %get3A_6 = arith.constant 0 : index
    %get3A_7 = vector.load %arg2[%get3A_5, %get3A_6] : memref<832x8xf32, #tpu.memory_space<vmem>>, vector<832x8xf32>
    %dot_general3A = arith.constant dense<0.000000e+00> : vector<2048x8xf32>
    %dot_general3A_8 = tpu.matmul %concatenate3A, %get3A_7, %dot_general3A {dimension_numbers = #tpu.dot_dimension_numbers<[1], [0], [0], [1], [0, 0, 1, 1], [], []>, transpose_lhs_hint = false} : vector<2048x832xf32>, vector<832x8xf32>, vector<2048x8xf32> -> vector<2048x8xf32>
    %get3A_9 = arith.constant 0 : index
    %get3A_10 = arith.constant 0 : index
    %get3A_11 = vector.load %arg3[%get3A_9, %get3A_10] : memref<1x8xf32, #tpu.memory_space<vmem>>, vector<1x8xf32>
    %add3A = vector.broadcast %get3A_11 : vector<1x8xf32> to vector<2048x8xf32>
    %add3A_12 = arith.addf %dot_general3A_8, %add3A : vector<2048x8xf32>
    %iota3A = tpu.iota {dimensions = array<i32: 1>} : vector<2048x8xi32>
    %reduce_max3A = arith.constant dense<0xFF800000> : vector<2048xf32>
    %reduce_max3A_13 = vector.multi_reduction <maximumf>, %add3A_12, %reduce_max3A [1] : vector<2048x8xf32> to vector<2048xf32>
    %broadcast_in_dim3A = vector.shape_cast %reduce_max3A_13 : vector<2048xf32> to vector<2048x1xf32>
    %eq3A = vector.broadcast %broadcast_in_dim3A : vector<2048x1xf32> to vector<2048x8xf32>
    %eq3A_14 = arith.cmpf oeq, %add3A_12, %eq3A : vector<2048x8xf32>
    %jit3A = arith.constant 8 : i32
    %broadcast_in_dim3A_15 = vector.broadcast %jit3A : i32 to vector<2048x8xi32>
    %select_n3A = arith.select %eq3A_14, %iota3A, %broadcast_in_dim3A_15 : vector<2048x8xi1>, vector<2048x8xi32>
    %reduce_min3A = arith.constant dense<2147483647> : vector<2048xi32>
    %reduce_min3A_16 = vector.multi_reduction <minsi>, %select_n3A, %reduce_min3A [1] : vector<2048x8xi32> to vector<2048xi32>
    %broadcast_in_dim3A_17 = vector.shape_cast %reduce_min3A_16 : vector<2048xi32> to vector<2048x1xi32>
    %eq3A_18 = vector.broadcast %broadcast_in_dim3A_17 : vector<2048x1xi32> to vector<2048x8xi32>
    %eq3A_19 = arith.cmpi eq, %iota3A, %eq3A_18 : vector<2048x8xi32>
    %jit3A_20 = arith.constant 0xFF800000 : f32
    %broadcast_in_dim3A_21 = vector.broadcast %jit3A_20 : f32 to vector<2048x8xf32>
    %select_n3A_22 = arith.select %eq3A_19, %broadcast_in_dim3A_21, %add3A_12 : vector<2048x8xi1>, vector<2048x8xf32>
    %reduce_max3A_23 = arith.constant dense<0xFF800000> : vector<2048xf32>
    %reduce_max3A_24 = vector.multi_reduction <maximumf>, %select_n3A_22, %reduce_max3A_23 [1] : vector<2048x8xf32> to vector<2048xf32>
    %broadcast_in_dim3A_25 = vector.shape_cast %reduce_max3A_24 : vector<2048xf32> to vector<2048x1xf32>
    %eq3A_26 = vector.broadcast %broadcast_in_dim3A_25 : vector<2048x1xf32> to vector<2048x8xf32>
    %eq3A_27 = arith.cmpf oeq, %select_n3A_22, %eq3A_26 : vector<2048x8xf32>
    %jit3A_28 = arith.constant 8 : i32
    %broadcast_in_dim3A_29 = vector.broadcast %jit3A_28 : i32 to vector<2048x8xi32>
    %select_n3A_30 = arith.select %eq3A_27, %iota3A, %broadcast_in_dim3A_29 : vector<2048x8xi1>, vector<2048x8xi32>
    %reduce_min3A_31 = arith.constant dense<2147483647> : vector<2048xi32>
    %reduce_min3A_32 = vector.multi_reduction <minsi>, %select_n3A_30, %reduce_min3A_31 [1] : vector<2048x8xi32> to vector<2048xi32>
    %broadcast_in_dim3A_33 = vector.shape_cast %reduce_min3A_32 : vector<2048xi32> to vector<2048x1xi32>
    %sub3A = arith.subf %broadcast_in_dim3A_25, %broadcast_in_dim3A : vector<2048x1xf32>
    %exp3A = math.exp %sub3A : vector<2048x1xf32>
    %add3A_34 = arith.constant 1.000000e+00 : f32
    %add3A_35 = vector.broadcast %add3A_34 : f32 to vector<2048x1xf32>
    %add3A_36 = arith.addf %add3A_35, %exp3A : vector<2048x1xf32>
    %div3A = arith.constant 1.000000e+00 : f32
    %div3A_37 = vector.broadcast %div3A : f32 to vector<2048x1xf32>
    %div3A_38 = arith.divf %div3A_37, %add3A_36 : vector<2048x1xf32>
    %broadcast_in_dim3A_39 = vector.shape_cast %div3A_38 : vector<2048x1xf32> to vector<2048x1xf32>
    %broadcast_in_dim3A_40 = vector.broadcast %broadcast_in_dim3A_39 : vector<2048x1xf32> to vector<2048x16xf32>
    %swap3A = arith.constant 0 : index
    %swap3A_41 = arith.constant 0 : index
    %swap3A_42 = vector.load %arg6[%swap3A, %swap3A_41] : memref<2048x16xf32, #tpu.memory_space<vmem>>, vector<2048x16xf32>
    tpu.vector_store %arg6[%swap3A, %swap3A_41], %broadcast_in_dim3A_40 {strides = array<i32>} : memref<2048x16xf32, #tpu.memory_space<vmem>>, vector<2048x16xf32>,
    %add3A_43 = arith.constant 1.000000e+00 : f32
    %add3A_44 = vector.broadcast %add3A_43 : f32 to vector<2048x1xf32>
    %add3A_45 = arith.addf %add3A_44, %exp3A : vector<2048x1xf32>
    %div3A_46 = arith.divf %exp3A, %add3A_45 : vector<2048x1xf32>
    %broadcast_in_dim3A_47 = vector.shape_cast %div3A_46 : vector<2048x1xf32> to vector<2048x1xf32>
    %broadcast_in_dim3A_48 = vector.broadcast %broadcast_in_dim3A_47 : vector<2048x1xf32> to vector<2048x16xf32>
    %swap3A_49 = arith.constant 0 : index
    %swap3A_50 = arith.constant 0 : index
    %swap3A_51 = vector.load %arg7[%swap3A_49, %swap3A_50] : memref<2048x16xf32, #tpu.memory_space<vmem>>, vector<2048x16xf32>
    tpu.vector_store %arg7[%swap3A_49, %swap3A_50], %broadcast_in_dim3A_48 {strides = array<i32>} : memref<2048x16xf32, #tpu.memory_space<vmem>>, vector<2048x16xf32>,
    %eq3A_52 = vector.broadcast %broadcast_in_dim3A_17 : vector<2048x1xi32> to vector<2048x8xi32>
    %eq3A_53 = arith.cmpi eq, %iota3A, %eq3A_52 : vector<2048x8xi32>
    %convert_element_type3A = arith.extui %eq3A_53 : vector<2048x8xi1> to vector<2048x8xi32>
    %convert_element_type3A_54 = arith.sitofp %convert_element_type3A : vector<2048x8xi32> to vector<2048x8xf32>
    %eq3A_55 = vector.broadcast %broadcast_in_dim3A_33 : vector<2048x1xi32> to vector<2048x8xi32>
    %eq3A_56 = arith.cmpi eq, %iota3A, %eq3A_55 : vector<2048x8xi32>
    %convert_element_type3A_57 = arith.extui %eq3A_56 : vector<2048x8xi1> to vector<2048x8xi32>
    %convert_element_type3A_58 = arith.sitofp %convert_element_type3A_57 : vector<2048x8xi32> to vector<2048x8xf32>
    %concatenate3A_59 = tpu.concatenate %convert_element_type3A_54, %convert_element_type3A_58 in 1 : vector<2048x8xf32>, vector<2048x8xf32> -> vector<2048x16xf32>
    %broadcast_in_dim3A_60 = arith.constant 0.000000e+00 : f32
    %broadcast_in_dim3A_61 = vector.broadcast %broadcast_in_dim3A_60 : f32 to vector<1x16xf32>
    %slice3A = vector.extract_strided_slice %concatenate3A_59 {offsets = [0, 0], sizes = [2047, 16], strides = [1, 1]} : vector<2048x16xf32> to vector<2047x16xf32>
    %concatenate3A_62 = tpu.concatenate %broadcast_in_dim3A_61, %slice3A in 0 : vector<1x16xf32>, vector<2047x16xf32> -> vector<2048x16xf32>
    %broadcast_in_dim3A_63 = arith.constant 0.000000e+00 : f32
    %broadcast_in_dim3A_64 = vector.broadcast %broadcast_in_dim3A_63 : f32 to vector<1x16xf32>
    %slice3A_65 = vector.extract_strided_slice %concatenate3A_62 {offsets = [0, 0], sizes = [2047, 16], strides = [1, 1]} : vector<2048x16xf32> to vector<2047x16xf32>
    %concatenate3A_66 = tpu.concatenate %broadcast_in_dim3A_64, %slice3A_65 in 0 : vector<1x16xf32>, vector<2047x16xf32> -> vector<2048x16xf32>
    %add3A_67 = arith.addf %concatenate3A_62, %concatenate3A_66 : vector<2048x16xf32>
    %broadcast_in_dim3A_68 = arith.constant 0.000000e+00 : f32
    %broadcast_in_dim3A_69 = vector.broadcast %broadcast_in_dim3A_68 : f32 to vector<2x16xf32>
    %slice3A_70 = vector.extract_strided_slice %add3A_67 {offsets = [0, 0], sizes = [2046, 16], strides = [1, 1]} : vector<2048x16xf32> to vector<2046x16xf32>
    %concatenate3A_71 = tpu.concatenate %broadcast_in_dim3A_69, %slice3A_70 in 0 : vector<2x16xf32>, vector<2046x16xf32> -> vector<2048x16xf32>
    %add3A_72 = arith.addf %add3A_67, %concatenate3A_71 : vector<2048x16xf32>
    %broadcast_in_dim3A_73 = arith.constant 0.000000e+00 : f32
    %broadcast_in_dim3A_74 = vector.broadcast %broadcast_in_dim3A_73 : f32 to vector<4x16xf32>
    %slice3A_75 = vector.extract_strided_slice %add3A_72 {offsets = [0, 0], sizes = [2044, 16], strides = [1, 1]} : vector<2048x16xf32> to vector<2044x16xf32>
    %concatenate3A_76 = tpu.concatenate %broadcast_in_dim3A_74, %slice3A_75 in 0 : vector<4x16xf32>, vector<2044x16xf32> -> vector<2048x16xf32>
    %add3A_77 = arith.addf %add3A_72, %concatenate3A_76 : vector<2048x16xf32>
    %broadcast_in_dim3A_78 = arith.constant 0.000000e+00 : f32
    %broadcast_in_dim3A_79 = vector.broadcast %broadcast_in_dim3A_78 : f32 to vector<8x16xf32>
    %slice3A_80 = vector.extract_strided_slice %add3A_77 {offsets = [0, 0], sizes = [2040, 16], strides = [1, 1]} : vector<2048x16xf32> to vector<2040x16xf32>
    %concatenate3A_81 = tpu.concatenate %broadcast_in_dim3A_79, %slice3A_80 in 0 : vector<8x16xf32>, vector<2040x16xf32> -> vector<2048x16xf32>
    %add3A_82 = arith.addf %add3A_77, %concatenate3A_81 : vector<2048x16xf32>
    %broadcast_in_dim3A_83 = arith.constant 0.000000e+00 : f32
    %broadcast_in_dim3A_84 = vector.broadcast %broadcast_in_dim3A_83 : f32 to vector<16x16xf32>
    %slice3A_85 = vector.extract_strided_slice %add3A_82 {offsets = [0, 0], sizes = [2032, 16], strides = [1, 1]} : vector<2048x16xf32> to vector<2032x16xf32>
    %concatenate3A_86 = tpu.concatenate %broadcast_in_dim3A_84, %slice3A_85 in 0 : vector<16x16xf32>, vector<2032x16xf32> -> vector<2048x16xf32>
    %add3A_87 = arith.addf %add3A_82, %concatenate3A_86 : vector<2048x16xf32>
    %broadcast_in_dim3A_88 = arith.constant 0.000000e+00 : f32
    %broadcast_in_dim3A_89 = vector.broadcast %broadcast_in_dim3A_88 : f32 to vector<32x16xf32>
    %slice3A_90 = vector.extract_strided_slice %add3A_87 {offsets = [0, 0], sizes = [2016, 16], strides = [1, 1]} : vector<2048x16xf32> to vector<2016x16xf32>
    %concatenate3A_91 = tpu.concatenate %broadcast_in_dim3A_89, %slice3A_90 in 0 : vector<32x16xf32>, vector<2016x16xf32> -> vector<2048x16xf32>
    %add3A_92 = arith.addf %add3A_87, %concatenate3A_91 : vector<2048x16xf32>
    %broadcast_in_dim3A_93 = arith.constant 0.000000e+00 : f32
    %broadcast_in_dim3A_94 = vector.broadcast %broadcast_in_dim3A_93 : f32 to vector<64x16xf32>
    %slice3A_95 = vector.extract_strided_slice %add3A_92 {offsets = [0, 0], sizes = [1984, 16], strides = [1, 1]} : vector<2048x16xf32> to vector<1984x16xf32>
    %concatenate3A_96 = tpu.concatenate %broadcast_in_dim3A_94, %slice3A_95 in 0 : vector<64x16xf32>, vector<1984x16xf32> -> vector<2048x16xf32>
    %add3A_97 = arith.addf %add3A_92, %concatenate3A_96 : vector<2048x16xf32>
    %broadcast_in_dim3A_98 = arith.constant 0.000000e+00 : f32
    %broadcast_in_dim3A_99 = vector.broadcast %broadcast_in_dim3A_98 : f32 to vector<128x16xf32>
    %slice3A_100 = vector.extract_strided_slice %add3A_97 {offsets = [0, 0], sizes = [1920, 16], strides = [1, 1]} : vector<2048x16xf32> to vector<1920x16xf32>
    %concatenate3A_101 = tpu.concatenate %broadcast_in_dim3A_99, %slice3A_100 in 0 : vector<128x16xf32>, vector<1920x16xf32> -> vector<2048x16xf32>
    %add3A_102 = arith.addf %add3A_97, %concatenate3A_101 : vector<2048x16xf32>
    %broadcast_in_dim3A_103 = arith.constant 0.000000e+00 : f32
    %broadcast_in_dim3A_104 = vector.broadcast %broadcast_in_dim3A_103 : f32 to vector<256x16xf32>
    %slice3A_105 = vector.extract_strided_slice %add3A_102 {offsets = [0, 0], sizes = [1792, 16], strides = [1, 1]} : vector<2048x16xf32> to vector<1792x16xf32>
    %concatenate3A_106 = tpu.concatenate %broadcast_in_dim3A_104, %slice3A_105 in 0 : vector<256x16xf32>, vector<1792x16xf32> -> vector<2048x16xf32>
    %add3A_107 = arith.addf %add3A_102, %concatenate3A_106 : vector<2048x16xf32>
    %broadcast_in_dim3A_108 = arith.constant 0.000000e+00 : f32
    %broadcast_in_dim3A_109 = vector.broadcast %broadcast_in_dim3A_108 : f32 to vector<512x16xf32>
    %slice3A_110 = vector.extract_strided_slice %add3A_107 {offsets = [0, 0], sizes = [1536, 16], strides = [1, 1]} : vector<2048x16xf32> to vector<1536x16xf32>
    %concatenate3A_111 = tpu.concatenate %broadcast_in_dim3A_109, %slice3A_110 in 0 : vector<512x16xf32>, vector<1536x16xf32> -> vector<2048x16xf32>
    %add3A_112 = arith.addf %add3A_107, %concatenate3A_111 : vector<2048x16xf32>
    %broadcast_in_dim3A_113 = arith.constant 0.000000e+00 : f32
    %broadcast_in_dim3A_114 = vector.broadcast %broadcast_in_dim3A_113 : f32 to vector<1024x16xf32>
    %slice3A_115 = vector.extract_strided_slice %add3A_112 {offsets = [0, 0], sizes = [1024, 16], strides = [1, 1]} : vector<2048x16xf32> to vector<1024x16xf32>
    %concatenate3A_116 = tpu.concatenate %broadcast_in_dim3A_114, %slice3A_115 in 0 : vector<1024x16xf32>, vector<1024x16xf32> -> vector<2048x16xf32>
    %add3A_117 = arith.addf %add3A_112, %concatenate3A_116 : vector<2048x16xf32>
    %slice3A_118 = vector.extract_strided_slice %add3A_117 {offsets = [0, 0], sizes = [2048, 8], strides = [1, 1]} : vector<2048x16xf32> to vector<2048x8xf32>
    %slice3A_119 = vector.extract_strided_slice %add3A_117 {offsets = [0, 8], sizes = [2048, 8], strides = [1, 1]} : vector<2048x16xf32> to vector<2048x8xf32>
    %reduce_sum3A = arith.constant dense<0.000000e+00> : vector<8xf32>
    %reduce_sum3A_120 = vector.multi_reduction <add>, %convert_element_type3A_54, %reduce_sum3A [0] : vector<2048x8xf32> to vector<8xf32>
    %broadcast_in_dim3A_121 = vector.shape_cast %reduce_sum3A_120 : vector<8xf32> to vector<1x8xf32>
    %reduce_sum3A_122 = arith.constant dense<0.000000e+00> : vector<8xf32>
    %reduce_sum3A_123 = vector.multi_reduction <add>, %convert_element_type3A_58, %reduce_sum3A_122 [0] : vector<2048x8xf32> to vector<8xf32>
    %broadcast_in_dim3A_124 = vector.shape_cast %reduce_sum3A_123 : vector<8xf32> to vector<1x8xf32>
    %add3A_125 = arith.addf %broadcast_in_dim3A_121, %broadcast_in_dim3A_124 : vector<1x8xf32>
    %convert_element_type3A_126 = arith.fptosi %add3A_125 : vector<1x8xf32> to vector<1x8xi32>
    %add3A_127 = arith.constant 255 : i32
    %add3A_128 = vector.broadcast %add3A_127 : i32 to vector<1x8xi32>
    %add3A_129 = arith.addi %convert_element_type3A_126, %add3A_128 : vector<1x8xi32>
    %shift_right_arithmetic3A = arith.constant 8 : i32
    %shift_right_arithmetic3A_130 = vector.broadcast %shift_right_arithmetic3A : i32 to vector<1x8xi32>
    %shift_right_arithmetic3A_131 = arith.shrsi %add3A_129, %shift_right_arithmetic3A_130 : vector<1x8xi32>
    %shift_left3A = arith.constant 8 : i32
    %shift_left3A_132 = vector.broadcast %shift_left3A : i32 to vector<1x8xi32>
    %shift_left3A_133 = arith.shli %shift_right_arithmetic3A_131, %shift_left3A_132 : vector<1x8xi32>
    %broadcast_in_dim3A_134 = arith.constant 0 : i32
    %broadcast_in_dim3A_135 = vector.broadcast %broadcast_in_dim3A_134 : i32 to vector<1x1xi32>
    %slice3A_136 = vector.extract_strided_slice %shift_left3A_133 {offsets = [0, 0], sizes = [1, 7], strides = [1, 1]} : vector<1x8xi32> to vector<1x7xi32>
    %concatenate3A_137 = tpu.concatenate %broadcast_in_dim3A_135, %slice3A_136 in 1 : vector<1x1xi32>, vector<1x7xi32> -> vector<1x8xi32>
    %broadcast_in_dim3A_138 = arith.constant 0 : i32
    %broadcast_in_dim3A_139 = vector.broadcast %broadcast_in_dim3A_138 : i32 to vector<1x1xi32>
    %slice3A_140 = vector.extract_strided_slice %concatenate3A_137 {offsets = [0, 0], sizes = [1, 7], strides = [1, 1]} : vector<1x8xi32> to vector<1x7xi32>
    %concatenate3A_141 = tpu.concatenate %broadcast_in_dim3A_139, %slice3A_140 in 1 : vector<1x1xi32>, vector<1x7xi32> -> vector<1x8xi32>
    %add3A_142 = arith.addi %concatenate3A_137, %concatenate3A_141 : vector<1x8xi32>
    %broadcast_in_dim3A_143 = arith.constant 0 : i32
    %broadcast_in_dim3A_144 = vector.broadcast %broadcast_in_dim3A_143 : i32 to vector<1x2xi32>
    %slice3A_145 = vector.extract_strided_slice %add3A_142 {offsets = [0, 0], sizes = [1, 6], strides = [1, 1]} : vector<1x8xi32> to vector<1x6xi32>
    %concatenate3A_146 = tpu.concatenate %broadcast_in_dim3A_144, %slice3A_145 in 1 : vector<1x2xi32>, vector<1x6xi32> -> vector<1x8xi32>
    %add3A_147 = arith.addi %add3A_142, %concatenate3A_146 : vector<1x8xi32>
    %broadcast_in_dim3A_148 = arith.constant 0 : i32
    %broadcast_in_dim3A_149 = vector.broadcast %broadcast_in_dim3A_148 : i32 to vector<1x4xi32>
    %slice3A_150 = vector.extract_strided_slice %add3A_147 {offsets = [0, 0], sizes = [1, 4], strides = [1, 1]} : vector<1x8xi32> to vector<1x4xi32>
    %concatenate3A_151 = tpu.concatenate %broadcast_in_dim3A_149, %slice3A_150 in 1 : vector<1x4xi32>, vector<1x4xi32> -> vector<1x8xi32>
    %add3A_152 = arith.addi %add3A_147, %concatenate3A_151 : vector<1x8xi32>
    %convert_element_type3A_153 = arith.sitofp %add3A_152 : vector<1x8xi32> to vector<1x8xf32>
    %broadcast_in_dim3A_154 = vector.shape_cast %convert_element_type3A_153 : vector<1x8xf32> to vector<1x8xf32>
    %broadcast_in_dim3A_155 = vector.broadcast %broadcast_in_dim3A_154 : vector<1x8xf32> to vector<2048x8xf32>
    %broadcast_in_dim3A_156 = vector.shape_cast %broadcast_in_dim3A_121 : vector<1x8xf32> to vector<1x8xf32>
    %broadcast_in_dim3A_157 = vector.broadcast %broadcast_in_dim3A_156 : vector<1x8xf32> to vector<2048x8xf32>
    %mul3A = arith.mulf %slice3A_118, %convert_element_type3A_54 : vector<2048x8xf32>
    %reduce_sum3A_158 = arith.constant dense<0.000000e+00> : vector<2048xf32>
    %reduce_sum3A_159 = vector.multi_reduction <add>, %mul3A, %reduce_sum3A_158 [1] : vector<2048x8xf32> to vector<2048xf32>
    %broadcast_in_dim3A_160 = vector.shape_cast %reduce_sum3A_159 : vector<2048xf32> to vector<2048x1xf32>
    %mul3A_161 = arith.mulf %slice3A_119, %convert_element_type3A_58 : vector<2048x8xf32>
    %reduce_sum3A_162 = arith.constant dense<0.000000e+00> : vector<2048xf32>
    %reduce_sum3A_163 = vector.multi_reduction <add>, %mul3A_161, %reduce_sum3A_162 [1] : vector<2048x8xf32> to vector<2048xf32>
    %broadcast_in_dim3A_164 = vector.shape_cast %reduce_sum3A_163 : vector<2048xf32> to vector<2048x1xf32>
    %mul3A_165 = arith.mulf %broadcast_in_dim3A_155, %convert_element_type3A_54 : vector<2048x8xf32>
    %reduce_sum3A_166 = arith.constant dense<0.000000e+00> : vector<2048xf32>
    %reduce_sum3A_167 = vector.multi_reduction <add>, %mul3A_165, %reduce_sum3A_166 [1] : vector<2048x8xf32> to vector<2048xf32>
    %broadcast_in_dim3A_168 = vector.shape_cast %reduce_sum3A_167 : vector<2048xf32> to vector<2048x1xf32>
    %add3A_169 = arith.addf %broadcast_in_dim3A_155, %broadcast_in_dim3A_157 : vector<2048x8xf32>
    %mul3A_170 = arith.mulf %add3A_169, %convert_element_type3A_58 : vector<2048x8xf32>
    %reduce_sum3A_171 = arith.constant dense<0.000000e+00> : vector<2048xf32>
    %reduce_sum3A_172 = vector.multi_reduction <add>, %mul3A_170, %reduce_sum3A_171 [1] : vector<2048x8xf32> to vector<2048xf32>
    %broadcast_in_dim3A_173 = vector.shape_cast %reduce_sum3A_172 : vector<2048xf32> to vector<2048x1xf32>
    %add3A_174 = arith.addf %broadcast_in_dim3A_168, %broadcast_in_dim3A_160 : vector<2048x1xf32>
    %convert_element_type3A_175 = arith.fptosi %add3A_174 : vector<2048x1xf32> to vector<2048x1xi32>
    %swap3A_176 = arith.constant 0 : index
    %swap3A_177 = arith.constant 0 : index
    %swap3A_178 = vector.load %arg4[%swap3A_176, %swap3A_177] : memref<2048x1xi32, #tpu.memory_space<vmem>>, vector<2048x1xi32>
    tpu.vector_store %arg4[%swap3A_176, %swap3A_177], %convert_element_type3A_175 {strides = array<i32>} : memref<2048x1xi32, #tpu.memory_space<vmem>>, vector<2048x1xi32>,
    %add3A_179 = arith.addf %broadcast_in_dim3A_173, %broadcast_in_dim3A_164 : vector<2048x1xf32>
    %convert_element_type3A_180 = arith.fptosi %add3A_179 : vector<2048x1xf32> to vector<2048x1xi32>
    %swap3A_181 = arith.constant 0 : index
    %swap3A_182 = arith.constant 0 : index
    %swap3A_183 = vector.load %arg5[%swap3A_181, %swap3A_182] : memref<2048x1xi32, #tpu.memory_space<vmem>>, vector<2048x1xi32>
    tpu.vector_store %arg5[%swap3A_181, %swap3A_182], %convert_element_type3A_180 {strides = array<i32>} : memref<2048x1xi32, #tpu.memory_space<vmem>>, vector<2048x1xi32>,
    %iota3A_184 = tpu.iota {dimensions = array<i32: 1>} : vector<1x128xi32>
    %mul3A_185 = arith.constant 256 : i32
    %mul3A_186 = vector.broadcast %mul3A_185 : i32 to vector<1x128xi32>
    %mul3A_187 = arith.muli %iota3A_184, %mul3A_186 : vector<1x128xi32>
    %broadcast_in_dim3A_188 = arith.constant -1 : i32
    %broadcast_in_dim3A_189 = vector.broadcast %broadcast_in_dim3A_188 : i32 to vector<1x128xi32>
    %slice3A_190 = vector.extract_strided_slice %add3A_152 {offsets = [0, 0], sizes = [1, 1], strides = [1, 1]} : vector<1x8xi32> to vector<1x1xi32>
    %broadcast_in_dim3A_191 = vector.shape_cast %slice3A_190 : vector<1x1xi32> to vector<1x1xi32>
    %broadcast_in_dim3A_192 = vector.broadcast %broadcast_in_dim3A_191 : vector<1x1xi32> to vector<1x128xi32>
    %ge3A = arith.cmpi sge, %mul3A_187, %broadcast_in_dim3A_192 : vector<1x128xi32>
    %convert_element_type3A_193 = arith.extui %ge3A : vector<1x128xi1> to vector<1x128xi32>
    %add3A_194 = arith.addi %broadcast_in_dim3A_189, %convert_element_type3A_193 : vector<1x128xi32>
    %slice3A_195 = vector.extract_strided_slice %add3A_152 {offsets = [0, 1], sizes = [1, 1], strides = [1, 1]} : vector<1x8xi32> to vector<1x1xi32>
    %broadcast_in_dim3A_196 = vector.shape_cast %slice3A_195 : vector<1x1xi32> to vector<1x1xi32>
    %broadcast_in_dim3A_197 = vector.broadcast %broadcast_in_dim3A_196 : vector<1x1xi32> to vector<1x128xi32>
    %ge3A_198 = arith.cmpi sge, %mul3A_187, %broadcast_in_dim3A_197 : vector<1x128xi32>
    %convert_element_type3A_199 = arith.extui %ge3A_198 : vector<1x128xi1> to vector<1x128xi32>
    %add3A_200 = arith.addi %add3A_194, %convert_element_type3A_199 : vector<1x128xi32>
    %slice3A_201 = vector.extract_strided_slice %add3A_152 {offsets = [0, 2], sizes = [1, 1], strides = [1, 1]} : vector<1x8xi32> to vector<1x1xi32>
    %broadcast_in_dim3A_202 = vector.shape_cast %slice3A_201 : vector<1x1xi32> to vector<1x1xi32>
    %broadcast_in_dim3A_203 = vector.broadcast %broadcast_in_dim3A_202 : vector<1x1xi32> to vector<1x128xi32>
    %ge3A_204 = arith.cmpi sge, %mul3A_187, %broadcast_in_dim3A_203 : vector<1x128xi32>
    %convert_element_type3A_205 = arith.extui %ge3A_204 : vector<1x128xi1> to vector<1x128xi32>
    %add3A_206 = arith.addi %add3A_200, %convert_element_type3A_205 : vector<1x128xi32>
    %slice3A_207 = vector.extract_strided_slice %add3A_152 {offsets = [0, 3], sizes = [1, 1], strides = [1, 1]} : vector<1x8xi32> to vector<1x1xi32>
    %broadcast_in_dim3A_208 = vector.shape_cast %slice3A_207 : vector<1x1xi32> to vector<1x1xi32>
    %broadcast_in_dim3A_209 = vector.broadcast %broadcast_in_dim3A_208 : vector<1x1xi32> to vector<1x128xi32>
    %ge3A_210 = arith.cmpi sge, %mul3A_187, %broadcast_in_dim3A_209 : vector<1x128xi32>
    %convert_element_type3A_211 = arith.extui %ge3A_210 : vector<1x128xi1> to vector<1x128xi32>
    %add3A_212 = arith.addi %add3A_206, %convert_element_type3A_211 : vector<1x128xi32>
    %slice3A_213 = vector.extract_strided_slice %add3A_152 {offsets = [0, 4], sizes = [1, 1], strides = [1, 1]} : vector<1x8xi32> to vector<1x1xi32>
    %broadcast_in_dim3A_214 = vector.shape_cast %slice3A_213 : vector<1x1xi32> to vector<1x1xi32>
    %broadcast_in_dim3A_215 = vector.broadcast %broadcast_in_dim3A_214 : vector<1x1xi32> to vector<1x128xi32>
    %ge3A_216 = arith.cmpi sge, %mul3A_187, %broadcast_in_dim3A_215 : vector<1x128xi32>
    %convert_element_type3A_217 = arith.extui %ge3A_216 : vector<1x128xi1> to vector<1x128xi32>
    %add3A_218 = arith.addi %add3A_212, %convert_element_type3A_217 : vector<1x128xi32>
    %slice3A_219 = vector.extract_strided_slice %add3A_152 {offsets = [0, 5], sizes = [1, 1], strides = [1, 1]} : vector<1x8xi32> to vector<1x1xi32>
    %broadcast_in_dim3A_220 = vector.shape_cast %slice3A_219 : vector<1x1xi32> to vector<1x1xi32>
    %broadcast_in_dim3A_221 = vector.broadcast %broadcast_in_dim3A_220 : vector<1x1xi32> to vector<1x128xi32>
    %ge3A_222 = arith.cmpi sge, %mul3A_187, %broadcast_in_dim3A_221 : vector<1x128xi32>
    %convert_element_type3A_223 = arith.extui %ge3A_222 : vector<1x128xi1> to vector<1x128xi32>
    %add3A_224 = arith.addi %add3A_218, %convert_element_type3A_223 : vector<1x128xi32>
    %slice3A_225 = vector.extract_strided_slice %add3A_152 {offsets = [0, 6], sizes = [1, 1], strides = [1, 1]} : vector<1x8xi32> to vector<1x1xi32>
    %broadcast_in_dim3A_226 = vector.shape_cast %slice3A_225 : vector<1x1xi32> to vector<1x1xi32>
    %broadcast_in_dim3A_227 = vector.broadcast %broadcast_in_dim3A_226 : vector<1x1xi32> to vector<1x128xi32>
    %ge3A_228 = arith.cmpi sge, %mul3A_187, %broadcast_in_dim3A_227 : vector<1x128xi32>
    %convert_element_type3A_229 = arith.extui %ge3A_228 : vector<1x128xi1> to vector<1x128xi32>
    %add3A_230 = arith.addi %add3A_224, %convert_element_type3A_229 : vector<1x128xi32>
    %slice3A_231 = vector.extract_strided_slice %add3A_152 {offsets = [0, 7], sizes = [1, 1], strides = [1, 1]} : vector<1x8xi32> to vector<1x1xi32>
    %broadcast_in_dim3A_232 = vector.shape_cast %slice3A_231 : vector<1x1xi32> to vector<1x1xi32>
    %broadcast_in_dim3A_233 = vector.broadcast %broadcast_in_dim3A_232 : vector<1x1xi32> to vector<1x128xi32>
    %ge3A_234 = arith.cmpi sge, %mul3A_187, %broadcast_in_dim3A_233 : vector<1x128xi32>
    %convert_element_type3A_235 = arith.extui %ge3A_234 : vector<1x128xi1> to vector<1x128xi32>
    %add3A_236 = arith.addi %add3A_230, %convert_element_type3A_235 : vector<1x128xi32>
    %swap3A_237 = arith.constant 0 : index
    %swap3A_238 = arith.constant 0 : index
    %swap3A_239 = vector.load %arg8[%swap3A_237, %swap3A_238] : memref<1x128xi32, #tpu.memory_space<vmem>>, vector<1x128xi32>
    tpu.vector_store %arg8[%swap3A_237, %swap3A_238], %add3A_236 {strides = array<i32>} : memref<1x128xi32, #tpu.memory_space<vmem>>, vector<1x128xi32>,
    %broadcast_in_dim3A_240 = arith.constant 0 : i32
    %broadcast_in_dim3A_241 = vector.broadcast %broadcast_in_dim3A_240 : i32 to vector<1x120xi32>
    %concatenate3A_242 = tpu.concatenate %shift_left3A_133, %broadcast_in_dim3A_241 in 1 : vector<1x8xi32>, vector<1x120xi32> -> vector<1x128xi32>
    %swap3A_243 = arith.constant 0 : index
    %swap3A_244 = arith.constant 0 : index
    %swap3A_245 = vector.load %arg9[%swap3A_243, %swap3A_244] : memref<1x128xi32, #tpu.memory_space<vmem>>, vector<1x128xi32>
    tpu.vector_store %arg9[%swap3A_243, %swap3A_244], %concatenate3A_242 {strides = array<i32>} : memref<1x128xi32, #tpu.memory_space<vmem>>, vector<1x128xi32>,
    return
  }
}

module attributes {stable_mosaic.version = 14 : i64} {
  func.func @_gatemeta_body(%arg0: memref<1x128xi32, #tpu.memory_space<vmem>>, %arg1: memref<1x128xi32, #tpu.memory_space<vmem>>, %arg2: memref<1x128xi32, #tpu.memory_space<vmem>>, %arg3: memref<1x128xi32, #tpu.memory_space<vmem>>, %arg4: memref<1x128xi32, #tpu.memory_space<vmem>>) attributes {dimension_semantics = [], scalar_prefetch = 0 : i64, scratch_operands = 0 : i64, tpu.core_type = #tpu.core_type<tc>} {
    %get3A = arith.constant 0 : index
    %get3A_0 = arith.constant 0 : index
    %get3A_1 = vector.load %arg0[%get3A, %get3A_0] : memref<1x128xi32, #tpu.memory_space<vmem>>, vector<1x128xi32>
    %get3A_2 = arith.constant 0 : index
    %get3A_3 = arith.constant 0 : index
    %get3A_4 = vector.load %arg1[%get3A_2, %get3A_3] : memref<1x128xi32, #tpu.memory_space<vmem>>, vector<1x8xi32>
    %reduce_sum3A = arith.constant dense<0> : vector<1xi32>
    %reduce_sum3A_5 = vector.multi_reduction <add>, %get3A_4, %reduce_sum3A [1] : vector<1x8xi32> to vector<1xi32>
    %broadcast_in_dim3A = vector.shape_cast %reduce_sum3A_5 : vector<1xi32> to vector<1x1xi32>
    %shift_right_arithmetic3A = arith.constant 8 : i32
    %shift_right_arithmetic3A_6 = vector.broadcast %shift_right_arithmetic3A : i32 to vector<1x1xi32>
    %shift_right_arithmetic3A_7 = arith.shrsi %broadcast_in_dim3A, %shift_right_arithmetic3A_6 : vector<1x1xi32>
    %broadcast_in_dim3A_8 = vector.shape_cast %shift_right_arithmetic3A_7 : vector<1x1xi32> to vector<1x1xi32>
    %broadcast_in_dim3A_9 = vector.broadcast %broadcast_in_dim3A_8 : vector<1x1xi32> to vector<1x128xi32>
    %iota3A = tpu.iota {dimensions = array<i32: 1>} : vector<1x128xi32>
    %broadcast_in_dim3A_10 = arith.constant -1 : i32
    %broadcast_in_dim3A_11 = vector.broadcast %broadcast_in_dim3A_10 : i32 to vector<1x1xi32>
    %slice3A = vector.extract_strided_slice %get3A_1 {offsets = [0, 0], sizes = [1, 127], strides = [1, 1]} : vector<1x128xi32> to vector<1x127xi32>
    %concatenate3A = tpu.concatenate %broadcast_in_dim3A_11, %slice3A in 1 : vector<1x1xi32>, vector<1x127xi32> -> vector<1x128xi32>
    %ne3A = arith.cmpi ne, %get3A_1, %concatenate3A : vector<1x128xi32>
    %lt3A = arith.cmpi slt, %iota3A, %broadcast_in_dim3A_9 : vector<1x128xi32>
    %and3A = arith.andi %ne3A, %lt3A : vector<1x128xi1>
    %jit3A = arith.constant 1 : i32
    %jit3A_12 = arith.constant 0 : i32
    %broadcast_in_dim3A_13 = vector.broadcast %jit3A : i32 to vector<1x128xi32>
    %broadcast_in_dim3A_14 = vector.broadcast %jit3A_12 : i32 to vector<1x128xi32>
    %select_n3A = arith.select %and3A, %broadcast_in_dim3A_13, %broadcast_in_dim3A_14 : vector<1x128xi1>, vector<1x128xi32>
    %broadcast_in_dim3A_15 = arith.constant 0 : i32
    %broadcast_in_dim3A_16 = vector.broadcast %broadcast_in_dim3A_15 : i32 to vector<1x1xi32>
    %slice3A_17 = vector.extract_strided_slice %select_n3A {offsets = [0, 0], sizes = [1, 127], strides = [1, 1]} : vector<1x128xi32> to vector<1x127xi32>
    %concatenate3A_18 = tpu.concatenate %broadcast_in_dim3A_16, %slice3A_17 in 1 : vector<1x1xi32>, vector<1x127xi32> -> vector<1x128xi32>
    %add3A = arith.addi %select_n3A, %concatenate3A_18 : vector<1x128xi32>
    %broadcast_in_dim3A_19 = arith.constant 0 : i32
    %broadcast_in_dim3A_20 = vector.broadcast %broadcast_in_dim3A_19 : i32 to vector<1x2xi32>
    %slice3A_21 = vector.extract_strided_slice %add3A {offsets = [0, 0], sizes = [1, 126], strides = [1, 1]} : vector<1x128xi32> to vector<1x126xi32>
    %concatenate3A_22 = tpu.concatenate %broadcast_in_dim3A_20, %slice3A_21 in 1 : vector<1x2xi32>, vector<1x126xi32> -> vector<1x128xi32>
    %add3A_23 = arith.addi %add3A, %concatenate3A_22 : vector<1x128xi32>
    %broadcast_in_dim3A_24 = arith.constant 0 : i32
    %broadcast_in_dim3A_25 = vector.broadcast %broadcast_in_dim3A_24 : i32 to vector<1x4xi32>
    %slice3A_26 = vector.extract_strided_slice %add3A_23 {offsets = [0, 0], sizes = [1, 124], strides = [1, 1]} : vector<1x128xi32> to vector<1x124xi32>
    %concatenate3A_27 = tpu.concatenate %broadcast_in_dim3A_25, %slice3A_26 in 1 : vector<1x4xi32>, vector<1x124xi32> -> vector<1x128xi32>
    %add3A_28 = arith.addi %add3A_23, %concatenate3A_27 : vector<1x128xi32>
    %broadcast_in_dim3A_29 = arith.constant 0 : i32
    %broadcast_in_dim3A_30 = vector.broadcast %broadcast_in_dim3A_29 : i32 to vector<1x8xi32>
    %slice3A_31 = vector.extract_strided_slice %add3A_28 {offsets = [0, 0], sizes = [1, 120], strides = [1, 1]} : vector<1x128xi32> to vector<1x120xi32>
    %concatenate3A_32 = tpu.concatenate %broadcast_in_dim3A_30, %slice3A_31 in 1 : vector<1x8xi32>, vector<1x120xi32> -> vector<1x128xi32>
    %add3A_33 = arith.addi %add3A_28, %concatenate3A_32 : vector<1x128xi32>
    %broadcast_in_dim3A_34 = arith.constant 0 : i32
    %broadcast_in_dim3A_35 = vector.broadcast %broadcast_in_dim3A_34 : i32 to vector<1x16xi32>
    %slice3A_36 = vector.extract_strided_slice %add3A_33 {offsets = [0, 0], sizes = [1, 112], strides = [1, 1]} : vector<1x128xi32> to vector<1x112xi32>
    %concatenate3A_37 = tpu.concatenate %broadcast_in_dim3A_35, %slice3A_36 in 1 : vector<1x16xi32>, vector<1x112xi32> -> vector<1x128xi32>
    %add3A_38 = arith.addi %add3A_33, %concatenate3A_37 : vector<1x128xi32>
    %broadcast_in_dim3A_39 = arith.constant 0 : i32
    %broadcast_in_dim3A_40 = vector.broadcast %broadcast_in_dim3A_39 : i32 to vector<1x32xi32>
    %slice3A_41 = vector.extract_strided_slice %add3A_38 {offsets = [0, 0], sizes = [1, 96], strides = [1, 1]} : vector<1x128xi32> to vector<1x96xi32>
    %concatenate3A_42 = tpu.concatenate %broadcast_in_dim3A_40, %slice3A_41 in 1 : vector<1x32xi32>, vector<1x96xi32> -> vector<1x128xi32>
    %add3A_43 = arith.addi %add3A_38, %concatenate3A_42 : vector<1x128xi32>
    %broadcast_in_dim3A_44 = arith.constant 0 : i32
    %broadcast_in_dim3A_45 = vector.broadcast %broadcast_in_dim3A_44 : i32 to vector<1x64xi32>
    %slice3A_46 = vector.extract_strided_slice %add3A_43 {offsets = [0, 0], sizes = [1, 64], strides = [1, 1]} : vector<1x128xi32> to vector<1x64xi32>
    %concatenate3A_47 = tpu.concatenate %broadcast_in_dim3A_45, %slice3A_46 in 1 : vector<1x64xi32>, vector<1x64xi32> -> vector<1x128xi32>
    %add3A_48 = arith.addi %add3A_43, %concatenate3A_47 : vector<1x128xi32>
    %sub3A = arith.constant 1 : i32
    %sub3A_49 = vector.broadcast %sub3A : i32 to vector<1x128xi32>
    %sub3A_50 = arith.subi %add3A_48, %sub3A_49 : vector<1x128xi32>
    %reduce_sum3A_51 = arith.constant dense<0> : vector<1xi32>
    %reduce_sum3A_52 = vector.multi_reduction <add>, %select_n3A, %reduce_sum3A_51 [1] : vector<1x128xi32> to vector<1xi32>
    %broadcast_in_dim3A_53 = vector.shape_cast %reduce_sum3A_52 : vector<1xi32> to vector<1x1xi32>
    %eq3A = arith.constant 1 : i32
    %eq3A_54 = vector.broadcast %eq3A : i32 to vector<1x128xi32>
    %eq3A_55 = arith.cmpi eq, %select_n3A, %eq3A_54 : vector<1x128xi32>
    %eq3A_56 = arith.constant 0 : i32
    %eq3A_57 = vector.broadcast %eq3A_56 : i32 to vector<1x128xi32>
    %eq3A_58 = arith.cmpi eq, %sub3A_50, %eq3A_57 : vector<1x128xi32>
    %and3A_59 = arith.andi %eq3A_55, %eq3A_58 : vector<1x128xi1>
    %jit3A_60 = arith.constant 0 : i32
    %broadcast_in_dim3A_61 = vector.broadcast %jit3A_60 : i32 to vector<1x128xi32>
    %select_n3A_62 = arith.select %and3A_59, %get3A_1, %broadcast_in_dim3A_61 : vector<1x128xi1>, vector<1x128xi32>
    %reduce_sum3A_63 = arith.constant dense<0> : vector<1xi32>
    %reduce_sum3A_64 = vector.multi_reduction <add>, %select_n3A_62, %reduce_sum3A_63 [1] : vector<1x128xi32> to vector<1xi32>
    %broadcast_in_dim3A_65 = vector.shape_cast %reduce_sum3A_64 : vector<1xi32> to vector<1x1xi32>
    %eq3A_66 = arith.constant 1 : i32
    %eq3A_67 = vector.broadcast %eq3A_66 : i32 to vector<1x128xi32>
    %eq3A_68 = arith.cmpi eq, %select_n3A, %eq3A_67 : vector<1x128xi32>
    %eq3A_69 = arith.constant 1 : i32
    %eq3A_70 = vector.broadcast %eq3A_69 : i32 to vector<1x128xi32>
    %eq3A_71 = arith.cmpi eq, %sub3A_50, %eq3A_70 : vector<1x128xi32>
    %and3A_72 = arith.andi %eq3A_68, %eq3A_71 : vector<1x128xi1>
    %jit3A_73 = arith.constant 0 : i32
    %broadcast_in_dim3A_74 = vector.broadcast %jit3A_73 : i32 to vector<1x128xi32>
    %select_n3A_75 = arith.select %and3A_72, %get3A_1, %broadcast_in_dim3A_74 : vector<1x128xi1>, vector<1x128xi32>
    %reduce_sum3A_76 = arith.constant dense<0> : vector<1xi32>
    %reduce_sum3A_77 = vector.multi_reduction <add>, %select_n3A_75, %reduce_sum3A_76 [1] : vector<1x128xi32> to vector<1xi32>
    %broadcast_in_dim3A_78 = vector.shape_cast %reduce_sum3A_77 : vector<1xi32> to vector<1x1xi32>
    %eq3A_79 = arith.constant 1 : i32
    %eq3A_80 = vector.broadcast %eq3A_79 : i32 to vector<1x128xi32>
    %eq3A_81 = arith.cmpi eq, %select_n3A, %eq3A_80 : vector<1x128xi32>
    %eq3A_82 = arith.constant 2 : i32
    %eq3A_83 = vector.broadcast %eq3A_82 : i32 to vector<1x128xi32>
    %eq3A_84 = arith.cmpi eq, %sub3A_50, %eq3A_83 : vector<1x128xi32>
    %and3A_85 = arith.andi %eq3A_81, %eq3A_84 : vector<1x128xi1>
    %jit3A_86 = arith.constant 0 : i32
    %broadcast_in_dim3A_87 = vector.broadcast %jit3A_86 : i32 to vector<1x128xi32>
    %select_n3A_88 = arith.select %and3A_85, %get3A_1, %broadcast_in_dim3A_87 : vector<1x128xi1>, vector<1x128xi32>
    %reduce_sum3A_89 = arith.constant dense<0> : vector<1xi32>
    %reduce_sum3A_90 = vector.multi_reduction <add>, %select_n3A_88, %reduce_sum3A_89 [1] : vector<1x128xi32> to vector<1xi32>
    %broadcast_in_dim3A_91 = vector.shape_cast %reduce_sum3A_90 : vector<1xi32> to vector<1x1xi32>
    %eq3A_92 = arith.constant 1 : i32
    %eq3A_93 = vector.broadcast %eq3A_92 : i32 to vector<1x128xi32>
    %eq3A_94 = arith.cmpi eq, %select_n3A, %eq3A_93 : vector<1x128xi32>
    %eq3A_95 = arith.constant 3 : i32
    %eq3A_96 = vector.broadcast %eq3A_95 : i32 to vector<1x128xi32>
    %eq3A_97 = arith.cmpi eq, %sub3A_50, %eq3A_96 : vector<1x128xi32>
    %and3A_98 = arith.andi %eq3A_94, %eq3A_97 : vector<1x128xi1>
    %jit3A_99 = arith.constant 0 : i32
    %broadcast_in_dim3A_100 = vector.broadcast %jit3A_99 : i32 to vector<1x128xi32>
    %select_n3A_101 = arith.select %and3A_98, %get3A_1, %broadcast_in_dim3A_100 : vector<1x128xi1>, vector<1x128xi32>
    %reduce_sum3A_102 = arith.constant dense<0> : vector<1xi32>
    %reduce_sum3A_103 = vector.multi_reduction <add>, %select_n3A_101, %reduce_sum3A_102 [1] : vector<1x128xi32> to vector<1xi32>
    %broadcast_in_dim3A_104 = vector.shape_cast %reduce_sum3A_103 : vector<1xi32> to vector<1x1xi32>
    %eq3A_105 = arith.constant 1 : i32
    %eq3A_106 = vector.broadcast %eq3A_105 : i32 to vector<1x128xi32>
    %eq3A_107 = arith.cmpi eq, %select_n3A, %eq3A_106 : vector<1x128xi32>
    %eq3A_108 = arith.constant 4 : i32
    %eq3A_109 = vector.broadcast %eq3A_108 : i32 to vector<1x128xi32>
    %eq3A_110 = arith.cmpi eq, %sub3A_50, %eq3A_109 : vector<1x128xi32>
    %and3A_111 = arith.andi %eq3A_107, %eq3A_110 : vector<1x128xi1>
    %jit3A_112 = arith.constant 0 : i32
    %broadcast_in_dim3A_113 = vector.broadcast %jit3A_112 : i32 to vector<1x128xi32>
    %select_n3A_114 = arith.select %and3A_111, %get3A_1, %broadcast_in_dim3A_113 : vector<1x128xi1>, vector<1x128xi32>
    %reduce_sum3A_115 = arith.constant dense<0> : vector<1xi32>
    %reduce_sum3A_116 = vector.multi_reduction <add>, %select_n3A_114, %reduce_sum3A_115 [1] : vector<1x128xi32> to vector<1xi32>
    %broadcast_in_dim3A_117 = vector.shape_cast %reduce_sum3A_116 : vector<1xi32> to vector<1x1xi32>
    %eq3A_118 = arith.constant 1 : i32
    %eq3A_119 = vector.broadcast %eq3A_118 : i32 to vector<1x128xi32>
    %eq3A_120 = arith.cmpi eq, %select_n3A, %eq3A_119 : vector<1x128xi32>
    %eq3A_121 = arith.constant 5 : i32
    %eq3A_122 = vector.broadcast %eq3A_121 : i32 to vector<1x128xi32>
    %eq3A_123 = arith.cmpi eq, %sub3A_50, %eq3A_122 : vector<1x128xi32>
    %and3A_124 = arith.andi %eq3A_120, %eq3A_123 : vector<1x128xi1>
    %jit3A_125 = arith.constant 0 : i32
    %broadcast_in_dim3A_126 = vector.broadcast %jit3A_125 : i32 to vector<1x128xi32>
    %select_n3A_127 = arith.select %and3A_124, %get3A_1, %broadcast_in_dim3A_126 : vector<1x128xi1>, vector<1x128xi32>
    %reduce_sum3A_128 = arith.constant dense<0> : vector<1xi32>
    %reduce_sum3A_129 = vector.multi_reduction <add>, %select_n3A_127, %reduce_sum3A_128 [1] : vector<1x128xi32> to vector<1xi32>
    %broadcast_in_dim3A_130 = vector.shape_cast %reduce_sum3A_129 : vector<1xi32> to vector<1x1xi32>
    %eq3A_131 = arith.constant 1 : i32
    %eq3A_132 = vector.broadcast %eq3A_131 : i32 to vector<1x128xi32>
    %eq3A_133 = arith.cmpi eq, %select_n3A, %eq3A_132 : vector<1x128xi32>
    %eq3A_134 = arith.constant 6 : i32
    %eq3A_135 = vector.broadcast %eq3A_134 : i32 to vector<1x128xi32>
    %eq3A_136 = arith.cmpi eq, %sub3A_50, %eq3A_135 : vector<1x128xi32>
    %and3A_137 = arith.andi %eq3A_133, %eq3A_136 : vector<1x128xi1>
    %jit3A_138 = arith.constant 0 : i32
    %broadcast_in_dim3A_139 = vector.broadcast %jit3A_138 : i32 to vector<1x128xi32>
    %select_n3A_140 = arith.select %and3A_137, %get3A_1, %broadcast_in_dim3A_139 : vector<1x128xi1>, vector<1x128xi32>
    %reduce_sum3A_141 = arith.constant dense<0> : vector<1xi32>
    %reduce_sum3A_142 = vector.multi_reduction <add>, %select_n3A_140, %reduce_sum3A_141 [1] : vector<1x128xi32> to vector<1xi32>
    %broadcast_in_dim3A_143 = vector.shape_cast %reduce_sum3A_142 : vector<1xi32> to vector<1x1xi32>
    %eq3A_144 = arith.constant 1 : i32
    %eq3A_145 = vector.broadcast %eq3A_144 : i32 to vector<1x128xi32>
    %eq3A_146 = arith.cmpi eq, %select_n3A, %eq3A_145 : vector<1x128xi32>
    %eq3A_147 = arith.constant 7 : i32
    %eq3A_148 = vector.broadcast %eq3A_147 : i32 to vector<1x128xi32>
    %eq3A_149 = arith.cmpi eq, %sub3A_50, %eq3A_148 : vector<1x128xi32>
    %and3A_150 = arith.andi %eq3A_146, %eq3A_149 : vector<1x128xi1>
    %jit3A_151 = arith.constant 0 : i32
    %broadcast_in_dim3A_152 = vector.broadcast %jit3A_151 : i32 to vector<1x128xi32>
    %select_n3A_153 = arith.select %and3A_150, %get3A_1, %broadcast_in_dim3A_152 : vector<1x128xi1>, vector<1x128xi32>
    %reduce_sum3A_154 = arith.constant dense<0> : vector<1xi32>
    %reduce_sum3A_155 = vector.multi_reduction <add>, %select_n3A_153, %reduce_sum3A_154 [1] : vector<1x128xi32> to vector<1xi32>
    %broadcast_in_dim3A_156 = vector.shape_cast %reduce_sum3A_155 : vector<1xi32> to vector<1x1xi32>
    %concatenate3A_157 = tpu.concatenate %broadcast_in_dim3A_65, %broadcast_in_dim3A_78, %broadcast_in_dim3A_91, %broadcast_in_dim3A_104, %broadcast_in_dim3A_117, %broadcast_in_dim3A_130, %broadcast_in_dim3A_143, %broadcast_in_dim3A_156 in 1 : vector<1x1xi32>, vector<1x1xi32>, vector<1x1xi32>, vector<1x1xi32>, vector<1x1xi32>, vector<1x1xi32>, vector<1x1xi32>, vector<1x1xi32> -> vector<1x8xi32>
    %swap3A = arith.constant 0 : index
    %swap3A_158 = arith.constant 0 : index
    %swap3A_159 = vector.load %arg2[%swap3A, %swap3A_158] : memref<1x128xi32, #tpu.memory_space<vmem>>, vector<1x128xi32>
    tpu.vector_store %arg2[%swap3A, %swap3A_158], %select_n3A {strides = array<i32>} : memref<1x128xi32, #tpu.memory_space<vmem>>, vector<1x128xi32>,
    %swap3A_160 = arith.constant 0 : index
    %swap3A_161 = arith.constant 0 : index
    %swap3A_162 = vector.load %arg3[%swap3A_160, %swap3A_161] : memref<1x128xi32, #tpu.memory_space<vmem>>, vector<1x128xi32>
    tpu.vector_store %arg3[%swap3A_160, %swap3A_161], %sub3A_50 {strides = array<i32>} : memref<1x128xi32, #tpu.memory_space<vmem>>, vector<1x128xi32>,
    %broadcast_in_dim3A_163 = arith.constant 0 : i32
    %broadcast_in_dim3A_164 = vector.broadcast %broadcast_in_dim3A_163 : i32 to vector<1x118xi32>
    %concatenate3A_165 = tpu.concatenate %concatenate3A_157, %broadcast_in_dim3A_53, %shift_right_arithmetic3A_7, %broadcast_in_dim3A_164 in 1 : vector<1x8xi32>, vector<1x1xi32>, vector<1x1xi32>, vector<1x118xi32> -> vector<1x128xi32>
    %swap3A_166 = arith.constant 0 : index
    %swap3A_167 = arith.constant 0 : index
    %swap3A_168 = vector.load %arg4[%swap3A_166, %swap3A_167] : memref<1x128xi32, #tpu.memory_space<vmem>>, vector<1x128xi32>
    tpu.vector_store %arg4[%swap3A_166, %swap3A_167], %concatenate3A_165 {strides = array<i32>} : memref<1x128xi32, #tpu.memory_space<vmem>>, vector<1x128xi32>,
    return
  }
}

module attributes {stable_mosaic.version = 14 : i64} {
  func.func @_ffn_body(%arg0: i32, %arg1: memref<24xi32, #tpu.memory_space<smem>>, %arg2: memref<24xi32, #tpu.memory_space<smem>>, %arg3: memref<24xi32, #tpu.memory_space<smem>>, %arg4: memref<16xi32, #tpu.memory_space<smem>>, %arg5: memref<256x768xf32, #tpu.memory_space<vmem>>, %arg6: memref<8x768x3072xf32, #tpu.memory_space<any>>, %arg7: memref<1x1x3072xf32, #tpu.memory_space<vmem>>, %arg8: memref<8x3072x768xf32, #tpu.memory_space<any>>, %arg9: memref<1x1x768xf32, #tpu.memory_space<vmem>>, %arg10: memref<256x768xf32, #tpu.memory_space<vmem>>, %arg11: memref<2x768x3072xf32, #tpu.memory_space<vmem>>, %arg12: memref<2x3072x768xf32, #tpu.memory_space<vmem>>, %arg13: memref<768x3072xbf16, #tpu.memory_space<vmem>>, %arg14: memref<3072x768xbf16, #tpu.memory_space<vmem>>, %arg15: memref<2x4x!tpu.dma_semaphore, #tpu.memory_space<semaphore_mem>>, %arg16: memref<2x4x!tpu.dma_semaphore, #tpu.memory_space<semaphore_mem>>) attributes {dimension_semantics = [#tpu.dimension_semantics<arbitrary>], iteration_bounds = array<i64: 24>, scalar_prefetch = 4 : i64, scratch_operands = 6 : i64, tpu.core_type = #tpu.core_type<tc>, window_params = [{transform_indices = @transform_0, window_bounds = array<i64: 256, 768>}, {}, {transform_indices = @transform_2, window_bounds = array<i64: 1, 1, 3072>}, {}, {transform_indices = @transform_4, window_bounds = array<i64: 1, 1, 768>}, {transform_indices = @transform_5, window_bounds = array<i64: 256, 768>}]} {
    %get3A = arith.index_cast %arg0 : i32 to index
    %get3A_0 = memref.load %arg3[%get3A] : memref<24xi32, #tpu.memory_space<smem>>
    %rem3A = arith.constant 2 : i32
    %rem3A_1 = arith.remsi %get3A_0, %rem3A : i32
    %get3A_2 = arith.constant 8 : index
    %get3A_3 = memref.load %arg4[%get3A_2] : memref<16xi32, #tpu.memory_space<smem>>
    %get3A_4 = arith.constant 9 : index
    %get3A_5 = memref.load %arg4[%get3A_4] : memref<16xi32, #tpu.memory_space<smem>>
    %get3A_6 = arith.index_cast %arg0 : i32 to index
    %get3A_7 = memref.load %arg2[%get3A_6] : memref<24xi32, #tpu.memory_space<smem>>
    %eq3A = arith.constant 1 : i32
    %eq3A_8 = arith.cmpi eq, %get3A_7, %eq3A : i32
    %convert_element_type3A = arith.extui %eq3A_8 : i1 to i32
    %cond3A = arith.constant 0 : i32
    %cond3A_9 = arith.cmpi ne, %convert_element_type3A, %cond3A : i32
    scf.if %cond3A_9 {
      %eq3A_13 = arith.constant 0 : i32
      %eq3A_14 = arith.cmpi eq, %arg0, %eq3A_13 : i32
      %convert_element_type3A_15 = arith.extui %eq3A_14 : i1 to i32
      %cond3A_16 = arith.constant 0 : i32
      %cond3A_17 = arith.cmpi ne, %convert_element_type3A_15, %cond3A_16 : i32
      scf.if %cond3A_17 {
        %get3A_136 = arith.constant 0 : index
        %get3A_137 = memref.load %arg4[%get3A_136] : memref<16xi32, #tpu.memory_space<smem>>
        %dma_start3A = arith.constant 0 : i32
        %dma_start3A_138 = arith.constant 0 : i32
        %dma_start3A_139 = arith.constant 0 : i32
        %dma_start3A_140 = tpu.memref_slice %arg15[%dma_start3A_138, %dma_start3A_139] : memref<2x4x!tpu.dma_semaphore, #tpu.memory_space<semaphore_mem>> -> memref<1x1x!tpu.dma_semaphore, #tpu.memory_space<semaphore_mem>>
        %dma_start3A_141 = tpu.memref_squeeze %dma_start3A_140 : memref<1x1x!tpu.dma_semaphore, #tpu.memory_space<semaphore_mem>> -> memref<!tpu.dma_semaphore, #tpu.memory_space<semaphore_mem>>
        %dma_start3A_142 = arith.constant 0 : i32
        %dma_start3A_143 = arith.constant 0 : i32
        %dma_start3A_144 = tpu.memref_slice %arg11[%dma_start3A, %dma_start3A_142, %dma_start3A_143] : memref<2x768x3072xf32, #tpu.memory_space<vmem>> -> memref<1x192x3072xf32, #tpu.memory_space<vmem>>
        %dma_start3A_145 = tpu.memref_squeeze %dma_start3A_144 : memref<1x192x3072xf32, #tpu.memory_space<vmem>> -> memref<192x3072xf32, #tpu.memory_space<vmem>>
        %dma_start3A_146 = arith.constant 0 : i32
        %dma_start3A_147 = arith.constant 0 : i32
        %dma_start3A_148 = tpu.memref_slice %arg6[%get3A_137, %dma_start3A_146, %dma_start3A_147] : memref<8x768x3072xf32, #tpu.memory_space<any>> -> memref<1x192x3072xf32, #tpu.memory_space<any>>
        %dma_start3A_149 = tpu.memref_squeeze %dma_start3A_148 : memref<1x192x3072xf32, #tpu.memory_space<any>> -> memref<192x3072xf32, #tpu.memory_space<any>>
        tpu.enqueue_dma source(%dma_start3A_149 : memref<192x3072xf32, #tpu.memory_space<any>>) target(%dma_start3A_145 : memref<192x3072xf32, #tpu.memory_space<vmem>>) target_semaphore(%dma_start3A_141 : memref<!tpu.dma_semaphore, #tpu.memory_space<semaphore_mem>>)
        %dma_start3A_150 = arith.constant 0 : i32
        %dma_start3A_151 = arith.constant 0 : i32
        %dma_start3A_152 = arith.constant 0 : i32
        %dma_start3A_153 = tpu.memref_slice %arg16[%dma_start3A_151, %dma_start3A_152] : memref<2x4x!tpu.dma_semaphore, #tpu.memory_space<semaphore_mem>> -> memref<1x1x!tpu.dma_semaphore, #tpu.memory_space<semaphore_mem>>
        %dma_start3A_154 = tpu.memref_squeeze %dma_start3A_153 : memref<1x1x!tpu.dma_semaphore, #tpu.memory_space<semaphore_mem>> -> memref<!tpu.dma_semaphore, #tpu.memory_space<semaphore_mem>>
        %dma_start3A_155 = arith.constant 0 : i32
        %dma_start3A_156 = arith.constant 0 : i32
        %dma_start3A_157 = tpu.memref_slice %arg12[%dma_start3A_150, %dma_start3A_155, %dma_start3A_156] : memref<2x3072x768xf32, #tpu.memory_space<vmem>> -> memref<1x768x768xf32, #tpu.memory_space<vmem>>
        %dma_start3A_158 = tpu.memref_squeeze %dma_start3A_157 : memref<1x768x768xf32, #tpu.memory_space<vmem>> -> memref<768x768xf32, #tpu.memory_space<vmem>>
        %dma_start3A_159 = arith.constant 0 : i32
        %dma_start3A_160 = arith.constant 0 : i32
        %dma_start3A_161 = tpu.memref_slice %arg8[%get3A_137, %dma_start3A_159, %dma_start3A_160] : memref<8x3072x768xf32, #tpu.memory_space<any>> -> memref<1x768x768xf32, #tpu.memory_space<any>>
        %dma_start3A_162 = tpu.memref_squeeze %dma_start3A_161 : memref<1x768x768xf32, #tpu.memory_space<any>> -> memref<768x768xf32, #tpu.memory_space<any>>
        tpu.enqueue_dma source(%dma_start3A_162 : memref<768x768xf32, #tpu.memory_space<any>>) target(%dma_start3A_158 : memref<768x768xf32, #tpu.memory_space<vmem>>) target_semaphore(%dma_start3A_154 : memref<!tpu.dma_semaphore, #tpu.memory_space<semaphore_mem>>)
        %dma_start3A_163 = arith.constant 0 : i32
        %dma_start3A_164 = arith.constant 0 : i32
        %dma_start3A_165 = arith.constant 1 : i32
        %dma_start3A_166 = tpu.memref_slice %arg15[%dma_start3A_164, %dma_start3A_165] : memref<2x4x!tpu.dma_semaphore, #tpu.memory_space<semaphore_mem>> -> memref<1x1x!tpu.dma_semaphore, #tpu.memory_space<semaphore_mem>>
        %dma_start3A_167 = tpu.memref_squeeze %dma_start3A_166 : memref<1x1x!tpu.dma_semaphore, #tpu.memory_space<semaphore_mem>> -> memref<!tpu.dma_semaphore, #tpu.memory_space<semaphore_mem>>
        %dma_start3A_168 = arith.constant 192 : i32
        %dma_start3A_169 = arith.constant 0 : i32
        %dma_start3A_170 = tpu.memref_slice %arg11[%dma_start3A_163, %dma_start3A_168, %dma_start3A_169] : memref<2x768x3072xf32, #tpu.memory_space<vmem>> -> memref<1x192x3072xf32, #tpu.memory_space<vmem>>
        %dma_start3A_171 = tpu.memref_squeeze %dma_start3A_170 : memref<1x192x3072xf32, #tpu.memory_space<vmem>> -> memref<192x3072xf32, #tpu.memory_space<vmem>>
        %dma_start3A_172 = arith.constant 192 : i32
        %dma_start3A_173 = arith.constant 0 : i32
        %dma_start3A_174 = tpu.memref_slice %arg6[%get3A_137, %dma_start3A_172, %dma_start3A_173] : memref<8x768x3072xf32, #tpu.memory_space<any>> -> memref<1x192x3072xf32, #tpu.memory_space<any>>
        %dma_start3A_175 = tpu.memref_squeeze %dma_start3A_174 : memref<1x192x3072xf32, #tpu.memory_space<any>> -> memref<192x3072xf32, #tpu.memory_space<any>>
        tpu.enqueue_dma source(%dma_start3A_175 : memref<192x3072xf32, #tpu.memory_space<any>>) target(%dma_start3A_171 : memref<192x3072xf32, #tpu.memory_space<vmem>>) target_semaphore(%dma_start3A_167 : memref<!tpu.dma_semaphore, #tpu.memory_space<semaphore_mem>>)
        %dma_start3A_176 = arith.constant 0 : i32
        %dma_start3A_177 = arith.constant 0 : i32
        %dma_start3A_178 = arith.constant 1 : i32
        %dma_start3A_179 = tpu.memref_slice %arg16[%dma_start3A_177, %dma_start3A_178] : memref<2x4x!tpu.dma_semaphore, #tpu.memory_space<semaphore_mem>> -> memref<1x1x!tpu.dma_semaphore, #tpu.memory_space<semaphore_mem>>
        %dma_start3A_180 = tpu.memref_squeeze %dma_start3A_179 : memref<1x1x!tpu.dma_semaphore, #tpu.memory_space<semaphore_mem>> -> memref<!tpu.dma_semaphore, #tpu.memory_space<semaphore_mem>>
        %dma_start3A_181 = arith.constant 768 : i32
        %dma_start3A_182 = arith.constant 0 : i32
        %dma_start3A_183 = tpu.memref_slice %arg12[%dma_start3A_176, %dma_start3A_181, %dma_start3A_182] : memref<2x3072x768xf32, #tpu.memory_space<vmem>> -> memref<1x768x768xf32, #tpu.memory_space<vmem>>
        %dma_start3A_184 = tpu.memref_squeeze %dma_start3A_183 : memref<1x768x768xf32, #tpu.memory_space<vmem>> -> memref<768x768xf32, #tpu.memory_space<vmem>>
        %dma_start3A_185 = arith.constant 768 : i32
        %dma_start3A_186 = arith.constant 0 : i32
        %dma_start3A_187 = tpu.memref_slice %arg8[%get3A_137, %dma_start3A_185, %dma_start3A_186] : memref<8x3072x768xf32, #tpu.memory_space<any>> -> memref<1x768x768xf32, #tpu.memory_space<any>>
        %dma_start3A_188 = tpu.memref_squeeze %dma_start3A_187 : memref<1x768x768xf32, #tpu.memory_space<any>> -> memref<768x768xf32, #tpu.memory_space<any>>
        tpu.enqueue_dma source(%dma_start3A_188 : memref<768x768xf32, #tpu.memory_space<any>>) target(%dma_start3A_184 : memref<768x768xf32, #tpu.memory_space<vmem>>) target_semaphore(%dma_start3A_180 : memref<!tpu.dma_semaphore, #tpu.memory_space<semaphore_mem>>)
        %dma_start3A_189 = arith.constant 0 : i32
        %dma_start3A_190 = arith.constant 0 : i32
        %dma_start3A_191 = arith.constant 2 : i32
        %dma_start3A_192 = tpu.memref_slice %arg15[%dma_start3A_190, %dma_start3A_191] : memref<2x4x!tpu.dma_semaphore, #tpu.memory_space<semaphore_mem>> -> memref<1x1x!tpu.dma_semaphore, #tpu.memory_space<semaphore_mem>>
        %dma_start3A_193 = tpu.memref_squeeze %dma_start3A_192 : memref<1x1x!tpu.dma_semaphore, #tpu.memory_space<semaphore_mem>> -> memref<!tpu.dma_semaphore, #tpu.memory_space<semaphore_mem>>
        %dma_start3A_194 = arith.constant 384 : i32
        %dma_start3A_195 = arith.constant 0 : i32
        %dma_start3A_196 = tpu.memref_slice %arg11[%dma_start3A_189, %dma_start3A_194, %dma_start3A_195] : memref<2x768x3072xf32, #tpu.memory_space<vmem>> -> memref<1x192x3072xf32, #tpu.memory_space<vmem>>
        %dma_start3A_197 = tpu.memref_squeeze %dma_start3A_196 : memref<1x192x3072xf32, #tpu.memory_space<vmem>> -> memref<192x3072xf32, #tpu.memory_space<vmem>>
        %dma_start3A_198 = arith.constant 384 : i32
        %dma_start3A_199 = arith.constant 0 : i32
        %dma_start3A_200 = tpu.memref_slice %arg6[%get3A_137, %dma_start3A_198, %dma_start3A_199] : memref<8x768x3072xf32, #tpu.memory_space<any>> -> memref<1x192x3072xf32, #tpu.memory_space<any>>
        %dma_start3A_201 = tpu.memref_squeeze %dma_start3A_200 : memref<1x192x3072xf32, #tpu.memory_space<any>> -> memref<192x3072xf32, #tpu.memory_space<any>>
        tpu.enqueue_dma source(%dma_start3A_201 : memref<192x3072xf32, #tpu.memory_space<any>>) target(%dma_start3A_197 : memref<192x3072xf32, #tpu.memory_space<vmem>>) target_semaphore(%dma_start3A_193 : memref<!tpu.dma_semaphore, #tpu.memory_space<semaphore_mem>>)
        %dma_start3A_202 = arith.constant 0 : i32
        %dma_start3A_203 = arith.constant 0 : i32
        %dma_start3A_204 = arith.constant 2 : i32
        %dma_start3A_205 = tpu.memref_slice %arg16[%dma_start3A_203, %dma_start3A_204] : memref<2x4x!tpu.dma_semaphore, #tpu.memory_space<semaphore_mem>> -> memref<1x1x!tpu.dma_semaphore, #tpu.memory_space<semaphore_mem>>
        %dma_start3A_206 = tpu.memref_squeeze %dma_start3A_205 : memref<1x1x!tpu.dma_semaphore, #tpu.memory_space<semaphore_mem>> -> memref<!tpu.dma_semaphore, #tpu.memory_space<semaphore_mem>>
        %dma_start3A_207 = arith.constant 1536 : i32
        %dma_start3A_208 = arith.constant 0 : i32
        %dma_start3A_209 = tpu.memref_slice %arg12[%dma_start3A_202, %dma_start3A_207, %dma_start3A_208] : memref<2x3072x768xf32, #tpu.memory_space<vmem>> -> memref<1x768x768xf32, #tpu.memory_space<vmem>>
        %dma_start3A_210 = tpu.memref_squeeze %dma_start3A_209 : memref<1x768x768xf32, #tpu.memory_space<vmem>> -> memref<768x768xf32, #tpu.memory_space<vmem>>
        %dma_start3A_211 = arith.constant 1536 : i32
        %dma_start3A_212 = arith.constant 0 : i32
        %dma_start3A_213 = tpu.memref_slice %arg8[%get3A_137, %dma_start3A_211, %dma_start3A_212] : memref<8x3072x768xf32, #tpu.memory_space<any>> -> memref<1x768x768xf32, #tpu.memory_space<any>>
        %dma_start3A_214 = tpu.memref_squeeze %dma_start3A_213 : memref<1x768x768xf32, #tpu.memory_space<any>> -> memref<768x768xf32, #tpu.memory_space<any>>
        tpu.enqueue_dma source(%dma_start3A_214 : memref<768x768xf32, #tpu.memory_space<any>>) target(%dma_start3A_210 : memref<768x768xf32, #tpu.memory_space<vmem>>) target_semaphore(%dma_start3A_206 : memref<!tpu.dma_semaphore, #tpu.memory_space<semaphore_mem>>)
        %dma_start3A_215 = arith.constant 0 : i32
        %dma_start3A_216 = arith.constant 0 : i32
        %dma_start3A_217 = arith.constant 3 : i32
        %dma_start3A_218 = tpu.memref_slice %arg15[%dma_start3A_216, %dma_start3A_217] : memref<2x4x!tpu.dma_semaphore, #tpu.memory_space<semaphore_mem>> -> memref<1x1x!tpu.dma_semaphore, #tpu.memory_space<semaphore_mem>>
        %dma_start3A_219 = tpu.memref_squeeze %dma_start3A_218 : memref<1x1x!tpu.dma_semaphore, #tpu.memory_space<semaphore_mem>> -> memref<!tpu.dma_semaphore, #tpu.memory_space<semaphore_mem>>
        %dma_start3A_220 = arith.constant 576 : i32
        %dma_start3A_221 = arith.constant 0 : i32
        %dma_start3A_222 = tpu.memref_slice %arg11[%dma_start3A_215, %dma_start3A_220, %dma_start3A_221] : memref<2x768x3072xf32, #tpu.memory_space<vmem>> -> memref<1x192x3072xf32, #tpu.memory_space<vmem>>
        %dma_start3A_223 = tpu.memref_squeeze %dma_start3A_222 : memref<1x192x3072xf32, #tpu.memory_space<vmem>> -> memref<192x3072xf32, #tpu.memory_space<vmem>>
        %dma_start3A_224 = arith.constant 576 : i32
        %dma_start3A_225 = arith.constant 0 : i32
        %dma_start3A_226 = tpu.memref_slice %arg6[%get3A_137, %dma_start3A_224, %dma_start3A_225] : memref<8x768x3072xf32, #tpu.memory_space<any>> -> memref<1x192x3072xf32, #tpu.memory_space<any>>
        %dma_start3A_227 = tpu.memref_squeeze %dma_start3A_226 : memref<1x192x3072xf32, #tpu.memory_space<any>> -> memref<192x3072xf32, #tpu.memory_space<any>>
        tpu.enqueue_dma source(%dma_start3A_227 : memref<192x3072xf32, #tpu.memory_space<any>>) target(%dma_start3A_223 : memref<192x3072xf32, #tpu.memory_space<vmem>>) target_semaphore(%dma_start3A_219 : memref<!tpu.dma_semaphore, #tpu.memory_space<semaphore_mem>>)
        %dma_start3A_228 = arith.constant 0 : i32
        %dma_start3A_229 = arith.constant 0 : i32
        %dma_start3A_230 = arith.constant 3 : i32
        %dma_start3A_231 = tpu.memref_slice %arg16[%dma_start3A_229, %dma_start3A_230] : memref<2x4x!tpu.dma_semaphore, #tpu.memory_space<semaphore_mem>> -> memref<1x1x!tpu.dma_semaphore, #tpu.memory_space<semaphore_mem>>
        %dma_start3A_232 = tpu.memref_squeeze %dma_start3A_231 : memref<1x1x!tpu.dma_semaphore, #tpu.memory_space<semaphore_mem>> -> memref<!tpu.dma_semaphore, #tpu.memory_space<semaphore_mem>>
        %dma_start3A_233 = arith.constant 2304 : i32
        %dma_start3A_234 = arith.constant 0 : i32
        %dma_start3A_235 = tpu.memref_slice %arg12[%dma_start3A_228, %dma_start3A_233, %dma_start3A_234] : memref<2x3072x768xf32, #tpu.memory_space<vmem>> -> memref<1x768x768xf32, #tpu.memory_space<vmem>>
        %dma_start3A_236 = tpu.memref_squeeze %dma_start3A_235 : memref<1x768x768xf32, #tpu.memory_space<vmem>> -> memref<768x768xf32, #tpu.memory_space<vmem>>
        %dma_start3A_237 = arith.constant 2304 : i32
        %dma_start3A_238 = arith.constant 0 : i32
        %dma_start3A_239 = tpu.memref_slice %arg8[%get3A_137, %dma_start3A_237, %dma_start3A_238] : memref<8x3072x768xf32, #tpu.memory_space<any>> -> memref<1x768x768xf32, #tpu.memory_space<any>>
        %dma_start3A_240 = tpu.memref_squeeze %dma_start3A_239 : memref<1x768x768xf32, #tpu.memory_space<any>> -> memref<768x768xf32, #tpu.memory_space<any>>
        tpu.enqueue_dma source(%dma_start3A_240 : memref<768x768xf32, #tpu.memory_space<any>>) target(%dma_start3A_236 : memref<768x768xf32, #tpu.memory_space<vmem>>) target_semaphore(%dma_start3A_232 : memref<!tpu.dma_semaphore, #tpu.memory_space<semaphore_mem>>)
      } else {
      }
      %add3A = arith.constant 2 : i32
      %add3A_18 = arith.addi %get3A_0, %add3A : i32
      %sub3A = arith.constant 1 : i32
      %sub3A_19 = arith.subi %add3A_18, %sub3A : i32
      %lt3A_20 = arith.cmpi slt, %sub3A_19, %get3A_3 : i32
      %convert_element_type3A_21 = arith.extui %lt3A_20 : i1 to i32
      %cond3A_22 = arith.constant 0 : i32
      %cond3A_23 = arith.cmpi ne, %convert_element_type3A_21, %cond3A_22 : i32
      scf.if %cond3A_23 {
        %add3A_136 = arith.constant 2 : i32
        %add3A_137 = arith.addi %get3A_0, %add3A_136 : i32
        %sub3A_138 = arith.constant 1 : i32
        %sub3A_139 = arith.subi %add3A_137, %sub3A_138 : i32
        %get3A_140 = arith.index_cast %sub3A_139 : i32 to index
        %get3A_141 = memref.load %arg4[%get3A_140] : memref<16xi32, #tpu.memory_space<smem>>
        %add3A_142 = arith.constant 2 : i32
        %add3A_143 = arith.addi %get3A_0, %add3A_142 : i32
        %sub3A_144 = arith.constant 1 : i32
        %sub3A_145 = arith.subi %add3A_143, %sub3A_144 : i32
        %rem3A_146 = arith.constant 2 : i32
        %rem3A_147 = arith.remsi %sub3A_145, %rem3A_146 : i32
        %dma_start3A = arith.constant 0 : i32
        %dma_start3A_148 = tpu.memref_slice %arg15[%rem3A_147, %dma_start3A] : memref<2x4x!tpu.dma_semaphore, #tpu.memory_space<semaphore_mem>> -> memref<1x1x!tpu.dma_semaphore, #tpu.memory_space<semaphore_mem>>
        %dma_start3A_149 = tpu.memref_squeeze %dma_start3A_148 : memref<1x1x!tpu.dma_semaphore, #tpu.memory_space<semaphore_mem>> -> memref<!tpu.dma_semaphore, #tpu.memory_space<semaphore_mem>>
        %dma_start3A_150 = arith.constant 0 : i32
        %dma_start3A_151 = arith.constant 0 : i32
        %dma_start3A_152 = tpu.memref_slice %arg11[%rem3A_147, %dma_start3A_150, %dma_start3A_151] : memref<2x768x3072xf32, #tpu.memory_space<vmem>> -> memref<1x192x3072xf32, #tpu.memory_space<vmem>>
        %dma_start3A_153 = tpu.memref_squeeze %dma_start3A_152 : memref<1x192x3072xf32, #tpu.memory_space<vmem>> -> memref<192x3072xf32, #tpu.memory_space<vmem>>
        %dma_start3A_154 = arith.constant 0 : i32
        %dma_start3A_155 = arith.constant 0 : i32
        %dma_start3A_156 = tpu.memref_slice %arg6[%get3A_141, %dma_start3A_154, %dma_start3A_155] : memref<8x768x3072xf32, #tpu.memory_space<any>> -> memref<1x192x3072xf32, #tpu.memory_space<any>>
        %dma_start3A_157 = tpu.memref_squeeze %dma_start3A_156 : memref<1x192x3072xf32, #tpu.memory_space<any>> -> memref<192x3072xf32, #tpu.memory_space<any>>
        tpu.enqueue_dma source(%dma_start3A_157 : memref<192x3072xf32, #tpu.memory_space<any>>) target(%dma_start3A_153 : memref<192x3072xf32, #tpu.memory_space<vmem>>) target_semaphore(%dma_start3A_149 : memref<!tpu.dma_semaphore, #tpu.memory_space<semaphore_mem>>)
        %dma_start3A_158 = arith.constant 0 : i32
        %dma_start3A_159 = tpu.memref_slice %arg16[%rem3A_147, %dma_start3A_158] : memref<2x4x!tpu.dma_semaphore, #tpu.memory_space<semaphore_mem>> -> memref<1x1x!tpu.dma_semaphore, #tpu.memory_space<semaphore_mem>>
        %dma_start3A_160 = tpu.memref_squeeze %dma_start3A_159 : memref<1x1x!tpu.dma_semaphore, #tpu.memory_space<semaphore_mem>> -> memref<!tpu.dma_semaphore, #tpu.memory_space<semaphore_mem>>
        %dma_start3A_161 = arith.constant 0 : i32
        %dma_start3A_162 = arith.constant 0 : i32
        %dma_start3A_163 = tpu.memref_slice %arg12[%rem3A_147, %dma_start3A_161, %dma_start3A_162] : memref<2x3072x768xf32, #tpu.memory_space<vmem>> -> memref<1x768x768xf32, #tpu.memory_space<vmem>>
        %dma_start3A_164 = tpu.memref_squeeze %dma_start3A_163 : memref<1x768x768xf32, #tpu.memory_space<vmem>> -> memref<768x768xf32, #tpu.memory_space<vmem>>
        %dma_start3A_165 = arith.constant 0 : i32
        %dma_start3A_166 = arith.constant 0 : i32
        %dma_start3A_167 = tpu.memref_slice %arg8[%get3A_141, %dma_start3A_165, %dma_start3A_166] : memref<8x3072x768xf32, #tpu.memory_space<any>> -> memref<1x768x768xf32, #tpu.memory_space<any>>
        %dma_start3A_168 = tpu.memref_squeeze %dma_start3A_167 : memref<1x768x768xf32, #tpu.memory_space<any>> -> memref<768x768xf32, #tpu.memory_space<any>>
        tpu.enqueue_dma source(%dma_start3A_168 : memref<768x768xf32, #tpu.memory_space<any>>) target(%dma_start3A_164 : memref<768x768xf32, #tpu.memory_space<vmem>>) target_semaphore(%dma_start3A_160 : memref<!tpu.dma_semaphore, #tpu.memory_space<semaphore_mem>>)
        %dma_start3A_169 = arith.constant 1 : i32
        %dma_start3A_170 = tpu.memref_slice %arg15[%rem3A_147, %dma_start3A_169] : memref<2x4x!tpu.dma_semaphore, #tpu.memory_space<semaphore_mem>> -> memref<1x1x!tpu.dma_semaphore, #tpu.memory_space<semaphore_mem>>
        %dma_start3A_171 = tpu.memref_squeeze %dma_start3A_170 : memref<1x1x!tpu.dma_semaphore, #tpu.memory_space<semaphore_mem>> -> memref<!tpu.dma_semaphore, #tpu.memory_space<semaphore_mem>>
        %dma_start3A_172 = arith.constant 192 : i32
        %dma_start3A_173 = arith.constant 0 : i32
        %dma_start3A_174 = tpu.memref_slice %arg11[%rem3A_147, %dma_start3A_172, %dma_start3A_173] : memref<2x768x3072xf32, #tpu.memory_space<vmem>> -> memref<1x192x3072xf32, #tpu.memory_space<vmem>>
        %dma_start3A_175 = tpu.memref_squeeze %dma_start3A_174 : memref<1x192x3072xf32, #tpu.memory_space<vmem>> -> memref<192x3072xf32, #tpu.memory_space<vmem>>
        %dma_start3A_176 = arith.constant 192 : i32
        %dma_start3A_177 = arith.constant 0 : i32
        %dma_start3A_178 = tpu.memref_slice %arg6[%get3A_141, %dma_start3A_176, %dma_start3A_177] : memref<8x768x3072xf32, #tpu.memory_space<any>> -> memref<1x192x3072xf32, #tpu.memory_space<any>>
        %dma_start3A_179 = tpu.memref_squeeze %dma_start3A_178 : memref<1x192x3072xf32, #tpu.memory_space<any>> -> memref<192x3072xf32, #tpu.memory_space<any>>
        tpu.enqueue_dma source(%dma_start3A_179 : memref<192x3072xf32, #tpu.memory_space<any>>) target(%dma_start3A_175 : memref<192x3072xf32, #tpu.memory_space<vmem>>) target_semaphore(%dma_start3A_171 : memref<!tpu.dma_semaphore, #tpu.memory_space<semaphore_mem>>)
        %dma_start3A_180 = arith.constant 1 : i32
        %dma_start3A_181 = tpu.memref_slice %arg16[%rem3A_147, %dma_start3A_180] : memref<2x4x!tpu.dma_semaphore, #tpu.memory_space<semaphore_mem>> -> memref<1x1x!tpu.dma_semaphore, #tpu.memory_space<semaphore_mem>>
        %dma_start3A_182 = tpu.memref_squeeze %dma_start3A_181 : memref<1x1x!tpu.dma_semaphore, #tpu.memory_space<semaphore_mem>> -> memref<!tpu.dma_semaphore, #tpu.memory_space<semaphore_mem>>
        %dma_start3A_183 = arith.constant 768 : i32
        %dma_start3A_184 = arith.constant 0 : i32
        %dma_start3A_185 = tpu.memref_slice %arg12[%rem3A_147, %dma_start3A_183, %dma_start3A_184] : memref<2x3072x768xf32, #tpu.memory_space<vmem>> -> memref<1x768x768xf32, #tpu.memory_space<vmem>>
        %dma_start3A_186 = tpu.memref_squeeze %dma_start3A_185 : memref<1x768x768xf32, #tpu.memory_space<vmem>> -> memref<768x768xf32, #tpu.memory_space<vmem>>
        %dma_start3A_187 = arith.constant 768 : i32
        %dma_start3A_188 = arith.constant 0 : i32
        %dma_start3A_189 = tpu.memref_slice %arg8[%get3A_141, %dma_start3A_187, %dma_start3A_188] : memref<8x3072x768xf32, #tpu.memory_space<any>> -> memref<1x768x768xf32, #tpu.memory_space<any>>
        %dma_start3A_190 = tpu.memref_squeeze %dma_start3A_189 : memref<1x768x768xf32, #tpu.memory_space<any>> -> memref<768x768xf32, #tpu.memory_space<any>>
        tpu.enqueue_dma source(%dma_start3A_190 : memref<768x768xf32, #tpu.memory_space<any>>) target(%dma_start3A_186 : memref<768x768xf32, #tpu.memory_space<vmem>>) target_semaphore(%dma_start3A_182 : memref<!tpu.dma_semaphore, #tpu.memory_space<semaphore_mem>>)
        %dma_start3A_191 = arith.constant 2 : i32
        %dma_start3A_192 = tpu.memref_slice %arg15[%rem3A_147, %dma_start3A_191] : memref<2x4x!tpu.dma_semaphore, #tpu.memory_space<semaphore_mem>> -> memref<1x1x!tpu.dma_semaphore, #tpu.memory_space<semaphore_mem>>
        %dma_start3A_193 = tpu.memref_squeeze %dma_start3A_192 : memref<1x1x!tpu.dma_semaphore, #tpu.memory_space<semaphore_mem>> -> memref<!tpu.dma_semaphore, #tpu.memory_space<semaphore_mem>>
        %dma_start3A_194 = arith.constant 384 : i32
        %dma_start3A_195 = arith.constant 0 : i32
        %dma_start3A_196 = tpu.memref_slice %arg11[%rem3A_147, %dma_start3A_194, %dma_start3A_195] : memref<2x768x3072xf32, #tpu.memory_space<vmem>> -> memref<1x192x3072xf32, #tpu.memory_space<vmem>>
        %dma_start3A_197 = tpu.memref_squeeze %dma_start3A_196 : memref<1x192x3072xf32, #tpu.memory_space<vmem>> -> memref<192x3072xf32, #tpu.memory_space<vmem>>
        %dma_start3A_198 = arith.constant 384 : i32
        %dma_start3A_199 = arith.constant 0 : i32
        %dma_start3A_200 = tpu.memref_slice %arg6[%get3A_141, %dma_start3A_198, %dma_start3A_199] : memref<8x768x3072xf32, #tpu.memory_space<any>> -> memref<1x192x3072xf32, #tpu.memory_space<any>>
        %dma_start3A_201 = tpu.memref_squeeze %dma_start3A_200 : memref<1x192x3072xf32, #tpu.memory_space<any>> -> memref<192x3072xf32, #tpu.memory_space<any>>
        tpu.enqueue_dma source(%dma_start3A_201 : memref<192x3072xf32, #tpu.memory_space<any>>) target(%dma_start3A_197 : memref<192x3072xf32, #tpu.memory_space<vmem>>) target_semaphore(%dma_start3A_193 : memref<!tpu.dma_semaphore, #tpu.memory_space<semaphore_mem>>)
        %dma_start3A_202 = arith.constant 2 : i32
        %dma_start3A_203 = tpu.memref_slice %arg16[%rem3A_147, %dma_start3A_202] : memref<2x4x!tpu.dma_semaphore, #tpu.memory_space<semaphore_mem>> -> memref<1x1x!tpu.dma_semaphore, #tpu.memory_space<semaphore_mem>>
        %dma_start3A_204 = tpu.memref_squeeze %dma_start3A_203 : memref<1x1x!tpu.dma_semaphore, #tpu.memory_space<semaphore_mem>> -> memref<!tpu.dma_semaphore, #tpu.memory_space<semaphore_mem>>
        %dma_start3A_205 = arith.constant 1536 : i32
        %dma_start3A_206 = arith.constant 0 : i32
        %dma_start3A_207 = tpu.memref_slice %arg12[%rem3A_147, %dma_start3A_205, %dma_start3A_206] : memref<2x3072x768xf32, #tpu.memory_space<vmem>> -> memref<1x768x768xf32, #tpu.memory_space<vmem>>
        %dma_start3A_208 = tpu.memref_squeeze %dma_start3A_207 : memref<1x768x768xf32, #tpu.memory_space<vmem>> -> memref<768x768xf32, #tpu.memory_space<vmem>>
        %dma_start3A_209 = arith.constant 1536 : i32
        %dma_start3A_210 = arith.constant 0 : i32
        %dma_start3A_211 = tpu.memref_slice %arg8[%get3A_141, %dma_start3A_209, %dma_start3A_210] : memref<8x3072x768xf32, #tpu.memory_space<any>> -> memref<1x768x768xf32, #tpu.memory_space<any>>
        %dma_start3A_212 = tpu.memref_squeeze %dma_start3A_211 : memref<1x768x768xf32, #tpu.memory_space<any>> -> memref<768x768xf32, #tpu.memory_space<any>>
        tpu.enqueue_dma source(%dma_start3A_212 : memref<768x768xf32, #tpu.memory_space<any>>) target(%dma_start3A_208 : memref<768x768xf32, #tpu.memory_space<vmem>>) target_semaphore(%dma_start3A_204 : memref<!tpu.dma_semaphore, #tpu.memory_space<semaphore_mem>>)
        %dma_start3A_213 = arith.constant 3 : i32
        %dma_start3A_214 = tpu.memref_slice %arg15[%rem3A_147, %dma_start3A_213] : memref<2x4x!tpu.dma_semaphore, #tpu.memory_space<semaphore_mem>> -> memref<1x1x!tpu.dma_semaphore, #tpu.memory_space<semaphore_mem>>
        %dma_start3A_215 = tpu.memref_squeeze %dma_start3A_214 : memref<1x1x!tpu.dma_semaphore, #tpu.memory_space<semaphore_mem>> -> memref<!tpu.dma_semaphore, #tpu.memory_space<semaphore_mem>>
        %dma_start3A_216 = arith.constant 576 : i32
        %dma_start3A_217 = arith.constant 0 : i32
        %dma_start3A_218 = tpu.memref_slice %arg11[%rem3A_147, %dma_start3A_216, %dma_start3A_217] : memref<2x768x3072xf32, #tpu.memory_space<vmem>> -> memref<1x192x3072xf32, #tpu.memory_space<vmem>>
        %dma_start3A_219 = tpu.memref_squeeze %dma_start3A_218 : memref<1x192x3072xf32, #tpu.memory_space<vmem>> -> memref<192x3072xf32, #tpu.memory_space<vmem>>
        %dma_start3A_220 = arith.constant 576 : i32
        %dma_start3A_221 = arith.constant 0 : i32
        %dma_start3A_222 = tpu.memref_slice %arg6[%get3A_141, %dma_start3A_220, %dma_start3A_221] : memref<8x768x3072xf32, #tpu.memory_space<any>> -> memref<1x192x3072xf32, #tpu.memory_space<any>>
        %dma_start3A_223 = tpu.memref_squeeze %dma_start3A_222 : memref<1x192x3072xf32, #tpu.memory_space<any>> -> memref<192x3072xf32, #tpu.memory_space<any>>
        tpu.enqueue_dma source(%dma_start3A_223 : memref<192x3072xf32, #tpu.memory_space<any>>) target(%dma_start3A_219 : memref<192x3072xf32, #tpu.memory_space<vmem>>) target_semaphore(%dma_start3A_215 : memref<!tpu.dma_semaphore, #tpu.memory_space<semaphore_mem>>)
        %dma_start3A_224 = arith.constant 3 : i32
        %dma_start3A_225 = tpu.memref_slice %arg16[%rem3A_147, %dma_start3A_224] : memref<2x4x!tpu.dma_semaphore, #tpu.memory_space<semaphore_mem>> -> memref<1x1x!tpu.dma_semaphore, #tpu.memory_space<semaphore_mem>>
        %dma_start3A_226 = tpu.memref_squeeze %dma_start3A_225 : memref<1x1x!tpu.dma_semaphore, #tpu.memory_space<semaphore_mem>> -> memref<!tpu.dma_semaphore, #tpu.memory_space<semaphore_mem>>
        %dma_start3A_227 = arith.constant 2304 : i32
        %dma_start3A_228 = arith.constant 0 : i32
        %dma_start3A_229 = tpu.memref_slice %arg12[%rem3A_147, %dma_start3A_227, %dma_start3A_228] : memref<2x3072x768xf32, #tpu.memory_space<vmem>> -> memref<1x768x768xf32, #tpu.memory_space<vmem>>
        %dma_start3A_230 = tpu.memref_squeeze %dma_start3A_229 : memref<1x768x768xf32, #tpu.memory_space<vmem>> -> memref<768x768xf32, #tpu.memory_space<vmem>>
        %dma_start3A_231 = arith.constant 2304 : i32
        %dma_start3A_232 = arith.constant 0 : i32
        %dma_start3A_233 = tpu.memref_slice %arg8[%get3A_141, %dma_start3A_231, %dma_start3A_232] : memref<8x3072x768xf32, #tpu.memory_space<any>> -> memref<1x768x768xf32, #tpu.memory_space<any>>
        %dma_start3A_234 = tpu.memref_squeeze %dma_start3A_233 : memref<1x768x768xf32, #tpu.memory_space<any>> -> memref<768x768xf32, #tpu.memory_space<any>>
        tpu.enqueue_dma source(%dma_start3A_234 : memref<768x768xf32, #tpu.memory_space<any>>) target(%dma_start3A_230 : memref<768x768xf32, #tpu.memory_space<vmem>>) target_semaphore(%dma_start3A_226 : memref<!tpu.dma_semaphore, #tpu.memory_space<semaphore_mem>>)
      } else {
      }
      %dma_wait3A = arith.constant 0 : i32
      %dma_wait3A_24 = arith.constant 0 : i32
      %dma_wait3A_25 = tpu.memref_slice %arg15[%rem3A_1, %dma_wait3A_24] : memref<2x4x!tpu.dma_semaphore, #tpu.memory_space<semaphore_mem>> -> memref<1x1x!tpu.dma_semaphore, #tpu.memory_space<semaphore_mem>>
      %dma_wait3A_26 = tpu.memref_squeeze %dma_wait3A_25 : memref<1x1x!tpu.dma_semaphore, #tpu.memory_space<semaphore_mem>> -> memref<!tpu.dma_semaphore, #tpu.memory_space<semaphore_mem>>
      %dma_wait3A_27 = arith.constant 0 : i32
      %dma_wait3A_28 = arith.constant 0 : i32
      %dma_wait3A_29 = tpu.memref_slice %arg11[%rem3A_1, %dma_wait3A_27, %dma_wait3A_28] : memref<2x768x3072xf32, #tpu.memory_space<vmem>> -> memref<1x192x3072xf32, #tpu.memory_space<vmem>>
      %dma_wait3A_30 = tpu.memref_squeeze %dma_wait3A_29 : memref<1x192x3072xf32, #tpu.memory_space<vmem>> -> memref<192x3072xf32, #tpu.memory_space<vmem>>
      %dma_wait3A_31 = arith.constant 0 : i32
      %dma_wait3A_32 = arith.constant 0 : i32
      %dma_wait3A_33 = tpu.memref_slice %arg6[%dma_wait3A, %dma_wait3A_31, %dma_wait3A_32] : memref<8x768x3072xf32, #tpu.memory_space<any>> -> memref<1x192x3072xf32, #tpu.memory_space<any>>
      %dma_wait3A_34 = tpu.memref_squeeze %dma_wait3A_33 : memref<1x192x3072xf32, #tpu.memory_space<any>> -> memref<192x3072xf32, #tpu.memory_space<any>>
      tpu.wait_dma2 semaphore(%dma_wait3A_26 : memref<!tpu.dma_semaphore, #tpu.memory_space<semaphore_mem>>) src(%dma_wait3A_34 : memref<192x3072xf32, #tpu.memory_space<any>>) dst(%dma_wait3A_30 : memref<192x3072xf32, #tpu.memory_space<vmem>>)
      %dma_wait3A_35 = arith.constant 0 : i32
      %dma_wait3A_36 = arith.constant 1 : i32
      %dma_wait3A_37 = tpu.memref_slice %arg15[%rem3A_1, %dma_wait3A_36] : memref<2x4x!tpu.dma_semaphore, #tpu.memory_space<semaphore_mem>> -> memref<1x1x!tpu.dma_semaphore, #tpu.memory_space<semaphore_mem>>
      %dma_wait3A_38 = tpu.memref_squeeze %dma_wait3A_37 : memref<1x1x!tpu.dma_semaphore, #tpu.memory_space<semaphore_mem>> -> memref<!tpu.dma_semaphore, #tpu.memory_space<semaphore_mem>>
      %dma_wait3A_39 = arith.constant 192 : i32
      %dma_wait3A_40 = arith.constant 0 : i32
      %dma_wait3A_41 = tpu.memref_slice %arg11[%rem3A_1, %dma_wait3A_39, %dma_wait3A_40] : memref<2x768x3072xf32, #tpu.memory_space<vmem>> -> memref<1x192x3072xf32, #tpu.memory_space<vmem>>
      %dma_wait3A_42 = tpu.memref_squeeze %dma_wait3A_41 : memref<1x192x3072xf32, #tpu.memory_space<vmem>> -> memref<192x3072xf32, #tpu.memory_space<vmem>>
      %dma_wait3A_43 = arith.constant 192 : i32
      %dma_wait3A_44 = arith.constant 0 : i32
      %dma_wait3A_45 = tpu.memref_slice %arg6[%dma_wait3A_35, %dma_wait3A_43, %dma_wait3A_44] : memref<8x768x3072xf32, #tpu.memory_space<any>> -> memref<1x192x3072xf32, #tpu.memory_space<any>>
      %dma_wait3A_46 = tpu.memref_squeeze %dma_wait3A_45 : memref<1x192x3072xf32, #tpu.memory_space<any>> -> memref<192x3072xf32, #tpu.memory_space<any>>
      tpu.wait_dma2 semaphore(%dma_wait3A_38 : memref<!tpu.dma_semaphore, #tpu.memory_space<semaphore_mem>>) src(%dma_wait3A_46 : memref<192x3072xf32, #tpu.memory_space<any>>) dst(%dma_wait3A_42 : memref<192x3072xf32, #tpu.memory_space<vmem>>)
      %dma_wait3A_47 = arith.constant 0 : i32
      %dma_wait3A_48 = arith.constant 2 : i32
      %dma_wait3A_49 = tpu.memref_slice %arg15[%rem3A_1, %dma_wait3A_48] : memref<2x4x!tpu.dma_semaphore, #tpu.memory_space<semaphore_mem>> -> memref<1x1x!tpu.dma_semaphore, #tpu.memory_space<semaphore_mem>>
      %dma_wait3A_50 = tpu.memref_squeeze %dma_wait3A_49 : memref<1x1x!tpu.dma_semaphore, #tpu.memory_space<semaphore_mem>> -> memref<!tpu.dma_semaphore, #tpu.memory_space<semaphore_mem>>
      %dma_wait3A_51 = arith.constant 384 : i32
      %dma_wait3A_52 = arith.constant 0 : i32
      %dma_wait3A_53 = tpu.memref_slice %arg11[%rem3A_1, %dma_wait3A_51, %dma_wait3A_52] : memref<2x768x3072xf32, #tpu.memory_space<vmem>> -> memref<1x192x3072xf32, #tpu.memory_space<vmem>>
      %dma_wait3A_54 = tpu.memref_squeeze %dma_wait3A_53 : memref<1x192x3072xf32, #tpu.memory_space<vmem>> -> memref<192x3072xf32, #tpu.memory_space<vmem>>
      %dma_wait3A_55 = arith.constant 384 : i32
      %dma_wait3A_56 = arith.constant 0 : i32
      %dma_wait3A_57 = tpu.memref_slice %arg6[%dma_wait3A_47, %dma_wait3A_55, %dma_wait3A_56] : memref<8x768x3072xf32, #tpu.memory_space<any>> -> memref<1x192x3072xf32, #tpu.memory_space<any>>
      %dma_wait3A_58 = tpu.memref_squeeze %dma_wait3A_57 : memref<1x192x3072xf32, #tpu.memory_space<any>> -> memref<192x3072xf32, #tpu.memory_space<any>>
      tpu.wait_dma2 semaphore(%dma_wait3A_50 : memref<!tpu.dma_semaphore, #tpu.memory_space<semaphore_mem>>) src(%dma_wait3A_58 : memref<192x3072xf32, #tpu.memory_space<any>>) dst(%dma_wait3A_54 : memref<192x3072xf32, #tpu.memory_space<vmem>>)
      %dma_wait3A_59 = arith.constant 0 : i32
      %dma_wait3A_60 = arith.constant 3 : i32
      %dma_wait3A_61 = tpu.memref_slice %arg15[%rem3A_1, %dma_wait3A_60] : memref<2x4x!tpu.dma_semaphore, #tpu.memory_space<semaphore_mem>> -> memref<1x1x!tpu.dma_semaphore, #tpu.memory_space<semaphore_mem>>
      %dma_wait3A_62 = tpu.memref_squeeze %dma_wait3A_61 : memref<1x1x!tpu.dma_semaphore, #tpu.memory_space<semaphore_mem>> -> memref<!tpu.dma_semaphore, #tpu.memory_space<semaphore_mem>>
      %dma_wait3A_63 = arith.constant 576 : i32
      %dma_wait3A_64 = arith.constant 0 : i32
      %dma_wait3A_65 = tpu.memref_slice %arg11[%rem3A_1, %dma_wait3A_63, %dma_wait3A_64] : memref<2x768x3072xf32, #tpu.memory_space<vmem>> -> memref<1x192x3072xf32, #tpu.memory_space<vmem>>
      %dma_wait3A_66 = tpu.memref_squeeze %dma_wait3A_65 : memref<1x192x3072xf32, #tpu.memory_space<vmem>> -> memref<192x3072xf32, #tpu.memory_space<vmem>>
      %dma_wait3A_67 = arith.constant 576 : i32
      %dma_wait3A_68 = arith.constant 0 : i32
      %dma_wait3A_69 = tpu.memref_slice %arg6[%dma_wait3A_59, %dma_wait3A_67, %dma_wait3A_68] : memref<8x768x3072xf32, #tpu.memory_space<any>> -> memref<1x192x3072xf32, #tpu.memory_space<any>>
      %dma_wait3A_70 = tpu.memref_squeeze %dma_wait3A_69 : memref<1x192x3072xf32, #tpu.memory_space<any>> -> memref<192x3072xf32, #tpu.memory_space<any>>
      tpu.wait_dma2 semaphore(%dma_wait3A_62 : memref<!tpu.dma_semaphore, #tpu.memory_space<semaphore_mem>>) src(%dma_wait3A_70 : memref<192x3072xf32, #tpu.memory_space<any>>) dst(%dma_wait3A_66 : memref<192x3072xf32, #tpu.memory_space<vmem>>)
      %get3A_71 = arith.index_cast %rem3A_1 : i32 to index
      %get3A_72 = arith.constant 0 : index
      %get3A_73 = arith.constant 0 : index
      %get3A_74 = vector.load %arg11[%get3A_71, %get3A_72, %get3A_73] : memref<2x768x3072xf32, #tpu.memory_space<vmem>>, vector<1x768x3072xf32>
      %get3A_75 = vector.shape_cast %get3A_74 : vector<1x768x3072xf32> to vector<768x3072xf32>
      %convert_element_type3A_76 = arith.truncf %get3A_75 : vector<768x3072xf32> to vector<768x3072xbf16>
      %swap3A = arith.constant 0 : index
      %swap3A_77 = arith.constant 0 : index
      %swap3A_78 = vector.load %arg13[%swap3A, %swap3A_77] : memref<768x3072xbf16, #tpu.memory_space<vmem>>, vector<768x3072xbf16>
      tpu.vector_store %arg13[%swap3A, %swap3A_77], %convert_element_type3A_76 {strides = array<i32>} : memref<768x3072xbf16, #tpu.memory_space<vmem>>, vector<768x3072xbf16>,
      %dma_wait3A_79 = arith.constant 0 : i32
      %dma_wait3A_80 = arith.constant 0 : i32
      %dma_wait3A_81 = tpu.memref_slice %arg16[%rem3A_1, %dma_wait3A_80] : memref<2x4x!tpu.dma_semaphore, #tpu.memory_space<semaphore_mem>> -> memref<1x1x!tpu.dma_semaphore, #tpu.memory_space<semaphore_mem>>
      %dma_wait3A_82 = tpu.memref_squeeze %dma_wait3A_81 : memref<1x1x!tpu.dma_semaphore, #tpu.memory_space<semaphore_mem>> -> memref<!tpu.dma_semaphore, #tpu.memory_space<semaphore_mem>>
      %dma_wait3A_83 = arith.constant 0 : i32
      %dma_wait3A_84 = arith.constant 0 : i32
      %dma_wait3A_85 = tpu.memref_slice %arg12[%rem3A_1, %dma_wait3A_83, %dma_wait3A_84] : memref<2x3072x768xf32, #tpu.memory_space<vmem>> -> memref<1x768x768xf32, #tpu.memory_space<vmem>>
      %dma_wait3A_86 = tpu.memref_squeeze %dma_wait3A_85 : memref<1x768x768xf32, #tpu.memory_space<vmem>> -> memref<768x768xf32, #tpu.memory_space<vmem>>
      %dma_wait3A_87 = arith.constant 0 : i32
      %dma_wait3A_88 = arith.constant 0 : i32
      %dma_wait3A_89 = tpu.memref_slice %arg8[%dma_wait3A_79, %dma_wait3A_87, %dma_wait3A_88] : memref<8x3072x768xf32, #tpu.memory_space<any>> -> memref<1x768x768xf32, #tpu.memory_space<any>>
      %dma_wait3A_90 = tpu.memref_squeeze %dma_wait3A_89 : memref<1x768x768xf32, #tpu.memory_space<any>> -> memref<768x768xf32, #tpu.memory_space<any>>
      tpu.wait_dma2 semaphore(%dma_wait3A_82 : memref<!tpu.dma_semaphore, #tpu.memory_space<semaphore_mem>>) src(%dma_wait3A_90 : memref<768x768xf32, #tpu.memory_space<any>>) dst(%dma_wait3A_86 : memref<768x768xf32, #tpu.memory_space<vmem>>)
      %dma_wait3A_91 = arith.constant 0 : i32
      %dma_wait3A_92 = arith.constant 1 : i32
      %dma_wait3A_93 = tpu.memref_slice %arg16[%rem3A_1, %dma_wait3A_92] : memref<2x4x!tpu.dma_semaphore, #tpu.memory_space<semaphore_mem>> -> memref<1x1x!tpu.dma_semaphore, #tpu.memory_space<semaphore_mem>>
      %dma_wait3A_94 = tpu.memref_squeeze %dma_wait3A_93 : memref<1x1x!tpu.dma_semaphore, #tpu.memory_space<semaphore_mem>> -> memref<!tpu.dma_semaphore, #tpu.memory_space<semaphore_mem>>
      %dma_wait3A_95 = arith.constant 768 : i32
      %dma_wait3A_96 = arith.constant 0 : i32
      %dma_wait3A_97 = tpu.memref_slice %arg12[%rem3A_1, %dma_wait3A_95, %dma_wait3A_96] : memref<2x3072x768xf32, #tpu.memory_space<vmem>> -> memref<1x768x768xf32, #tpu.memory_space<vmem>>
      %dma_wait3A_98 = tpu.memref_squeeze %dma_wait3A_97 : memref<1x768x768xf32, #tpu.memory_space<vmem>> -> memref<768x768xf32, #tpu.memory_space<vmem>>
      %dma_wait3A_99 = arith.constant 768 : i32
      %dma_wait3A_100 = arith.constant 0 : i32
      %dma_wait3A_101 = tpu.memref_slice %arg8[%dma_wait3A_91, %dma_wait3A_99, %dma_wait3A_100] : memref<8x3072x768xf32, #tpu.memory_space<any>> -> memref<1x768x768xf32, #tpu.memory_space<any>>
      %dma_wait3A_102 = tpu.memref_squeeze %dma_wait3A_101 : memref<1x768x768xf32, #tpu.memory_space<any>> -> memref<768x768xf32, #tpu.memory_space<any>>
      tpu.wait_dma2 semaphore(%dma_wait3A_94 : memref<!tpu.dma_semaphore, #tpu.memory_space<semaphore_mem>>) src(%dma_wait3A_102 : memref<768x768xf32, #tpu.memory_space<any>>) dst(%dma_wait3A_98 : memref<768x768xf32, #tpu.memory_space<vmem>>)
      %dma_wait3A_103 = arith.constant 0 : i32
      %dma_wait3A_104 = arith.constant 2 : i32
      %dma_wait3A_105 = tpu.memref_slice %arg16[%rem3A_1, %dma_wait3A_104] : memref<2x4x!tpu.dma_semaphore, #tpu.memory_space<semaphore_mem>> -> memref<1x1x!tpu.dma_semaphore, #tpu.memory_space<semaphore_mem>>
      %dma_wait3A_106 = tpu.memref_squeeze %dma_wait3A_105 : memref<1x1x!tpu.dma_semaphore, #tpu.memory_space<semaphore_mem>> -> memref<!tpu.dma_semaphore, #tpu.memory_space<semaphore_mem>>
      %dma_wait3A_107 = arith.constant 1536 : i32
      %dma_wait3A_108 = arith.constant 0 : i32
      %dma_wait3A_109 = tpu.memref_slice %arg12[%rem3A_1, %dma_wait3A_107, %dma_wait3A_108] : memref<2x3072x768xf32, #tpu.memory_space<vmem>> -> memref<1x768x768xf32, #tpu.memory_space<vmem>>
      %dma_wait3A_110 = tpu.memref_squeeze %dma_wait3A_109 : memref<1x768x768xf32, #tpu.memory_space<vmem>> -> memref<768x768xf32, #tpu.memory_space<vmem>>
      %dma_wait3A_111 = arith.constant 1536 : i32
      %dma_wait3A_112 = arith.constant 0 : i32
      %dma_wait3A_113 = tpu.memref_slice %arg8[%dma_wait3A_103, %dma_wait3A_111, %dma_wait3A_112] : memref<8x3072x768xf32, #tpu.memory_space<any>> -> memref<1x768x768xf32, #tpu.memory_space<any>>
      %dma_wait3A_114 = tpu.memref_squeeze %dma_wait3A_113 : memref<1x768x768xf32, #tpu.memory_space<any>> -> memref<768x768xf32, #tpu.memory_space<any>>
      tpu.wait_dma2 semaphore(%dma_wait3A_106 : memref<!tpu.dma_semaphore, #tpu.memory_space<semaphore_mem>>) src(%dma_wait3A_114 : memref<768x768xf32, #tpu.memory_space<any>>) dst(%dma_wait3A_110 : memref<768x768xf32, #tpu.memory_space<vmem>>)
      %dma_wait3A_115 = arith.constant 0 : i32
      %dma_wait3A_116 = arith.constant 3 : i32
      %dma_wait3A_117 = tpu.memref_slice %arg16[%rem3A_1, %dma_wait3A_116] : memref<2x4x!tpu.dma_semaphore, #tpu.memory_space<semaphore_mem>> -> memref<1x1x!tpu.dma_semaphore, #tpu.memory_space<semaphore_mem>>
      %dma_wait3A_118 = tpu.memref_squeeze %dma_wait3A_117 : memref<1x1x!tpu.dma_semaphore, #tpu.memory_space<semaphore_mem>> -> memref<!tpu.dma_semaphore, #tpu.memory_space<semaphore_mem>>
      %dma_wait3A_119 = arith.constant 2304 : i32
      %dma_wait3A_120 = arith.constant 0 : i32
      %dma_wait3A_121 = tpu.memref_slice %arg12[%rem3A_1, %dma_wait3A_119, %dma_wait3A_120] : memref<2x3072x768xf32, #tpu.memory_space<vmem>> -> memref<1x768x768xf32, #tpu.memory_space<vmem>>
      %dma_wait3A_122 = tpu.memref_squeeze %dma_wait3A_121 : memref<1x768x768xf32, #tpu.memory_space<vmem>> -> memref<768x768xf32, #tpu.memory_space<vmem>>
      %dma_wait3A_123 = arith.constant 2304 : i32
      %dma_wait3A_124 = arith.constant 0 : i32
      %dma_wait3A_125 = tpu.memref_slice %arg8[%dma_wait3A_115, %dma_wait3A_123, %dma_wait3A_124] : memref<8x3072x768xf32, #tpu.memory_space<any>> -> memref<1x768x768xf32, #tpu.memory_space<any>>
      %dma_wait3A_126 = tpu.memref_squeeze %dma_wait3A_125 : memref<1x768x768xf32, #tpu.memory_space<any>> -> memref<768x768xf32, #tpu.memory_space<any>>
      tpu.wait_dma2 semaphore(%dma_wait3A_118 : memref<!tpu.dma_semaphore, #tpu.memory_space<semaphore_mem>>) src(%dma_wait3A_126 : memref<768x768xf32, #tpu.memory_space<any>>) dst(%dma_wait3A_122 : memref<768x768xf32, #tpu.memory_space<vmem>>)
      %get3A_127 = arith.index_cast %rem3A_1 : i32 to index
      %get3A_128 = arith.constant 0 : index
      %get3A_129 = arith.constant 0 : index
      %get3A_130 = vector.load %arg12[%get3A_127, %get3A_128, %get3A_129] : memref<2x3072x768xf32, #tpu.memory_space<vmem>>, vector<1x3072x768xf32>
      %get3A_131 = vector.shape_cast %get3A_130 : vector<1x3072x768xf32> to vector<3072x768xf32>
      %convert_element_type3A_132 = arith.truncf %get3A_131 : vector<3072x768xf32> to vector<3072x768xbf16>
      %swap3A_133 = arith.constant 0 : index
      %swap3A_134 = arith.constant 0 : index
      %swap3A_135 = vector.load %arg14[%swap3A_133, %swap3A_134] : memref<3072x768xbf16, #tpu.memory_space<vmem>>, vector<3072x768xbf16>
      tpu.vector_store %arg14[%swap3A_133, %swap3A_134], %convert_element_type3A_132 {strides = array<i32>} : memref<3072x768xbf16, #tpu.memory_space<vmem>>, vector<3072x768xbf16>,
    } else {
    }
    %lt3A = arith.cmpi slt, %arg0, %get3A_5 : i32
    %convert_element_type3A_10 = arith.extui %lt3A : i1 to i32
    %cond3A_11 = arith.constant 0 : i32
    %cond3A_12 = arith.cmpi ne, %convert_element_type3A_10, %cond3A_11 : i32
    scf.if %cond3A_12 {
      %get3A_13 = arith.constant 0 : index
      %get3A_14 = arith.constant 0 : index
      %get3A_15 = vector.load %arg5[%get3A_13, %get3A_14] : memref<256x768xf32, #tpu.memory_space<vmem>>, vector<256x768xf32>
      %convert_element_type3A_16 = arith.truncf %get3A_15 : vector<256x768xf32> to vector<256x768xbf16>
      %get3A_17 = arith.constant 0 : index
      %get3A_18 = arith.constant 0 : index
      %get3A_19 = vector.load %arg13[%get3A_17, %get3A_18] : memref<768x3072xbf16, #tpu.memory_space<vmem>>, vector<768x3072xbf16>
      %dot_general3A = arith.constant dense<0.000000e+00> : vector<256x3072xf32>
      %dot_general3A_20 = tpu.matmul %convert_element_type3A_16, %get3A_19, %dot_general3A {dimension_numbers = #tpu.dot_dimension_numbers<[1], [0], [0], [1], [0, 0, 1, 1], [], []>, transpose_lhs_hint = false} : vector<256x768xbf16>, vector<768x3072xbf16>, vector<256x3072xf32> -> vector<256x3072xf32>
      %get3A_21 = arith.constant 0 : index
      %get3A_22 = arith.constant 0 : index
      %get3A_23 = arith.constant 0 : index
      %get3A_24 = vector.load %arg7[%get3A_21, %get3A_22, %get3A_23] : memref<1x1x3072xf32, #tpu.memory_space<vmem>>, vector<1x1x3072xf32>
      %get3A_25 = vector.shape_cast %get3A_24 : vector<1x1x3072xf32> to vector<1x3072xf32>
      %add3A = vector.broadcast %get3A_25 : vector<1x3072xf32> to vector<256x3072xf32>
      %add3A_26 = arith.addf %dot_general3A_20, %add3A : vector<256x3072xf32>
      %integer_pow3A = arith.mulf %add3A_26, %add3A_26 : vector<256x3072xf32>
      %integer_pow3A_27 = arith.mulf %add3A_26, %integer_pow3A : vector<256x3072xf32>
      %mul3A = arith.constant 4.471500e-02 : f32
      %mul3A_28 = vector.broadcast %mul3A : f32 to vector<256x3072xf32>
      %mul3A_29 = arith.mulf %mul3A_28, %integer_pow3A_27 : vector<256x3072xf32>
      %add3A_30 = arith.addf %add3A_26, %mul3A_29 : vector<256x3072xf32>
      %mul3A_31 = arith.constant 0.797884583 : f32
      %mul3A_32 = vector.broadcast %mul3A_31 : f32 to vector<256x3072xf32>
      %mul3A_33 = arith.mulf %mul3A_32, %add3A_30 : vector<256x3072xf32>
      %tanh3A = math.tanh %mul3A_33 : vector<256x3072xf32>
      %add3A_34 = arith.constant 1.000000e+00 : f32
      %add3A_35 = vector.broadcast %add3A_34 : f32 to vector<256x3072xf32>
      %add3A_36 = arith.addf %add3A_35, %tanh3A : vector<256x3072xf32>
      %mul3A_37 = arith.constant 5.000000e-01 : f32
      %mul3A_38 = vector.broadcast %mul3A_37 : f32 to vector<256x3072xf32>
      %mul3A_39 = arith.mulf %mul3A_38, %add3A_36 : vector<256x3072xf32>
      %mul3A_40 = arith.mulf %add3A_26, %mul3A_39 : vector<256x3072xf32>
      %convert_element_type3A_41 = arith.truncf %mul3A_40 : vector<256x3072xf32> to vector<256x3072xbf16>
      %get3A_42 = arith.constant 0 : index
      %get3A_43 = arith.constant 0 : index
      %get3A_44 = vector.load %arg14[%get3A_42, %get3A_43] : memref<3072x768xbf16, #tpu.memory_space<vmem>>, vector<3072x768xbf16>
      %dot_general3A_45 = arith.constant dense<0.000000e+00> : vector<256x768xf32>
      %dot_general3A_46 = tpu.matmul %convert_element_type3A_41, %get3A_44, %dot_general3A_45 {dimension_numbers = #tpu.dot_dimension_numbers<[1], [0], [0], [1], [0, 0, 1, 1], [], []>, transpose_lhs_hint = false} : vector<256x3072xbf16>, vector<3072x768xbf16>, vector<256x768xf32> -> vector<256x768xf32>
      %get3A_47 = arith.constant 0 : index
      %get3A_48 = arith.constant 0 : index
      %get3A_49 = arith.constant 0 : index
      %get3A_50 = vector.load %arg9[%get3A_47, %get3A_48, %get3A_49] : memref<1x1x768xf32, #tpu.memory_space<vmem>>, vector<1x1x768xf32>
      %get3A_51 = vector.shape_cast %get3A_50 : vector<1x1x768xf32> to vector<1x768xf32>
      %add3A_52 = vector.broadcast %get3A_51 : vector<1x768xf32> to vector<256x768xf32>
      %add3A_53 = arith.addf %dot_general3A_46, %add3A_52 : vector<256x768xf32>
      %swap3A = arith.constant 0 : index
      %swap3A_54 = arith.constant 0 : index
      %swap3A_55 = vector.load %arg10[%swap3A, %swap3A_54] : memref<256x768xf32, #tpu.memory_space<vmem>>, vector<256x768xf32>
      tpu.vector_store %arg10[%swap3A, %swap3A_54], %add3A_53 {strides = array<i32>} : memref<256x768xf32, #tpu.memory_space<vmem>>, vector<256x768xf32>,
    } else {
    }
    return
  }
  func.func @transform_0(%arg0: i32, %arg1: memref<24xi32, #tpu.memory_space<smem>>, %arg2: memref<24xi32, #tpu.memory_space<smem>>, %arg3: memref<24xi32, #tpu.memory_space<smem>>, %arg4: memref<16xi32, #tpu.memory_space<smem>>) -> (i32, i32) {
    %get3A = arith.constant 9 : index
    %get3A_0 = memref.load %arg4[%get3A] : memref<16xi32, #tpu.memory_space<smem>>
    %sub3A = arith.constant 1 : i32
    %sub3A_1 = arith.subi %get3A_0, %sub3A : i32
    %min3A = arith.minsi %arg0, %sub3A_1 : i32
    %c0_i32 = arith.constant 0 : i32
    %c0_i32_2 = arith.constant 0 : i32
    return %min3A, %c0_i32 : i32, i32
  }
  func.func @transform_2(%arg0: i32, %arg1: memref<24xi32, #tpu.memory_space<smem>>, %arg2: memref<24xi32, #tpu.memory_space<smem>>, %arg3: memref<24xi32, #tpu.memory_space<smem>>, %arg4: memref<16xi32, #tpu.memory_space<smem>>) -> (i32, i32, i32) {
    %get3A = arith.index_cast %arg0 : i32 to index
    %get3A_0 = memref.load %arg1[%get3A] : memref<24xi32, #tpu.memory_space<smem>>
    %c0_i32 = arith.constant 0 : i32
    %c0_i32_1 = arith.constant 0 : i32
    %c0_i32_2 = arith.constant 0 : i32
    return %get3A_0, %c0_i32, %c0_i32_1 : i32, i32, i32
  }
  func.func @transform_4(%arg0: i32, %arg1: memref<24xi32, #tpu.memory_space<smem>>, %arg2: memref<24xi32, #tpu.memory_space<smem>>, %arg3: memref<24xi32, #tpu.memory_space<smem>>, %arg4: memref<16xi32, #tpu.memory_space<smem>>) -> (i32, i32, i32) {
    %get3A = arith.index_cast %arg0 : i32 to index
    %get3A_0 = memref.load %arg1[%get3A] : memref<24xi32, #tpu.memory_space<smem>>
    %c0_i32 = arith.constant 0 : i32
    %c0_i32_1 = arith.constant 0 : i32
    %c0_i32_2 = arith.constant 0 : i32
    return %get3A_0, %c0_i32, %c0_i32_1 : i32, i32, i32
  }
  func.func @transform_5(%arg0: i32, %arg1: memref<24xi32, #tpu.memory_space<smem>>, %arg2: memref<24xi32, #tpu.memory_space<smem>>, %arg3: memref<24xi32, #tpu.memory_space<smem>>, %arg4: memref<16xi32, #tpu.memory_space<smem>>) -> (i32, i32) {
    %c0_i32 = arith.constant 0 : i32
    %c0_i32_0 = arith.constant 0 : i32
    return %arg0, %c0_i32 : i32, i32
  }
}

</mosaic_0001>

<sc_bundles>
// kernel: kernel.10.cloned.1.call-start
scs
__scs_entry_jumppad:
0x0: {  	(pc) =	sbr.rel $0x88, $3  }
0x1: {  	(tag) =	ssettag $0x0;
	lr =	simm.s32 $0x1  }
0x2: {  	[smem:$0x3F99] =	sst lr;
	_ =	strace $0xD0000000  }
0x3: {  	_ = 	snop  }
0x4: {  	_ = 	snop  }
0x5: {  	_ = 	snop  }
0x6: {  	_ = 	snop  }
0x7: {  	_ = 	snop  }
__scs_overlays_trampoline_lowered:
0x8: {  	[smem:$0x3FA8] =	sst s0  }
0x9: {  	[smem:$0x3FA9] =	sst s1  }
0xa: {  	[smem:$0x3FAA] =	sst s2  }
0xb: {  	[smem:$0x3FAB] =	sst s3  }
0xc: {  	[smem:$0x3FAC] =	sst s4  }
0xd: {  	[smem:$0x3FAD] =	sst s5  }
0xe: {  	[smem:$0x3FAE] =	sst s6  }
0xf: {  	[smem:$0x3FAF] =	sst s7  }
0x10: {  	[smem:$0x3FB0] =	sst s8  }
0x11: {  	[smem:$0x3FB1] =	sst s9;
	s0 =	simm.s32 @!p0 $0x0  }
0x12: {  	s1 =	sld [smem:$0x3F97];
	s0 =	simm.s32 @p0 $0x1  }
0x13: {  	[smem:$0x3FB2] =	sst s0;
	s0 =	simm.s32 @!p1 $0x0  }
0x14: {  	s2 =	sld [smem:$0x3F96];
	s0 =	simm.s32 @p1 $0x1  }
0x15: {  	[smem:$0x3FB3] =	sst s0;
	s0 =	simm.s32 @!p2 $0x0  }
0x16: {  	s3 =	sld [smem:$0x3FDB];
	s0 =	simm.s32 @p2 $0x1  }
0x17: {  	s4 =	simm.s32 $0x1BF5;
	[smem:$0x3FB5] =	sst s0  }
0x18: {  	s0 =	sld [smem:$0x3F98];
	_ =	swait.ge [sflag:s4], $0x0  }
0x19: {  	s7 =	sld [smem:$0x3F99]  }
0x1a: {  	s8 =	sadd.s32 $0xFFFFE003, lr  }
0x1b: {  	s9 =	sadd.s32 $0xFFFFFEF7, lr;
	s5 =	simm.s32 $0xFFFFFFFF;
	p2 =	slt.u32 s8, $0xFFFFF086  }
0x1c: {  	p1 =	slt.u32 s9, $0xF7A;
	s5 =	simm.s32 @!p2 $0x0  }
0x1d: {  	s5 =	simm.s32 @p1 $0x1;
	p0 =	seq.s32 s7, s2  }
0x1e: {  	s7 =	smul.u32 @!p0 $0xF7A, s2;
	p2 =	seq.s32 @!p0 s5, $0x0  }
0x1f: {  	s9 =	smul.u32 $0xF7A, s1;
	s8 =	simm.s32 @!p0 $0x1BF5;
	p2 =	por !p2, p0  }
0x20: {  	[sflag:s8] =	ssyncset.s32 @!p0 $0xFFFFF086;
	s6 =	sadd.s32 @!p0 s3, s7;
	s7 =	simm.s32 @!p0 $0x108  }
0x21: {  	s3 =	sadd.s32 s3, s9;
	s6 =	sadd.s32 @!p0 $0x88, s6;
	s7 =	simm.s32 @p2 $0x1082  }
0x22: {  	[simem:s7], [sflag:s8] =	dma.local @!p0 [hbm:s6], $0xF7A  }
0x23: {  	s9 =	sor.u32 $0xD0000000, s2;
	s6 =	simm.s32 $0x108;
	_ =	swait.ge @!p0 [sflag:s8], $0x0  }
0x24: {  	s3 =	sadd.s32 $0x88, s3;
	s6 =	simm.s32 @!p1 $0x1082;
	[sflag:s4] =	ssyncset.s32 $0xFFFFF086  }
0x25: {  	[simem:s6], [sflag:s4] =	dma.local [hbm:s3], $0xF7A  }
0x26: {  	[smem:$0x3F99] =	sst s1;
	(tag) =	ssettag s2;
	_ =	strace s9  }
0x27: {  	s1 =	sld [smem:$0x3FA9]  }
0x28: {  	s2 =	sld [smem:$0x3FAA]  }
0x29: {  	s4 =	sld [smem:$0x3FAC]  }
0x2a: {  	p0 =	seq.s32 s5, $0x0;
	s5 =	sld [smem:$0x3FAD]  }
0x2b: {  	s6 =	sld [smem:$0x3FAE]  }
0x2c: {  	s7 =	sld [smem:$0x3FAF]  }
0x2d: {  	s3 =	simm.s32 $0x108;
	s8 =	sld [smem:$0x3FB0]  }
0x2e: {  	s3 =	simm.s32 @!p0 $0x1082;
	s9 =	sld [smem:$0x3FB1]  }
0x2f: {  	lr =	sadd.s32 s0, s3;
	s0 =	sld [smem:$0x3FA8]  }
0x30: {  	s3 =	sld [smem:$0x3FAB]  }
0x31: {  	[smem:$0x3FB4] =	sst s10  }
0x32: {  	s10 =	sld [smem:$0x3FB2];
	_ =	sdelay $0x3  }
0x33: {  	p0 =	seq.s32 s10, $0x1;
	s10 =	sld [smem:$0x3FB4];
	_ =	sdelay $0x3  }
0x34: {  	[smem:$0x3FB4] =	sst s10  }
0x35: {  	s10 =	sld [smem:$0x3FB3];
	_ =	sdelay $0x3  }
0x36: {  	p1 =	seq.s32 s10, $0x1;
	s10 =	sld [smem:$0x3FB4];
	_ =	sdelay $0x3  }
0x37: {  	[smem:$0x3FB4] =	sst s10  }
0x38: {  	s10 =	sld [smem:$0x3FB5]  }
0x39: {  	_ = 	snop;
	(pc) =	sbr.ind lr, $3  }
0x3a: {  	_ = 	snop  }
0x3b: {  	_ = 	snop  }
0x3c: {  	p2 =	seq.s32 s10, $0x1;
	s10 =	sld [smem:$0x3FB4]  }
0x3d: {  	_ =	shalt  }
0x3e: {  	_ =	shalt  }
0x3f: {  	_ =	shalt  }
0x40: {  	_ =	shalt  }
0x41: {  	_ =	shalt  }
0x42: {  	_ =	shalt  }
0x43: {  	_ =	shalt  }
0x44: {  	_ =	shalt  }
0x45: {  	_ =	shalt  }
0x46: {  	_ =	shalt  }
0x47: {  	_ =	shalt  }
0x48: {  	_ =	shalt  }
0x49: {  	_ =	shalt  }
0x4a: {  	_ =	shalt  }
0x4b: {  	_ =	shalt  }
0x4c: {  	_ =	shalt  }
0x4d: {  	_ =	shalt  }
0x4e: {  	_ =	shalt  }
0x4f: {  	_ =	shalt  }
0x50: {  	_ =	shalt  }
0x51: {  	_ =	shalt  }
0x52: {  	_ =	shalt  }
0x53: {  	_ =	shalt  }
0x54: {  	_ =	shalt  }
0x55: {  	_ =	shalt  }
0x56: {  	_ =	shalt  }
0x57: {  	_ =	shalt  }
0x58: {  	_ =	shalt  }
0x59: {  	_ =	shalt  }
0x5a: {  	_ =	shalt  }
0x5b: {  	_ =	shalt  }
0x5c: {  	_ =	shalt  }
0x5d: {  	_ =	shalt  }
0x5e: {  	_ =	shalt  }
0x5f: {  	_ =	shalt  }
0x60: {  	_ =	shalt  }
0x61: {  	_ =	shalt  }
0x62: {  	_ =	shalt  }
0x63: {  	_ =	shalt  }
0x64: {  	_ =	shalt  }
0x65: {  	_ =	shalt  }
0x66: {  	_ =	shalt  }
0x67: {  	_ =	shalt  }
0x68: {  	_ =	shalt  }
0x69: {  	_ =	shalt  }
0x6a: {  	_ =	shalt  }
0x6b: {  	_ =	shalt  }
0x6c: {  	_ =	shalt  }
0x6d: {  	_ =	shalt  }
0x6e: {  	_ =	shalt  }
0x6f: {  	_ =	shalt  }
0x70: {  	_ =	shalt  }
0x71: {  	_ =	shalt  }
0x72: {  	_ =	shalt  }
0x73: {  	_ =	shalt  }
0x74: {  	_ =	shalt  }
0x75: {  	_ =	shalt  }
0x76: {  	_ =	shalt  }
0x77: {  	_ =	shalt  }
0x78: {  	_ =	shalt  }
0x79: {  	_ =	shalt  }
0x7a: {  	_ =	shalt  }
0x7b: {  	_ =	shalt  }
0x7c: {  	_ =	shalt  }
0x7d: {  	_ =	shalt  }
0x7e: {  	_ =	shalt  }
0x7f: {  	_ =	shalt  }
0x80: {  	_ =	shalt  }
0x81: {  	_ =	shalt  }
0x82: {  	_ =	shalt  }
0x83: {  	_ =	shalt  }
0x84: {  	_ =	shalt  }
0x85: {  	_ =	shalt  }
0x86: {  	_ =	shalt  }
0x87: {  	_ =	shalt  }
.Lfunc_end0:
.L_simem_size_0:
called_computation.1_lowered:
.L_overlay_start_0:
0x88: {  	s2 =	sld [smem:$0x3FD9]  }
0x89: {  	s3 =	sld [smem:$0x3FFE];
	_ =	sdelay $0x1  }
0x8a: {  	s1 =	srdreg.scid  }
0x8b: {  	s0 =	sand.u32 $0x1, s1  }
0x8c: {  	s17 =	sshll.u32 s0, $0xA;
	s2 =	sadd.s32 s3, s2  }
0x8d: {  	s2 =	sadd.s32 s2, s17  }
0x8e: {  	[smem:$0x3FC0] =	sst s2  }
0x8f: {  	_ = 	snop  }
0x90: {  	s2 =	sld [smem:$0x3FD0];
	(tm) =	ssettm $0x1  }
0x91: {  	s18 =	sld [smem:$0x3FFB];
	_ =	sdelay $0x3  }
0x92: {  	_ =	strace s18  }
0x93: {  	s3 =	sld [smem:$0x3FFC];
	_ =	sdelay $0x3  }
0x94: {  	_ =	strace s3  }
0x95: {  	s3 =	sld [smem:$0x3FFD];
	_ =	sdelay $0x3  }
0x96: {  	_ =	strace s3  }
0x97: {  	_ =	strace $0x8FFFFFFF  }
0x98: {  	s19 =	sld [smem:$0x3FDB];
	_ =	sdelay $0x1  }
0x99: {  	s4 =	simm.s32 $_scs_section_size  }
0x9a: {  	s5 =	simm.s32 $_size__tile_overlayer_lowered;
	s6 =	simm.s32 $_tile_overlayer_lowered  }
0x9b: {  	s22 =	simm.s32 $0x1BFF;
	s21 =	sshll.u32 s6, $0x1;
	s3 =	sadd.s32 s4, s19  }
0x9c: {  	s7 =	simm.s32 $0x0;
	s20 =	sshll.u32 s5, $0x1;
	s5 =	sadd.s32 s21, s3  }
0x9d: {  	[timem:s7], [sflag:s22] =	dma.local [hbm:s5], s20  }
0x9e: {  	_ =	swait.ge [sflag:s22], s20  }
0x9f: {  	s4 =	ssub.s32 $0x0, s20;
	[sflag:s22] =	ssyncset.done $0x0  }
0xa0: {  	[sflag:s22] =	ssyncadd.s32 s4;
	_ =	sdelay $0x1  }
0xa1: {  	s23 =	simm.s32 $0x1B8B  }
0xa2: {  	_ =	swait.ge [sflag:s23], $0x1  }
0xa3: {  	[sflag:s23] =	ssyncset.done $0x0  }
0xa4: {  	s25 =	simm.s32 $0x1B8E;
	s24 =	sld [smem:$0x3FFE];
	[sflag:s23] =	ssyncadd.s32 $0xFFFFFFFF  }
0xa5: {  	s26 =	simm.s32 $execute0_lowered;
	[smem:$0x3FD2] =	sst s25  }
0xa6: {  	s5 =	sshll.u32 s26, $0x1;
	_ =	strace $0x80000049;
	[dreg:$0x1] =	wrdreg $0xFFFFFFFF  }
0xa7: {  	s28 =	simm.s32 $_size_execute0_lowered;
	s3 =	sadd.s32 s3, s5;
	[dreg:$0x0] =	wrdreg $0x0  }
0xa8: {  	s5 =	sshll.u32 s28, $0x1;
	[dreg:$0x2] =	wrdreg s3  }
0xa9: {  	[dreg:$0x3] =	wrdreg s5  }
0xaa: {  	[dreg:$0x4] =	wrdreg $0xC0  }
0xab: {  	_ =	task [dreg:s7], $0x5FFFF  }
0xac: {  	[dreg:$0x1] =	wrdreg $0xFFFFFFFF  }
0xad: {  	[dreg:$0x0] =	wrdreg $0x60  }
0xae: {  	[dreg:$0x2] =	wrdreg s24  }
0xaf: {  	[dreg:$0x3] =	wrdreg s2  }
0xb0: {  	[dreg:$0x4] =	wrdreg $0x9  }
0xb1: {  	_ =	task.clear_ibuf [dreg:s7], $0x5FFFF;
	_ =	strace $0x90000049  }
0xb2: {  	s29 =	simm.s32 $0x9;
	_ =	strace $0x8000004B  }
0xb3: {  	_ =	swait.ge [sflag:s29], $0x1  }
0xb4: {  	[sflag:s29] =	ssyncadd.s32 $0xFFFFFFFF  }
0xb5: {  	_ =	strace $0x9000004B  }
0xb6: {  	_ =	sfence  }
0xb7: {  	s30 =	sld [smem:$0x0];
	_ =	sdelay $0x2  }
0xb8: {  	s31 =	sshll.u32 s1, $0xD;
	s1 =	sshrl.u32 s1, $0x2  }
0xb9: {  	s3 =	sand.u32 $0x4000, s31;
	s1 =	sadd.s32 s1, s30  }
0xba: {  	s0 =	sor.u32 s3, s0;
	s1 =	sshll.u32 s1, $0x11  }
0xbb: {  	s0 =	sor.u32 s1, s0  }
0xbc: {  	s0 =	sadd.s32 $0x8F2B, s0  }
0xbd: {  	[sflag:s0] =	ssyncadd.remote.s32 $0x1  }
0xbe: {  	_ =	sfence.sel $0xFFFF  }
0xbf: {  	[dreg:$0x0] =	wrdreg $0xFFFFFFFF;
	(pc) =	sbr.abs _section_cstart, $3  }
0xc0: {  	[dreg:$0x1] =	wrdreg $0xFFFFFFFF  }
0xc1: {  	_ =	task.clear_ibuf [dreg:s7], $0x2FFFF;
	_ =	strace $0x9FFFFFFF  }
0xc2: {  	(tm) =	ssettm $0x7FFFFFFF  }
0xc3: {  	_ =	shalt  }
tec
execute0_lowered:
.L_overlay_start_1:
0x0: {  	(tag) =	ssettag $0x1  }
0x1: {  	s0 =	rddreg [dreg:$0x0]  }
0x2: {  	s1 =	rddreg [dreg:$0x1];
	s3 =	srdreg.scid  }
0x3: {  	s2 =	simm.s32 $0x0;
	s5 =	stileid.u32;
	s13 =	simm.s32 $0x3  }
0x4: {  	s12 =	simm.s32 $0x13800;
	s14 =	simm.s32 $0x14000;
	s15 =	simm.s32 $0x14800  }
0x5: {  	s16 =	simm.s32 $0x15000;
	s17 =	simm.s32 $0x15800;
	s18 =	simm.s32 $0x16000  }
0x6: {  	s19 =	simm.s32 $0x16800;
	s20 =	simm.s32 $0x17000;
	s21 =	simm.s32 $0x17800  }
0x7: {  	s22 =	simm.s32 $0x1;
	s23 =	simm.s32 $0x2;
	s24 =	simm.s32 $0x0  }
0x8: {  	s4 =	sand.u32 $0x1, s3;
	[smem:$0x7FF] =	sst s2;
	s5 =	sshll.u32 s5, $0x7  }
0x9: {  	s3 =	sadd.s32 $0xA2000, s0;
	s6 =	sshll.u32 s4, $0x6;
	s4 =	ssub.s32 $0x2, s4  }
0xa: {  	_ =	strace $0x8000004A;
	s5 =	sor.u32 s6, s5;
	s31 =	sshrl.u32 s4, $0x1  }
0xb: {  	s6 =	sshrl.u32 s5, $0x3;
	s5 =	sshll.u32 s5, $0x4;
	s11 =	ssub.s32 s4, s31  }
0xc: {  	s7 =	sadd.s32 s6, s0;
	s9 =	sadd.s32 s5, s0;
	s10 =	smul.u32 $0x300, s6  }
0xd: {  	v2 =	vlaneseq.u32;
	s6 =	sadd.s32 $0xA2100, s0;
	s11 =	smax.u32 s11, $0x1;
	s4 =	sadd.s32 $0x11000, s7  }
0xe: {  	vm0 =	vmmov $0xffff;
	v1 =	vshrl.u32 v2, $0x3;
	s5 =	sadd.s32 $0x11200, s7;
	s7 =	sadd.s32 $0xA2200, s0;
	s8 =	sadd.s32 $0x1000, s9  }
0xf: {  	v0 =	vand.u32 $0x7, v2;
	v2 =	vor.u32 $0x8, v2;
	v1 =	vmul.u32 $0x8, v1;
	s9 =	sadd.s32 $0x9000, s9;
	s10 =	sadd.s32 s1, s10;
	s1 =	simm.s32 $0x13000  }
.LBB2_1:
0x10: {  	s0 =	simm.s32 $0x18000  }
0x11: {  	[tilespmem:s0], [sflag:$0x3] =	stream.linear.gather [hbm4b:s4+s2], $0x40, $0x38;
	[tilespmem:$0x1C100] =	vst v63  }
0x12: {  	_ =	swait.ge [sflag:s13], $0x40  }
0x13: {  	[sflag:s13] =	ssyncset.done $0x0  }
0x14: {  	s26 =	simm.s32 $0x18080;
	[sflag:s13] =	ssyncadd.s32 $0xFFFFFFC0  }
0x15: {  	[tilespmem:s26], [sflag:$0x3] =	stream.linear.gather [hbm4b:s5+s2], $0x40, $0x38;
	[tilespmem:$0x1C100] =	vst v63  }
0x16: {  	_ =	swait.ge [sflag:s13], $0x40  }
0x17: {  	[sflag:s13] =	ssyncset.done $0x0  }
0x18: {  	[sflag:s13] =	ssyncadd.s32 $0xFFFFFFC0  }
0x19: {  	v3 =	vld [tilespmem:$0x18000];
	_ =	sdelay $0x4  }
0x1a: {  	v4 =	vshrl.u32 v3, $0x3  }
0x1b: {  	v4 =	vmul.u32 $0x30, v4  }
0x1c: {  	v3 =	vand.u32 $0x7, v3  }
0x1d: {  	v3 =	vor.u32 v3, v4  }
0x1e: {  	v4 =	vperm.xlane v3, v0;
	_ =	sdelay $0x1  }
0x1f: {  	v4 =	vadd.s32 v1, v4;
	_ =	sdelay $0x3  }
0x20: {  	v3 =	vperm.xlane v3, v2  }
0x21: {  	[tilespmem:s2], [sflag:$0x1] =	stream.indirect_vreg.gather [hbm4b:s3+s2], $0x80, v4, vm0, $0xb8;
	[tilespmem:$0x1C100] =	vst v63  }
0x22: {  	s31 =	simm.s32 $0x800;
	v3 =	vadd.s32 v1, v3  }
0x23: {  	[tilespmem:s31], [sflag:$0x1] =	stream.indirect_vreg.gather [hbm4b:s6+s2], $0x80, v4, vm0, $0xb8;
	[tilespmem:$0x1C100] =	vst v63  }
0x24: {  	s25 =	simm.s32 $0x1000  }
0x25: {  	[tilespmem:s25], [sflag:$0x1] =	stream.indirect_vreg.gather [hbm4b:s7+s2], $0x80, v4, vm0, $0xb8;
	[tilespmem:$0x1C100] =	vst v63  }
0x26: {  	s26 =	simm.s32 $0x1800  }
0x27: {  	[tilespmem:s26], [sflag:$0x1] =	stream.indirect_vreg.gather [hbm4b:s3+s2], $0x80, v3, vm0, $0xb8;
	[tilespmem:$0x1C100] =	vst v63  }
0x28: {  	s31 =	simm.s32 $0x2000  }
0x29: {  	[tilespmem:s31], [sflag:$0x1] =	stream.indirect_vreg.gather [hbm4b:s6+s2], $0x80, v3, vm0, $0xb8;
	[tilespmem:$0x1C100] =	vst v63  }
0x2a: {  	s25 =	simm.s32 $0x2800  }
0x2b: {  	[tilespmem:s25], [sflag:$0x1] =	stream.indirect_vreg.gather [hbm4b:s7+s2], $0x80, v3, vm0, $0xb8;
	[tilespmem:$0x1C100] =	vst v63  }
0x2c: {  	v3 =	vld [tilespmem:$0x18010];
	_ =	sdelay $0x4  }
0x2d: {  	v4 =	vshrl.u32 v3, $0x3  }
0x2e: {  	v4 =	vmul.u32 $0x30, v4  }
0x2f: {  	v3 =	vand.u32 $0x7, v3  }
0x30: {  	v3 =	vor.u32 v3, v4  }
0x31: {  	v4 =	vperm.xlane v3, v0;
	_ =	sdelay $0x1  }
0x32: {  	v4 =	vadd.s32 v1, v4;
	_ =	sdelay $0x3  }
0x33: {  	s26 =	simm.s32 $0x3000;
	v3 =	vperm.xlane v3, v2  }
0x34: {  	[tilespmem:s26], [sflag:$0x1] =	stream.indirect_vreg.gather [hbm4b:s3+s2], $0x80, v4, vm0, $0xb8;
	[tilespmem:$0x1C100] =	vst v63  }
0x35: {  	s31 =	simm.s32 $0x3800;
	v3 =	vadd.s32 v1, v3  }
0x36: {  	[tilespmem:s31], [sflag:$0x1] =	stream.indirect_vreg.gather [hbm4b:s6+s2], $0x80, v4, vm0, $0xb8;
	[tilespmem:$0x1C100] =	vst v63  }
0x37: {  	s25 =	simm.s32 $0x4000  }
0x38: {  	[tilespmem:s25], [sflag:$0x1] =	stream.indirect_vreg.gather [hbm4b:s7+s2], $0x80, v4, vm0, $0xb8;
	[tilespmem:$0x1C100] =	vst v63  }
0x39: {  	s26 =	simm.s32 $0x4800  }
0x3a: {  	[tilespmem:s26], [sflag:$0x1] =	stream.indirect_vreg.gather [hbm4b:s3+s2], $0x80, v3, vm0, $0xb8;
	[tilespmem:$0x1C100] =	vst v63  }
0x3b: {  	s31 =	simm.s32 $0x5000  }
0x3c: {  	[tilespmem:s31], [sflag:$0x1] =	stream.indirect_vreg.gather [hbm4b:s6+s2], $0x80, v3, vm0, $0xb8;
	[tilespmem:$0x1C100] =	vst v63  }
0x3d: {  	s25 =	simm.s32 $0x5800  }
0x3e: {  	[tilespmem:s25], [sflag:$0x1] =	stream.indirect_vreg.gather [hbm4b:s7+s2], $0x80, v3, vm0, $0xb8;
	[tilespmem:$0x1C100] =	vst v63  }
0x3f: {  	v3 =	vld [tilespmem:$0x18020];
	_ =	sdelay $0x4  }
0x40: {  	v4 =	vshrl.u32 v3, $0x3  }
0x41: {  	v4 =	vmul.u32 $0x30, v4  }
0x42: {  	v3 =	vand.u32 $0x7, v3  }
0x43: {  	v3 =	vor.u32 v3, v4  }
0x44: {  	v4 =	vperm.xlane v3, v0;
	_ =	sdelay $0x1  }
0x45: {  	v4 =	vadd.s32 v1, v4;
	_ =	sdelay $0x3  }
0x46: {  	s26 =	simm.s32 $0x6000;
	v3 =	vperm.xlane v3, v2  }
0x47: {  	[tilespmem:s26], [sflag:$0x1] =	stream.indirect_vreg.gather [hbm4b:s3+s2], $0x80, v4, vm0, $0xb8;
	[tilespmem:$0x1C100] =	vst v63  }
0x48: {  	s31 =	simm.s32 $0x6800;
	v3 =	vadd.s32 v1, v3  }
0x49: {  	[tilespmem:s31], [sflag:$0x1] =	stream.indirect_vreg.gather [hbm4b:s6+s2], $0x80, v4, vm0, $0xb8;
	[tilespmem:$0x1C100] =	vst v63  }
0x4a: {  	s25 =	simm.s32 $0x7000  }
0x4b: {  	[tilespmem:s25], [sflag:$0x1] =	stream.indirect_vreg.gather [hbm4b:s7+s2], $0x80, v4, vm0, $0xb8;
	[tilespmem:$0x1C100] =	vst v63  }
0x4c: {  	s26 =	simm.s32 $0x7800  }
0x4d: {  	[tilespmem:s26], [sflag:$0x1] =	stream.indirect_vreg.gather [hbm4b:s3+s2], $0x80, v3, vm0, $0xb8;
	[tilespmem:$0x1C100] =	vst v63  }
0x4e: {  	s31 =	simm.s32 $0x8000  }
0x4f: {  	[tilespmem:s31], [sflag:$0x1] =	stream.indirect_vreg.gather [hbm4b:s6+s2], $0x80, v3, vm0, $0xb8;
	[tilespmem:$0x1C100] =	vst v63  }
0x50: {  	s25 =	simm.s32 $0x8800  }
0x51: {  	[tilespmem:s25], [sflag:$0x1] =	stream.indirect_vreg.gather [hbm4b:s7+s2], $0x80, v3, vm0, $0xb8;
	[tilespmem:$0x1C100] =	vst v63  }
0x52: {  	v3 =	vld [tilespmem:$0x18030];
	_ =	sdelay $0x4  }
0x53: {  	v4 =	vshrl.u32 v3, $0x3  }
0x54: {  	v4 =	vmul.u32 $0x30, v4  }
0x55: {  	v3 =	vand.u32 $0x7, v3  }
0x56: {  	v3 =	vor.u32 v3, v4  }
0x57: {  	v4 =	vperm.xlane v3, v0;
	_ =	sdelay $0x1  }
0x58: {  	v4 =	vadd.s32 v1, v4;
	_ =	sdelay $0x3  }
0x59: {  	s26 =	simm.s32 $0x9000;
	v3 =	vperm.xlane v3, v2  }
0x5a: {  	[tilespmem:s26], [sflag:$0x1] =	stream.indirect_vreg.gather [hbm4b:s3+s2], $0x80, v4, vm0, $0xb8;
	[tilespmem:$0x1C100] =	vst v63  }
0x5b: {  	s31 =	simm.s32 $0x9800;
	v3 =	vadd.s32 v1, v3  }
0x5c: {  	[tilespmem:s31], [sflag:$0x1] =	stream.indirect_vreg.gather [hbm4b:s6+s2], $0x80, v4, vm0, $0xb8;
	[tilespmem:$0x1C100] =	vst v63  }
0x5d: {  	s25 =	simm.s32 $0xA000  }
0x5e: {  	[tilespmem:s25], [sflag:$0x1] =	stream.indirect_vreg.gather [hbm4b:s7+s2], $0x80, v4, vm0, $0xb8;
	[tilespmem:$0x1C100] =	vst v63  }
0x5f: {  	s26 =	simm.s32 $0xA800  }
0x60: {  	[tilespmem:s26], [sflag:$0x1] =	stream.indirect_vreg.gather [hbm4b:s3+s2], $0x80, v3, vm0, $0xb8;
	[tilespmem:$0x1C100] =	vst v63  }
0x61: {  	s31 =	simm.s32 $0xB000  }
0x62: {  	[tilespmem:s31], [sflag:$0x1] =	stream.indirect_vreg.gather [hbm4b:s6+s2], $0x80, v3, vm0, $0xb8;
	[tilespmem:$0x1C100] =	vst v63  }
0x63: {  	s25 =	simm.s32 $0xB800  }
0x64: {  	[tilespmem:s25], [sflag:$0x1] =	stream.indirect_vreg.gather [hbm4b:s7+s2], $0x80, v3, vm0, $0xb8;
	[tilespmem:$0x1C100] =	vst v63  }
0x65: {  	v3 =	vld [tilespmem:$0x18080];
	_ =	sdelay $0x4  }
0x66: {  	v4 =	vshrl.u32 v3, $0x3  }
0x67: {  	v4 =	vmul.u32 $0x30, v4  }
0x68: {  	v3 =	vand.u32 $0x7, v3  }
0x69: {  	v3 =	vor.u32 v3, v4  }
0x6a: {  	v4 =	vperm.xlane v3, v0;
	_ =	sdelay $0x1  }
0x6b: {  	v4 =	vadd.s32 v1, v4;
	_ =	sdelay $0x3  }
0x6c: {  	s26 =	simm.s32 $0xC000;
	v3 =	vperm.xlane v3, v2  }
0x6d: {  	[tilespmem:s26], [sflag:$0x2] =	stream.indirect_vreg.gather [hbm4b:s3+s2], $0x80, v4, vm0, $0xb8;
	[tilespmem:$0x1C100] =	vst v63  }
0x6e: {  	s31 =	simm.s32 $0xC800;
	v3 =	vadd.s32 v1, v3  }
0x6f: {  	[tilespmem:s31], [sflag:$0x2] =	stream.indirect_vreg.gather [hbm4b:s6+s2], $0x80, v4, vm0, $0xb8;
	[tilespmem:$0x1C100] =	vst v63  }
0x70: {  	s25 =	simm.s32 $0xD000  }
0x71: {  	[tilespmem:s25], [sflag:$0x2] =	stream.indirect_vreg.gather [hbm4b:s7+s2], $0x80, v4, vm0, $0xb8;
	[tilespmem:$0x1C100] =	vst v63  }
0x72: {  	s26 =	simm.s32 $0xD800  }
0x73: {  	[tilespmem:s26], [sflag:$0x2] =	stream.indirect_vreg.gather [hbm4b:s3+s2], $0x80, v3, vm0, $0xb8;
	[tilespmem:$0x1C100] =	vst v63  }
0x74: {  	s31 =	simm.s32 $0xE000  }
0x75: {  	[tilespmem:s31], [sflag:$0x2] =	stream.indirect_vreg.gather [hbm4b:s6+s2], $0x80, v3, vm0, $0xb8;
	[tilespmem:$0x1C100] =	vst v63  }
0x76: {  	s25 =	simm.s32 $0xE800  }
0x77: {  	[tilespmem:s25], [sflag:$0x2] =	stream.indirect_vreg.gather [hbm4b:s7+s2], $0x80, v3, vm0, $0xb8;
	[tilespmem:$0x1C100] =	vst v63  }
0x78: {  	v3 =	vld [tilespmem:$0x18090];
	_ =	sdelay $0x4  }
0x79: {  	v4 =	vshrl.u32 v3, $0x3  }
0x7a: {  	v4 =	vmul.u32 $0x30, v4  }
0x7b: {  	v3 =	vand.u32 $0x7, v3  }
0x7c: {  	v3 =	vor.u32 v3, v4  }
0x7d: {  	v4 =	vperm.xlane v3, v0;
	_ =	sdelay $0x1  }
0x7e: {  	v4 =	vadd.s32 v1, v4;
	_ =	sdelay $0x3  }
0x7f: {  	s26 =	simm.s32 $0xF000;
	v3 =	vperm.xlane v3, v2  }
0x80: {  	[tilespmem:s26], [sflag:$0x2] =	stream.indirect_vreg.gather [hbm4b:s3+s2], $0x80, v4, vm0, $0xb8;
	[tilespmem:$0x1C100] =	vst v63  }
0x81: {  	s31 =	simm.s32 $0xF800;
	v3 =	vadd.s32 v1, v3  }
0x82: {  	[tilespmem:s31], [sflag:$0x2] =	stream.indirect_vreg.gather [hbm4b:s6+s2], $0x80, v4, vm0, $0xb8;
	[tilespmem:$0x1C100] =	vst v63  }
0x83: {  	s25 =	simm.s32 $0x10000  }
0x84: {  	[tilespmem:s25], [sflag:$0x2] =	stream.indirect_vreg.gather [hbm4b:s7+s2], $0x80, v4, vm0, $0xb8;
	[tilespmem:$0x1C100] =	vst v63  }
0x85: {  	s26 =	simm.s32 $0x10800  }
0x86: {  	[tilespmem:s26], [sflag:$0x2] =	stream.indirect_vreg.gather [hbm4b:s3+s2], $0x80, v3, vm0, $0xb8;
	[tilespmem:$0x1C100] =	vst v63  }
0x87: {  	s31 =	simm.s32 $0x11000  }
0x88: {  	[tilespmem:s31], [sflag:$0x2] =	stream.indirect_vreg.gather [hbm4b:s6+s2], $0x80, v3, vm0, $0xb8;
	[tilespmem:$0x1C100] =	vst v63  }
0x89: {  	s25 =	simm.s32 $0x11800  }
0x8a: {  	[tilespmem:s25], [sflag:$0x2] =	stream.indirect_vreg.gather [hbm4b:s7+s2], $0x80, v3, vm0, $0xb8;
	[tilespmem:$0x1C100] =	vst v63  }
0x8b: {  	v3 =	vld [tilespmem:$0x180A0];
	_ =	sdelay $0x4  }
0x8c: {  	v4 =	vshrl.u32 v3, $0x3  }
0x8d: {  	v4 =	vmul.u32 $0x30, v4  }
0x8e: {  	v3 =	vand.u32 $0x7, v3  }
0x8f: {  	v3 =	vor.u32 v3, v4  }
0x90: {  	v4 =	vperm.xlane v3, v0;
	_ =	sdelay $0x1  }
0x91: {  	v4 =	vadd.s32 v1, v4;
	_ =	sdelay $0x3  }
0x92: {  	s26 =	simm.s32 $0x12000;
	v3 =	vperm.xlane v3, v2  }
0x93: {  	[tilespmem:s26], [sflag:$0x2] =	stream.indirect_vreg.gather [hbm4b:s3+s2], $0x80, v4, vm0, $0xb8;
	[tilespmem:$0x1C100] =	vst v63  }
0x94: {  	s31 =	simm.s32 $0x12800;
	v3 =	vadd.s32 v1, v3  }
0x95: {  	[tilespmem:s31], [sflag:$0x2] =	stream.indirect_vreg.gather [hbm4b:s6+s2], $0x80, v4, vm0, $0xb8;
	[tilespmem:$0x1C100] =	vst v63  }
0x96: {  	_ = 	snop  }
0x97: {  	[tilespmem:s1], [sflag:$0x2] =	stream.indirect_vreg.gather [hbm4b:s7+s2], $0x80, v4, vm0, $0xb8;
	[tilespmem:$0x1C100] =	vst v63  }
0x98: {  	_ = 	snop  }
0x99: {  	[tilespmem:s12], [sflag:$0x2] =	stream.indirect_vreg.gather [hbm4b:s3+s2], $0x80, v3, vm0, $0xb8;
	[tilespmem:$0x1C100] =	vst v63  }
0x9a: {  	_ = 	snop  }
0x9b: {  	[tilespmem:s14], [sflag:$0x2] =	stream.indirect_vreg.gather [hbm4b:s6+s2], $0x80, v3, vm0, $0xb8;
	[tilespmem:$0x1C100] =	vst v63  }
0x9c: {  	_ = 	snop  }
0x9d: {  	[tilespmem:s15], [sflag:$0x2] =	stream.indirect_vreg.gather [hbm4b:s7+s2], $0x80, v3, vm0, $0xb8;
	[tilespmem:$0x1C100] =	vst v63  }
0x9e: {  	v3 =	vld [tilespmem:$0x180B0];
	_ =	sdelay $0x4  }
0x9f: {  	v4 =	vshrl.u32 v3, $0x3  }
0xa0: {  	v4 =	vmul.u32 $0x30, v4  }
0xa1: {  	v3 =	vand.u32 $0x7, v3  }
0xa2: {  	v3 =	vor.u32 v3, v4  }
0xa3: {  	v4 =	vperm.xlane v3, v0;
	_ =	sdelay $0x1  }
0xa4: {  	v4 =	vadd.s32 v1, v4;
	_ =	sdelay $0x3  }
0xa5: {  	v3 =	vperm.xlane v3, v2  }
0xa6: {  	[tilespmem:s16], [sflag:$0x2] =	stream.indirect_vreg.gather [hbm4b:s3+s2], $0x80, v4, vm0, $0xb8;
	[tilespmem:$0x1C100] =	vst v63  }
0xa7: {  	v3 =	vadd.s32 v1, v3  }
0xa8: {  	[tilespmem:s17], [sflag:$0x2] =	stream.indirect_vreg.gather [hbm4b:s6+s2], $0x80, v4, vm0, $0xb8;
	[tilespmem:$0x1C100] =	vst v63  }
0xa9: {  	_ = 	snop  }
0xaa: {  	[tilespmem:s18], [sflag:$0x2] =	stream.indirect_vreg.gather [hbm4b:s7+s2], $0x80, v4, vm0, $0xb8;
	[tilespmem:$0x1C100] =	vst v63  }
0xab: {  	_ = 	snop  }
0xac: {  	[tilespmem:s19], [sflag:$0x2] =	stream.indirect_vreg.gather [hbm4b:s3+s2], $0x80, v3, vm0, $0xb8;
	[tilespmem:$0x1C100] =	vst v63  }
0xad: {  	_ = 	snop  }
0xae: {  	[tilespmem:s20], [sflag:$0x2] =	stream.indirect_vreg.gather [hbm4b:s6+s2], $0x80, v3, vm0, $0xb8;
	[tilespmem:$0x1C100] =	vst v63  }
0xaf: {  	_ = 	snop  }
0xb0: {  	[tilespmem:s21], [sflag:$0x2] =	stream.indirect_vreg.gather [hbm4b:s7+s2], $0x80, v3, vm0, $0xb8;
	[tilespmem:$0x1C100] =	vst v63  }
0xb1: {  	s25 =	simm.s32 $0x18100  }
0xb2: {  	[tilespmem:s25], [sflag:$0x3] =	stream.linear.gather [hbm4b:s8+s2], $0x2000, $0x38;
	[tilespmem:$0x1C100] =	vst v63  }
0xb3: {  	_ =	swait.ge [sflag:s13], $0x2000  }
0xb4: {  	[sflag:s13] =	ssyncset.done $0x0  }
0xb5: {  	s26 =	simm.s32 $0x1A100;
	[sflag:s13] =	ssyncadd.s32 $0xFFFFE000  }
0xb6: {  	[tilespmem:s26], [sflag:$0x3] =	stream.linear.gather [hbm4b:s9+s2], $0x2000, $0x38;
	[tilespmem:$0x1C100] =	vst v63  }
0xb7: {  	_ =	swait.ge [sflag:s13], $0x2000  }
0xb8: {  	[sflag:s13] =	ssyncset.done $0x0  }
0xb9: {  	[sflag:s13] =	ssyncadd.s32 $0xFFFFE000  }
0xba: {  	_ =	swait.ge [sflag:s22], $0xC000  }
0xbb: {  	[sflag:s22] =	ssyncset.done $0x0  }
0xbc: {  	s28 =	simm.s32 $0x0;
	[sflag:s22] =	ssyncadd.s32 $0xFFFF4000  }
0xbd: {  	s28 =	smul.u32 $0x1800, s28;
	_ =	swait.ge [sflag:s23], $0xC000  }
0xbe: {  	s29 =	sand.u32 $0x380, s2;
	[sflag:s23] =	ssyncset.done $0x0  }
0xbf: {  	s30 =	sor.u32 s29, s28;
	[sflag:s23] =	ssyncadd.s32 $0xFFFF4000  }
0xc0: {  	v4 =	vld [tilespmem:s30+$0x10]  }
0xc1: {  	v3 =	vld [tilespmem:s30+$0xC010]  }
0xc2: {  	v6 =	vld [tilespmem:s30+$0x20]  }
0xc3: {  	v5 =	vld [tilespmem:s30+$0xC020]  }
0xc4: {  	v10 =	vld [tilespmem:s30+$0x30]  }
0xc5: {  	v9 =	vld [tilespmem:s30+$0xC030]  }
0xc6: {  	v12 =	vld [tilespmem:s30+$0x40]  }
0xc7: {  	v11 =	vld [tilespmem:s30+$0xC040]  }
0xc8: {  	v13 =	vld [tilespmem:s30+$0x60]  }
0xc9: {  	v14 =	vld [tilespmem:s30+$0x70]  }
0xca: {  	v15 =	vld [tilespmem:s30+$0x400]  }
0xcb: {  	v16 =	vld [tilespmem:s30+$0x410]  }
0xcc: {  	v17 =	vld [tilespmem:s30+$0x420]  }
0xcd: {  	v18 =	vld [tilespmem:s30+$0x430]  }
0xce: {  	v19 =	vld [tilespmem:s30+$0x440]  }
0xcf: {  	v20 =	vld [tilespmem:s30+$0x450]  }
0xd0: {  	v21 =	vld [tilespmem:s30+$0x460]  }
0xd1: {  	v22 =	vld [tilespmem:s30+$0x470]  }
0xd2: {  	v23 =	vld [tilespmem:s30+$0x800]  }
0xd3: {  	v24 =	vld [tilespmem:s30+$0x810]  }
0xd4: {  	v25 =	vld [tilespmem:s30+$0x820]  }
0xd5: {  	v26 =	vld [tilespmem:s30+$0x830]  }
0xd6: {  	v27 =	vld [tilespmem:s30+$0x840]  }
0xd7: {  	v28 =	vld [tilespmem:s30+$0x850]  }
0xd8: {  	v29 =	vld [tilespmem:s30+$0x860]  }
0xd9: {  	v30 =	vld [tilespmem:s30+$0x870]  }
0xda: {  	v31 =	vld [tilespmem:s30+$0xC00]  }
0xdb: {  	v32 =	vld [tilespmem:s30+$0xC10]  }
0xdc: {  	v33 =	vld [tilespmem:s30+$0xC20]  }
0xdd: {  	v34 =	vld [tilespmem:s30+$0xC30]  }
0xde: {  	v35 =	vld [tilespmem:s30+$0xC40]  }
0xdf: {  	v36 =	vld [tilespmem:s30+$0xC50]  }
0xe0: {  	v37 =	vld [tilespmem:s30+$0xC60]  }
0xe1: {  	v38 =	vld [tilespmem:s30+$0xC70]  }
0xe2: {  	v39 =	vld [tilespmem:s30+$0x1000]  }
0xe3: {  	v40 =	vld [tilespmem:s30+$0x1010]  }
0xe4: {  	v41 =	vld [tilespmem:s30+$0x1020]  }
0xe5: {  	v42 =	vld [tilespmem:s30+$0x1030]  }
0xe6: {  	v43 =	vld [tilespmem:s30+$0x1040]  }
0xe7: {  	v44 =	vld [tilespmem:s30+$0x1050]  }
0xe8: {  	v45 =	vld [tilespmem:s30+$0x1060]  }
0xe9: {  	v46 =	vld [tilespmem:s30+$0x1400]  }
0xea: {  	v47 =	vld [tilespmem:s30+$0x1410]  }
0xeb: {  	v48 =	vld [tilespmem:s30+$0xD410]  }
0xec: {  	v49 =	vld [tilespmem:s30+$0xD430]  }
0xed: {  	v50 =	vld [tilespmem:s30+$0x1430]  }
0xee: {  	v51 =	vld [tilespmem:s30+$0x1420]  }
0xef: {  	v7 =	vld [tilespmem:s25+$0x0]  }
0xf0: {  	v8 =	vld [tilespmem:s26+$0x0]  }
0xf1: {  	v52 =	vld [tilespmem:s30+$0xD420]  }
0xf2: {  	v53 =	vld [tilespmem:s30+$0xD400]  }
0xf3: {  	v54 =	vld [tilespmem:s30+$0x1070]  }
0xf4: {  	v55 =	vld [tilespmem:s30+$0xD070];
	v50 =	vmul.f32 v50, v7  }
0xf5: {  	v56 =	vld [tilespmem:s30+$0xD060];
	v49 =	vmul.f32 v49, v8;
	v51 =	vmul.f32 v51, v7  }
0xf6: {  	v57 =	vld [tilespmem:s30+$0xD050];
	v52 =	vmul.f32 v52, v8;
	v47 =	vmul.f32 v47, v7  }
0xf7: {  	v61 =	vld [tilespmem:s30+$0xD000];
	v48 =	vmul.f32 v48, v8;
	v46 =	vmul.f32 v46, v7  }
0xf8: {  	v58 =	vld [tilespmem:s30+$0xD040];
	v62 =	vmul.f32 v53, v8;
	v63 =	vmul.f32 v54, v7;
	v49 =	vadd.f32 v49, v50  }
0xf9: {  	v53 =	vld [tilespmem:s30+$0xD030];
	v59 =	vmul.f32 v55, v8;
	v45 =	vmul.f32 v45, v7;
	v51 =	vadd.f32 v52, v51  }
0xfa: {  	v60 =	vmul.f32 v56, v8;
	v44 =	vmul.f32 v44, v7;
	v56 =	vld [tilespmem:s30+$0xCC60];
	v47 =	vadd.f32 v48, v47;
	[tilespmem:s30+$0x1430] =	vst v49  }
0xfb: {  	v43 =	vmul.f32 v43, v7;
	v39 =	vmul.f32 v39, v7;
	v55 =	vld [tilespmem:s30+$0xC870];
	v46 =	vadd.f32 v62, v46;
	[tilespmem:s30+$0x1420] =	vst v51  }
0xfc: {  	v61 =	vmul.f32 v61, v8;
	v12 =	vmul.f32 v12, v7;
	v48 =	vld [tilespmem:s30+$0xD020];
	v52 =	vadd.f32 v59, v63;
	[tilespmem:s30+$0x1410] =	vst v47  }
0xfd: {  	v11 =	vmul.f32 v11, v8;
	v63 =	vmul.f32 v58, v8;
	v45 =	vadd.f32 v60, v45;
	v58 =	vld [tilespmem:s30+$0xCC50];
	[tilespmem:s30+$0x1400] =	vst v46  }
0xfe: {  	v42 =	vmul.f32 v42, v7;
	v62 =	vmul.f32 v57, v8;
	v59 =	vld [tilespmem:s30+$0xCC40];
	v39 =	vadd.f32 v61, v39;
	[tilespmem:s30+$0x1070] =	vst v52  }
0xff: {  	v41 =	vmul.f32 v41, v7;
	v40 =	vmul.f32 v40, v7;
	v60 =	vld [tilespmem:s30+$0xCC30];
	v11 =	vadd.f32 v11, v12;
	[tilespmem:s30+$0x1060] =	vst v45  }
0x100: {  	v38 =	vmul.f32 v38, v7;
	v61 =	vld [tilespmem:s30+$0xC810];
	v44 =	vadd.f32 v62, v44;
	[tilespmem:s30+$0x1000] =	vst v39;
	v57 =	vmul.f32 v53, v8  }
0x101: {  	v37 =	vmul.f32 v37, v7;
	v49 =	vld [tilespmem:s30+$0xD010];
	v43 =	vadd.f32 v63, v43;
	[tilespmem:s30+$0x40] =	vst v11;
	v46 =	vmul.f32 v56, v8  }
0x102: {  	v36 =	vmul.f32 v36, v7;
	v47 =	vld [tilespmem:s30+$0xCC70];
	[tilespmem:s30+$0x1050] =	vst v44;
	v48 =	vmul.f32 v48, v8;
	v42 =	vadd.f32 v57, v42  }
0x103: {  	v35 =	vmul.f32 v35, v7;
	v62 =	vld [tilespmem:s30+$0xCC20];
	[tilespmem:s30+$0x1040] =	vst v43;
	v54 =	vmul.f32 v58, v8;
	v37 =	vadd.f32 v46, v37  }
0x104: {  	v34 =	vmul.f32 v34, v7;
	v63 =	vld [tilespmem:s30+$0xCC10];
	v45 =	vmul.f32 v59, v8;
	v41 =	vadd.f32 v48, v41;
	[tilespmem:s30+$0x1030] =	vst v42  }
0x105: {  	v33 =	vmul.f32 v33, v7;
	v56 =	vld [tilespmem:s30+$0xC860];
	v44 =	vmul.f32 v60, v8;
	v36 =	vadd.f32 v54, v36;
	[tilespmem:s30+$0xC60] =	vst v37  }
0x106: {  	v32 =	vmul.f32 v32, v7;
	v53 =	vld [tilespmem:s30+$0xCC00];
	v49 =	vmul.f32 v49, v8;
	v35 =	vadd.f32 v45, v35;
	[tilespmem:s30+$0x1020] =	vst v41  }
0x107: {  	v6 =	vmul.f32 v6, v7;
	v12 =	vld [tilespmem:s30+$0x1460];
	v47 =	vmul.f32 v47, v8;
	v34 =	vadd.f32 v44, v34;
	[tilespmem:s30+$0xC50] =	vst v36  }
0x108: {  	v5 =	vmul.f32 v5, v8;
	v58 =	vld [tilespmem:s30+$0xC840];
	v43 =	vmul.f32 v62, v8;
	v40 =	vadd.f32 v49, v40;
	[tilespmem:s30+$0xC40] =	vst v35  }
0x109: {  	v29 =	vmul.f32 v29, v7;
	v59 =	vld [tilespmem:s30+$0xC830];
	v42 =	vmul.f32 v63, v8;
	v38 =	vadd.f32 v47, v38;
	[tilespmem:s30+$0xC30] =	vst v34  }
0x10a: {  	v5 =	vadd.f32 v5, v6;
	v6 =	vld [tilespmem:s30+$0x0];
	v39 =	vmul.f32 v56, v8;
	v33 =	vadd.f32 v43, v33;
	[tilespmem:s30+$0x1010] =	vst v40  }
0x10b: {  	v31 =	vmul.f32 v31, v7;
	v60 =	vld [tilespmem:s30+$0xC820];
	v41 =	vmul.f32 v53, v8;
	v32 =	vadd.f32 v42, v32;
	[tilespmem:s30+$0xC70] =	vst v38  }
0x10c: {  	v24 =	vmul.f32 v24, v7;
	v57 =	vld [tilespmem:s30+$0xC850];
	v34 =	vmul.f32 v61, v8;
	v29 =	vadd.f32 v39, v29;
	[tilespmem:s30+$0xC20] =	vst v33  }
0x10d: {  	v27 =	vmul.f32 v27, v7;
	v62 =	vld [tilespmem:s30+$0xC800];
	v37 =	vmul.f32 v58, v8;
	v31 =	vadd.f32 v41, v31;
	[tilespmem:s30+$0xC10] =	vst v32  }
0x10e: {  	v26 =	vmul.f32 v26, v7;
	v63 =	vld [tilespmem:s30+$0xC470];
	v36 =	vmul.f32 v59, v8;
	v24 =	vadd.f32 v34, v24;
	[tilespmem:s30+$0x860] =	vst v29  }
0x10f: {  	v30 =	vmul.f32 v30, v7;
	v40 =	vmul.f32 v55, v8;
	v27 =	vadd.f32 v37, v27;
	v29 =	vld [tilespmem:s30+$0xC440];
	[tilespmem:s30+$0xC00] =	vst v31  }
0x110: {  	v25 =	vmul.f32 v25, v7;
	v35 =	vmul.f32 v60, v8;
	v26 =	vadd.f32 v36, v26;
	v31 =	vld [tilespmem:s30+$0xC460];
	[tilespmem:s30+$0x810] =	vst v24  }
0x111: {  	v28 =	vmul.f32 v28, v7;
	v38 =	vmul.f32 v57, v8;
	v30 =	vadd.f32 v40, v30;
	v24 =	vld [tilespmem:s30+$0xC070];
	[tilespmem:s30+$0x840] =	vst v27  }
0x112: {  	v23 =	vmul.f32 v23, v7;
	v33 =	vmul.f32 v62, v8;
	v25 =	vadd.f32 v35, v25;
	v27 =	vld [tilespmem:s30+$0xC420];
	[tilespmem:s30+$0x830] =	vst v26  }
0x113: {  	v22 =	vmul.f32 v22, v7;
	v32 =	vmul.f32 v63, v8;
	v28 =	vadd.f32 v38, v28;
	[tilespmem:s30+$0x870] =	vst v30;
	v30 =	vld [tilespmem:s30+$0xC450]  }
0x114: {  	v19 =	vmul.f32 v19, v7;
	v23 =	vadd.f32 v33, v23;
	[tilespmem:s30+$0x820] =	vst v25;
	v25 =	vld [tilespmem:s30+$0xC400];
	v29 =	vmul.f32 v29, v8  }
0x115: {  	v21 =	vmul.f32 v21, v7;
	v22 =	vadd.f32 v32, v22;
	[tilespmem:s30+$0x850] =	vst v28;
	v28 =	vld [tilespmem:s30+$0xC430];
	v31 =	vmul.f32 v31, v8  }
0x116: {  	v14 =	vmul.f32 v14, v7;
	[tilespmem:s30+$0x800] =	vst v23;
	v23 =	vld [tilespmem:s30+$0xC060];
	v24 =	vmul.f32 v24, v8;
	v19 =	vadd.f32 v29, v19  }
0x117: {  	v17 =	vmul.f32 v17, v7;
	v26 =	vld [tilespmem:s30+$0xC410];
	[tilespmem:s30+$0x470] =	vst v22;
	v27 =	vmul.f32 v27, v8;
	v21 =	vadd.f32 v31, v21  }
0x118: {  	v20 =	vmul.f32 v20, v7;
	v22 =	vld [tilespmem:s30+$0x50];
	v30 =	vmul.f32 v30, v8;
	v14 =	vadd.f32 v24, v14;
	[tilespmem:s30+$0x440] =	vst v19  }
0x119: {  	v15 =	vmul.f32 v15, v7;
	v25 =	vmul.f32 v25, v8;
	v17 =	vadd.f32 v27, v17;
	v19 =	vld [tilespmem:s30+$0xD450];
	[tilespmem:s30+$0x460] =	vst v21  }
0x11a: {  	v18 =	vmul.f32 v18, v7;
	v28 =	vmul.f32 v28, v8;
	v20 =	vadd.f32 v30, v20;
	v21 =	vld [tilespmem:s30+$0xC050];
	[tilespmem:s30+$0x70] =	vst v14  }
0x11b: {  	v13 =	vmul.f32 v13, v7;
	v23 =	vmul.f32 v23, v8;
	v15 =	vadd.f32 v25, v15;
	[tilespmem:s30+$0x420] =	vst v17;
	v17 =	vld [tilespmem:s30+$0x1440]  }
0x11c: {  	v16 =	vmul.f32 v16, v7;
	v26 =	vmul.f32 v26, v8;
	v18 =	vadd.f32 v28, v18;
	[tilespmem:s30+$0x450] =	vst v20;
	v20 =	vld [tilespmem:s30+$0xD440]  }
0x11d: {  	v10 =	vmul.f32 v10, v7;
	v9 =	vmul.f32 v9, v8;
	v13 =	vadd.f32 v23, v13;
	[tilespmem:s30+$0x400] =	vst v15;
	v15 =	vld [tilespmem:s30+$0x1450]  }
0x11e: {  	v4 =	vmul.f32 v4, v7;
	v3 =	vmul.f32 v3, v8;
	v16 =	vadd.f32 v26, v16;
	[tilespmem:s30+$0x430] =	vst v18;
	v18 =	vld [tilespmem:s30+$0xD460]  }
0x11f: {  	v9 =	vadd.f32 v9, v10;
	v10 =	vmul.f32 v22, v7;
	v14 =	vld [tilespmem:s30+$0x1470];
	[tilespmem:s30+$0x60] =	vst v13;
	v13 =	vmul.f32 v21, v8  }
0x120: {  	v3 =	vadd.f32 v3, v4;
	[tilespmem:s30+$0x410] =	vst v16;
	v16 =	vld [tilespmem:s30+$0xD470]  }
0x121: {  	s28 =	simm.s32 $0x0;
	[tilespmem:s30+$0x30] =	vst v9;
	v9 =	vld [tilespmem:s30+$0xC000];
	v11 =	vmul.f32 v17, v7;
	v17 =	vmul.f32 v20, v8;
	v4 =	vadd.f32 v13, v10  }
0x122: {  	s29 =	simm.s32 $0x80;
	s28 =	smul.u32 $0x1800, s28;
	[tilespmem:s30+$0x20] =	vst v5;
	v5 =	vmul.f32 v15, v7;
	v10 =	vmul.f32 v19, v8  }
0x123: {  	s31 =	sand.u32 $0x380, s29;
	v11 =	vadd.f32 v17, v11;
	[tilespmem:s30+$0x50] =	vst v4;
	v4 =	vmul.f32 v12, v7;
	v12 =	vmul.f32 v18, v8  }
0x124: {  	s28 =	sor.u32 s31, s28;
	[tilespmem:s30+$0x10] =	vst v3;
	v5 =	vadd.f32 v10, v5  }
0x125: {  	v3 =	vld [tilespmem:s28+$0x10];
	v10 =	vmul.f32 v14, v7;
	[tilespmem:s30+$0x1440] =	vst v11;
	v11 =	vmul.f32 v16, v8;
	v12 =	vadd.f32 v12, v4  }
0x126: {  	v7 =	vmul.f32 v6, v7;
	v8 =	vmul.f32 v9, v8;
	v4 =	vld [tilespmem:s28+$0xC010];
	[tilespmem:s30+$0x1450] =	vst v5  }
0x127: {  	v9 =	vadd.f32 v11, v10;
	v6 =	vld [tilespmem:s28+$0x20];
	[tilespmem:s30+$0x1460] =	vst v12  }
0x128: {  	v7 =	vadd.f32 v8, v7;
	v5 =	vld [tilespmem:s28+$0xC020]  }
0x129: {  	v8 =	vld [tilespmem:s28+$0x30];
	[tilespmem:s30+$0x1470] =	vst v9  }
0x12a: {  	v18 =	vld [tilespmem:s28+$0x430];
	[tilespmem:s30+$0x0] =	vst v7  }
0x12b: {  	v7 =	vld [tilespmem:s28+$0xC030]  }
0x12c: {  	v10 =	vld [tilespmem:s28+$0x40]  }
0x12d: {  	v9 =	vld [tilespmem:s28+$0xC040]  }
0x12e: {  	v12 =	vld [tilespmem:s28+$0x50]  }
0x12f: {  	v11 =	vld [tilespmem:s28+$0xC050]  }
0x130: {  	v13 =	vld [tilespmem:s28+$0x60]  }
0x131: {  	v14 =	vld [tilespmem:s28+$0x70]  }
0x132: {  	v15 =	vld [tilespmem:s28+$0x400]  }
0x133: {  	v16 =	vld [tilespmem:s28+$0x410]  }
0x134: {  	v17 =	vld [tilespmem:s28+$0x420]  }
0x135: {  	v19 =	vld [tilespmem:s28+$0x440]  }
0x136: {  	v20 =	vld [tilespmem:s28+$0x450]  }
0x137: {  	v21 =	vld [tilespmem:s28+$0x460]  }
0x138: {  	v22 =	vld [tilespmem:s28+$0x470]  }
0x139: {  	v23 =	vld [tilespmem:s28+$0x800]  }
0x13a: {  	v24 =	vld [tilespmem:s28+$0x810]  }
0x13b: {  	v25 =	vld [tilespmem:s28+$0x820]  }
0x13c: {  	v26 =	vld [tilespmem:s28+$0x830]  }
0x13d: {  	v27 =	vld [tilespmem:s28+$0x840]  }
0x13e: {  	v28 =	vld [tilespmem:s28+$0x850]  }
0x13f: {  	v29 =	vld [tilespmem:s28+$0x860]  }
0x140: {  	v30 =	vld [tilespmem:s28+$0x870]  }
0x141: {  	v31 =	vld [tilespmem:s28+$0xC00]  }
0x142: {  	v34 =	vld [tilespmem:s28+$0xC10]  }
0x143: {  	v35 =	vld [tilespmem:s28+$0xC20]  }
0x144: {  	v36 =	vld [tilespmem:s28+$0xC30]  }
0x145: {  	v37 =	vld [tilespmem:s28+$0xC40]  }
0x146: {  	v38 =	vld [tilespmem:s28+$0xC50]  }
0x147: {  	v39 =	vld [tilespmem:s28+$0xC60]  }
0x148: {  	v40 =	vld [tilespmem:s28+$0xC70]  }
0x149: {  	v41 =	vld [tilespmem:s28+$0x1000]  }
0x14a: {  	v42 =	vld [tilespmem:s28+$0x1010]  }
0x14b: {  	v43 =	vld [tilespmem:s28+$0x1020]  }
0x14c: {  	v44 =	vld [tilespmem:s28+$0x1030]  }
0x14d: {  	v45 =	vld [tilespmem:s28+$0x1040]  }
0x14e: {  	v46 =	vld [tilespmem:s28+$0x1050]  }
0x14f: {  	v47 =	vld [tilespmem:s28+$0x1060]  }
0x150: {  	v48 =	vld [tilespmem:s28+$0x1400]  }
0x151: {  	v50 =	vld [tilespmem:s28+$0x1410]  }
0x152: {  	v49 =	vld [tilespmem:s28+$0xD410]  }
0x153: {  	s30 =	simm.s32 $0x2;
	v51 =	vld [tilespmem:s28+$0xD430]  }
.LBB2_2:
0x154: {  	p0 =	sne.s32 s30, $0x3F;
	v52 =	vld [tilespmem:s28+$0x1430]  }
0x155: {  	s25 =	sadd.s32 $0x80, s25;
	v53 =	vld [tilespmem:s28+$0x1420]  }
0x156: {  	s26 =	sadd.s32 $0x80, s26;
	v33 =	vld [tilespmem:s25+$0x0]  }
0x157: {  	v32 =	vld [tilespmem:s26+$0x0]  }
0x158: {  	v54 =	vld [tilespmem:s28+$0xD420]  }
0x159: {  	v55 =	vld [tilespmem:s28+$0xD400]  }
0x15a: {  	v56 =	vld [tilespmem:s28+$0x1070]  }
0x15b: {  	v57 =	vld [tilespmem:s28+$0xD070];
	v50 =	vmul.f32 v50, v33;
	v53 =	vmul.f32 v53, v33  }
0x15c: {  	v52 =	vmul.f32 v52, v33;
	v58 =	vld [tilespmem:s28+$0xD060];
	v51 =	vmul.f32 v51, v32  }
0x15d: {  	v49 =	vmul.f32 v49, v32;
	v59 =	vld [tilespmem:s28+$0xD050];
	v54 =	vmul.f32 v54, v32  }
0x15e: {  	v48 =	vmul.f32 v48, v33;
	v60 =	vld [tilespmem:s28+$0xD040];
	v55 =	vmul.f32 v55, v32;
	v51 =	vadd.f32 v51, v52  }
0x15f: {  	v49 =	vadd.f32 v49, v50;
	v52 =	vld [tilespmem:s28+$0xD030];
	v56 =	vmul.f32 v56, v33;
	v50 =	vadd.f32 v54, v53  }
0x160: {  	v47 =	vmul.f32 v47, v33;
	v53 =	vld [tilespmem:s28+$0xD020];
	v54 =	vmul.f32 v57, v32;
	v48 =	vadd.f32 v55, v48;
	[tilespmem:s28+$0x1430] =	vst v51  }
0x161: {  	v46 =	vmul.f32 v46, v33;
	v51 =	vld [tilespmem:s28+$0xD010];
	v55 =	vmul.f32 v58, v32;
	[tilespmem:s28+$0x1420] =	vst v50  }
0x162: {  	v45 =	vmul.f32 v45, v33;
	v50 =	vld [tilespmem:s28+$0xD000];
	v57 =	vmul.f32 v59, v32;
	v54 =	vadd.f32 v54, v56;
	[tilespmem:s28+$0x1410] =	vst v49  }
0x163: {  	v44 =	vmul.f32 v44, v33;
	v49 =	vld [tilespmem:s28+$0xCC70];
	v56 =	vmul.f32 v60, v32;
	v47 =	vadd.f32 v55, v47;
	[tilespmem:s28+$0x1400] =	vst v48  }
0x164: {  	v43 =	vmul.f32 v43, v33;
	v48 =	vld [tilespmem:s28+$0xCC60];
	v52 =	vmul.f32 v52, v32;
	v46 =	vadd.f32 v57, v46;
	[tilespmem:s28+$0x1070] =	vst v54  }
0x165: {  	v42 =	vmul.f32 v42, v33;
	v54 =	vld [tilespmem:s28+$0xCC50];
	v53 =	vmul.f32 v53, v32;
	v45 =	vadd.f32 v56, v45;
	[tilespmem:s28+$0x1060] =	vst v47  }
0x166: {  	v41 =	vmul.f32 v41, v33;
	v47 =	vld [tilespmem:s28+$0xCC40];
	v51 =	vmul.f32 v51, v32;
	v44 =	vadd.f32 v52, v44;
	[tilespmem:s28+$0x1050] =	vst v46  }
0x167: {  	v40 =	vmul.f32 v40, v33;
	v46 =	vld [tilespmem:s28+$0xCC30];
	v50 =	vmul.f32 v50, v32;
	v43 =	vadd.f32 v53, v43;
	[tilespmem:s28+$0x1040] =	vst v45  }
0x168: {  	v39 =	vmul.f32 v39, v33;
	v45 =	vld [tilespmem:s28+$0xCC20];
	v49 =	vmul.f32 v49, v32;
	v42 =	vadd.f32 v51, v42;
	[tilespmem:s28+$0x1030] =	vst v44  }
0x169: {  	v38 =	vmul.f32 v38, v33;
	v44 =	vld [tilespmem:s28+$0xCC10];
	v48 =	vmul.f32 v48, v32;
	v41 =	vadd.f32 v50, v41;
	[tilespmem:s28+$0x1020] =	vst v43  }
0x16a: {  	v37 =	vmul.f32 v37, v33;
	v43 =	vld [tilespmem:s28+$0xCC00];
	v50 =	vmul.f32 v54, v32;
	v40 =	vadd.f32 v49, v40;
	[tilespmem:s28+$0x1010] =	vst v42  }
0x16b: {  	v36 =	vmul.f32 v36, v33;
	v42 =	vld [tilespmem:s28+$0xC870];
	v47 =	vmul.f32 v47, v32;
	v39 =	vadd.f32 v48, v39;
	[tilespmem:s28+$0x1000] =	vst v41  }
0x16c: {  	v35 =	vmul.f32 v35, v33;
	v41 =	vld [tilespmem:s28+$0xC860];
	v46 =	vmul.f32 v46, v32;
	v38 =	vadd.f32 v50, v38;
	[tilespmem:s28+$0xC70] =	vst v40  }
0x16d: {  	v34 =	vmul.f32 v34, v33;
	v40 =	vld [tilespmem:s28+$0xC850];
	v45 =	vmul.f32 v45, v32;
	v37 =	vadd.f32 v47, v37;
	[tilespmem:s28+$0xC60] =	vst v39  }
0x16e: {  	v31 =	vmul.f32 v31, v33;
	v39 =	vld [tilespmem:s28+$0xC840];
	v44 =	vmul.f32 v44, v32;
	v36 =	vadd.f32 v46, v36;
	[tilespmem:s28+$0xC50] =	vst v38  }
0x16f: {  	v30 =	vmul.f32 v30, v33;
	v38 =	vld [tilespmem:s28+$0xC830];
	v43 =	vmul.f32 v43, v32;
	v35 =	vadd.f32 v45, v35;
	[tilespmem:s28+$0xC40] =	vst v37  }
0x170: {  	v29 =	vmul.f32 v29, v33;
	v37 =	vld [tilespmem:s28+$0xC820];
	v42 =	vmul.f32 v42, v32;
	v34 =	vadd.f32 v44, v34;
	[tilespmem:s28+$0xC30] =	vst v36  }
0x171: {  	v28 =	vmul.f32 v28, v33;
	v36 =	vld [tilespmem:s28+$0xC810];
	v41 =	vmul.f32 v41, v32;
	v31 =	vadd.f32 v43, v31;
	[tilespmem:s28+$0xC20] =	vst v35  }
0x172: {  	v27 =	vmul.f32 v27, v33;
	v35 =	vld [tilespmem:s28+$0xC800];
	v40 =	vmul.f32 v40, v32;
	v30 =	vadd.f32 v42, v30;
	[tilespmem:s28+$0xC10] =	vst v34  }
0x173: {  	v26 =	vmul.f32 v26, v33;
	v34 =	vld [tilespmem:s28+$0xC470];
	v39 =	vmul.f32 v39, v32;
	v29 =	vadd.f32 v41, v29;
	[tilespmem:s28+$0xC00] =	vst v31  }
0x174: {  	v25 =	vmul.f32 v25, v33;
	v31 =	vld [tilespmem:s28+$0xC460];
	v38 =	vmul.f32 v38, v32;
	v28 =	vadd.f32 v40, v28;
	[tilespmem:s28+$0x870] =	vst v30  }
0x175: {  	v24 =	vmul.f32 v24, v33;
	v30 =	vld [tilespmem:s28+$0xC450];
	v37 =	vmul.f32 v37, v32;
	v27 =	vadd.f32 v39, v27;
	[tilespmem:s28+$0x860] =	vst v29  }
0x176: {  	v23 =	vmul.f32 v23, v33;
	v29 =	vld [tilespmem:s28+$0xC440];
	v36 =	vmul.f32 v36, v32;
	v26 =	vadd.f32 v38, v26;
	[tilespmem:s28+$0x850] =	vst v28  }
0x177: {  	v22 =	vmul.f32 v22, v33;
	v28 =	vld [tilespmem:s28+$0xC430];
	v35 =	vmul.f32 v35, v32;
	v25 =	vadd.f32 v37, v25;
	[tilespmem:s28+$0x840] =	vst v27  }
0x178: {  	v21 =	vmul.f32 v21, v33;
	v27 =	vld [tilespmem:s28+$0xC420];
	v34 =	vmul.f32 v34, v32;
	v24 =	vadd.f32 v36, v24;
	[tilespmem:s28+$0x830] =	vst v26  }
0x179: {  	v20 =	vmul.f32 v20, v33;
	v26 =	vld [tilespmem:s28+$0xC410];
	v31 =	vmul.f32 v31, v32;
	v23 =	vadd.f32 v35, v23;
	[tilespmem:s28+$0x820] =	vst v25  }
0x17a: {  	v19 =	vmul.f32 v19, v33;
	v25 =	vld [tilespmem:s28+$0xC400];
	v30 =	vmul.f32 v30, v32;
	v22 =	vadd.f32 v34, v22;
	[tilespmem:s28+$0x810] =	vst v24  }
0x17b: {  	v18 =	vmul.f32 v18, v33;
	v24 =	vld [tilespmem:s28+$0xC070];
	v29 =	vmul.f32 v29, v32;
	v21 =	vadd.f32 v31, v21;
	[tilespmem:s28+$0x800] =	vst v23  }
0x17c: {  	v17 =	vmul.f32 v17, v33;
	v23 =	vld [tilespmem:s28+$0xC060];
	v28 =	vmul.f32 v28, v32;
	v20 =	vadd.f32 v30, v20;
	[tilespmem:s28+$0x470] =	vst v22  }
0x17d: {  	v16 =	vmul.f32 v16, v33;
	v22 =	vmul.f32 v27, v32;
	v19 =	vadd.f32 v29, v19;
	[tilespmem:s28+$0x460] =	vst v21;
	v21 =	vld [tilespmem:s28+$0xD440]  }
0x17e: {  	v15 =	vmul.f32 v15, v33;
	v26 =	vmul.f32 v26, v32;
	v18 =	vadd.f32 v28, v18;
	[tilespmem:s28+$0x450] =	vst v20;
	v20 =	vld [tilespmem:s28+$0xD450]  }
0x17f: {  	v14 =	vmul.f32 v14, v33;
	v25 =	vmul.f32 v25, v32;
	v17 =	vadd.f32 v22, v17;
	[tilespmem:s28+$0x440] =	vst v19;
	v19 =	vld [tilespmem:s28+$0xD460]  }
0x180: {  	v13 =	vmul.f32 v13, v33;
	v22 =	vmul.f32 v24, v32;
	v16 =	vadd.f32 v26, v16;
	[tilespmem:s28+$0x430] =	vst v18;
	v18 =	vld [tilespmem:s28+$0xD470]  }
0x181: {  	v12 =	vmul.f32 v12, v33;
	v23 =	vmul.f32 v23, v32;
	v15 =	vadd.f32 v25, v15;
	[tilespmem:s28+$0x420] =	vst v17;
	v17 =	vld [tilespmem:s28+$0x1440]  }
0x182: {  	v10 =	vmul.f32 v10, v33;
	v11 =	vmul.f32 v11, v32;
	v14 =	vadd.f32 v22, v14;
	[tilespmem:s28+$0x410] =	vst v16;
	v16 =	vld [tilespmem:s28+$0x1450]  }
0x183: {  	v8 =	vmul.f32 v8, v33;
	v9 =	vmul.f32 v9, v32;
	v13 =	vadd.f32 v23, v13;
	[tilespmem:s28+$0x400] =	vst v15;
	v15 =	vld [tilespmem:s28+$0x1460]  }
0x184: {  	v6 =	vmul.f32 v6, v33;
	v7 =	vmul.f32 v7, v32;
	v11 =	vadd.f32 v11, v12;
	[tilespmem:s28+$0x70] =	vst v14;
	v12 =	vld [tilespmem:s28+$0x1470]  }
0x185: {  	v3 =	vmul.f32 v3, v33;
	v5 =	vmul.f32 v5, v32;
	v9 =	vadd.f32 v9, v10;
	v14 =	vld [tilespmem:s28+$0x0];
	[tilespmem:s28+$0x60] =	vst v13  }
0x186: {  	v4 =	vmul.f32 v4, v32;
	v7 =	vadd.f32 v7, v8;
	v10 =	vld [tilespmem:s28+$0xC000];
	[tilespmem:s28+$0x50] =	vst v11;
	v8 =	vmul.f32 v17, v33  }
0x187: {  	s31 =	sshrl.u32 s30, $0x3;
	v5 =	vadd.f32 v5, v6;
	v6 =	vmul.f32 v21, v32;
	[tilespmem:s28+$0x40] =	vst v9;
	v9 =	vmul.f32 v16, v33  }
0x188: {  	s29 =	sadd.s32 $0x80, s29;
	s31 =	smul.u32 $0x1800, s31;
	v3 =	vadd.f32 v4, v3;
	v4 =	vmul.f32 v20, v32;
	[tilespmem:s28+$0x30] =	vst v7;
	v7 =	vmul.f32 v15, v33  }
0x189: {  	s0 =	sand.u32 $0x380, s29;
	[tilespmem:s28+$0x20] =	vst v5;
	v5 =	vadd.f32 v6, v8;
	v6 =	vmul.f32 v19, v32;
	v8 =	vmul.f32 v12, v33  }
0x18a: {  	s0 =	sor.u32 s0, s31;
	v9 =	vadd.f32 v4, v9;
	v12 =	vmul.f32 v18, v32;
	v11 =	vmul.f32 v14, v33;
	[tilespmem:s28+$0x10] =	vst v3  }
0x18b: {  	v3 =	vld [tilespmem:s0+$0x10];
	v10 =	vmul.f32 v10, v32;
	[tilespmem:s28+$0x1440] =	vst v5;
	v5 =	vadd.f32 v6, v7  }
0x18c: {  	v7 =	vadd.f32 v12, v8;
	v4 =	vld [tilespmem:s0+$0xC010];
	[tilespmem:s28+$0x1450] =	vst v9  }
0x18d: {  	v6 =	vld [tilespmem:s0+$0x20];
	v9 =	vadd.f32 v10, v11;
	[tilespmem:s28+$0x1460] =	vst v5  }
0x18e: {  	v5 =	vld [tilespmem:s0+$0xC020];
	[tilespmem:s28+$0x1470] =	vst v7  }
0x18f: {  	v8 =	vld [tilespmem:s0+$0x30];
	[tilespmem:s28+$0x0] =	vst v9;
	s28 =	smov.u32 s0  }
0x190: {  	v7 =	vld [tilespmem:s28+$0xC030]  }
0x191: {  	v10 =	vld [tilespmem:s28+$0x40]  }
0x192: {  	v9 =	vld [tilespmem:s28+$0xC040]  }
0x193: {  	v12 =	vld [tilespmem:s28+$0x50]  }
0x194: {  	v11 =	vld [tilespmem:s28+$0xC050]  }
0x195: {  	v13 =	vld [tilespmem:s28+$0x60]  }
0x196: {  	v14 =	vld [tilespmem:s28+$0x70]  }
0x197: {  	v15 =	vld [tilespmem:s28+$0x400]  }
0x198: {  	v16 =	vld [tilespmem:s28+$0x410]  }
0x199: {  	v17 =	vld [tilespmem:s28+$0x420]  }
0x19a: {  	v18 =	vld [tilespmem:s28+$0x430]  }
0x19b: {  	v19 =	vld [tilespmem:s28+$0x440]  }
0x19c: {  	v20 =	vld [tilespmem:s28+$0x450]  }
0x19d: {  	v21 =	vld [tilespmem:s28+$0x460]  }
0x19e: {  	v22 =	vld [tilespmem:s28+$0x470]  }
0x19f: {  	v23 =	vld [tilespmem:s28+$0x800]  }
0x1a0: {  	v24 =	vld [tilespmem:s28+$0x810]  }
0x1a1: {  	v25 =	vld [tilespmem:s28+$0x820]  }
0x1a2: {  	v26 =	vld [tilespmem:s28+$0x830]  }
0x1a3: {  	v27 =	vld [tilespmem:s28+$0x840]  }
0x1a4: {  	v28 =	vld [tilespmem:s28+$0x850]  }
0x1a5: {  	v29 =	vld [tilespmem:s28+$0x860]  }
0x1a6: {  	v30 =	vld [tilespmem:s28+$0x870]  }
0x1a7: {  	v31 =	vld [tilespmem:s28+$0xC00]  }
0x1a8: {  	v34 =	vld [tilespmem:s28+$0xC10]  }
0x1a9: {  	v35 =	vld [tilespmem:s28+$0xC20]  }
0x1aa: {  	v36 =	vld [tilespmem:s28+$0xC30]  }
0x1ab: {  	v37 =	vld [tilespmem:s28+$0xC40]  }
0x1ac: {  	v38 =	vld [tilespmem:s28+$0xC50]  }
0x1ad: {  	v39 =	vld [tilespmem:s28+$0xC60]  }
0x1ae: {  	v40 =	vld [tilespmem:s28+$0xC70]  }
0x1af: {  	v41 =	vld [tilespmem:s28+$0x1000]  }
0x1b0: {  	v42 =	vld [tilespmem:s28+$0x1010]  }
0x1b1: {  	v43 =	vld [tilespmem:s28+$0x1020]  }
0x1b2: {  	v44 =	vld [tilespmem:s28+$0x1030]  }
0x1b3: {  	v45 =	vld [tilespmem:s28+$0x1040]  }
0x1b4: {  	v46 =	vld [tilespmem:s28+$0x1050]  }
.Ltmp0:
0x1b5: {  	v47 =	vld [tilespmem:s28+$0x1060];
	(pc) =	sbr.rel @p0 .LBB2_2-.Ltmp0, $4  }
0x1b6: {  	v48 =	vld [tilespmem:s28+$0x1400]  }
0x1b7: {  	v50 =	vld [tilespmem:s28+$0x1410]  }
0x1b8: {  	v49 =	vld [tilespmem:s28+$0xD410]  }
0x1b9: {  	s30 =	sadd.s32 $0x1, s30;
	v51 =	vld [tilespmem:s28+$0xD430]  }
0x1ba: {  	v52 =	vld [tilespmem:s28+$0x1430]  }
0x1bb: {  	v53 =	vld [tilespmem:s28+$0x1420];
	s0 =	sadd.s32 $0x80, s25  }
0x1bc: {  	s31 =	sadd.s32 $0x80, s26;
	v32 =	vld [tilespmem:s0+$0x0]  }
0x1bd: {  	v33 =	vld [tilespmem:s31+$0x0]  }
0x1be: {  	v54 =	vld [tilespmem:s28+$0xD420];
	_ =	sdelay $0x1  }
0x1bf: {  	v55 =	vld [tilespmem:s28+$0xD400]  }
0x1c0: {  	v56 =	vld [tilespmem:s28+$0x1070]  }
0x1c1: {  	v58 =	vld [tilespmem:s28+$0xD060];
	v52 =	vmul.f32 v52, v32;
	v51 =	vmul.f32 v51, v33  }
0x1c2: {  	v57 =	vld [tilespmem:s28+$0xD070];
	v53 =	vmul.f32 v53, v32;
	v54 =	vmul.f32 v54, v33  }
0x1c3: {  	v59 =	vld [tilespmem:s28+$0xD050];
	v50 =	vmul.f32 v50, v32;
	v49 =	vmul.f32 v49, v33  }
0x1c4: {  	v60 =	vld [tilespmem:s28+$0xD040];
	v48 =	vmul.f32 v48, v32;
	v62 =	vmul.f32 v55, v33;
	v51 =	vadd.f32 v51, v52  }
0x1c5: {  	v61 =	vld [tilespmem:s28+$0xD020];
	v63 =	vmul.f32 v56, v32;
	v47 =	vmul.f32 v47, v32;
	v53 =	vadd.f32 v54, v53  }
0x1c6: {  	v58 =	vmul.f32 v58, v33;
	v55 =	vld [tilespmem:s28+$0xC460];
	v12 =	vmul.f32 v12, v32;
	v49 =	vadd.f32 v49, v50;
	[tilespmem:s28+$0x1430] =	vst v51  }
0x1c7: {  	v56 =	vld [tilespmem:s28+$0xC450];
	v11 =	vmul.f32 v11, v33;
	v10 =	vmul.f32 v10, v32;
	v48 =	vadd.f32 v62, v48;
	[tilespmem:s28+$0x1420] =	vst v53  }
0x1c8: {  	v9 =	vmul.f32 v9, v33;
	v8 =	vmul.f32 v8, v32;
	v52 =	vld [tilespmem:s28+$0xD030];
	v47 =	vadd.f32 v58, v47;
	[tilespmem:s28+$0x1410] =	vst v49  }
0x1c9: {  	v7 =	vmul.f32 v7, v33;
	v6 =	vmul.f32 v6, v32;
	v50 =	vld [tilespmem:s28+$0xD000];
	v11 =	vadd.f32 v11, v12;
	[tilespmem:s28+$0x1400] =	vst v48  }
0x1ca: {  	v5 =	vmul.f32 v5, v33;
	v3 =	vmul.f32 v3, v32;
	v58 =	vld [tilespmem:s28+$0xCC20];
	v9 =	vadd.f32 v9, v10;
	[tilespmem:s28+$0x1060] =	vst v47  }
0x1cb: {  	v4 =	vmul.f32 v4, v33;
	v62 =	vmul.f32 v59, v33;
	v59 =	vld [tilespmem:s28+$0xCC10];
	v7 =	vadd.f32 v7, v8;
	[tilespmem:s28+$0x50] =	vst v11  }
0x1cc: {  	v57 =	vmul.f32 v57, v33;
	v54 =	vld [tilespmem:s28+$0xC470];
	v5 =	vadd.f32 v5, v6;
	[tilespmem:s28+$0x40] =	vst v9  }
0x1cd: {  	v46 =	vmul.f32 v46, v32;
	v3 =	vadd.f32 v4, v3;
	v51 =	vld [tilespmem:s28+$0xD010];
	[tilespmem:s28+$0x30] =	vst v7  }
0x1ce: {  	v45 =	vmul.f32 v45, v32;
	v49 =	vld [tilespmem:s28+$0xCC70];
	v53 =	vadd.f32 v57, v63;
	v63 =	vmul.f32 v60, v33;
	[tilespmem:s28+$0x20] =	vst v5  }
0x1cf: {  	v43 =	vmul.f32 v43, v32;
	v48 =	vld [tilespmem:s28+$0xCC60];
	v46 =	vadd.f32 v62, v46;
	v57 =	vmul.f32 v61, v33;
	[tilespmem:s28+$0x10] =	vst v3  }
0x1d0: {  	v44 =	vmul.f32 v44, v32;
	v47 =	vld [tilespmem:s28+$0xCC40];
	[tilespmem:s28+$0x1070] =	vst v53;
	v45 =	vadd.f32 v63, v45;
	v52 =	vmul.f32 v52, v33  }
0x1d1: {  	v41 =	vmul.f32 v41, v32;
	v60 =	vld [tilespmem:s28+$0xCC00];
	[tilespmem:s28+$0x1050] =	vst v46;
	v43 =	vadd.f32 v57, v43;
	v50 =	vmul.f32 v50, v33  }
0x1d2: {  	v35 =	vmul.f32 v35, v32;
	v61 =	vld [tilespmem:s28+$0xC870];
	[tilespmem:s28+$0x1040] =	vst v45;
	v45 =	vmul.f32 v58, v33;
	v44 =	vadd.f32 v52, v44  }
0x1d3: {  	v42 =	vmul.f32 v42, v32;
	v53 =	vld [tilespmem:s28+$0xCC50];
	[tilespmem:s28+$0x1020] =	vst v43;
	v51 =	vmul.f32 v51, v33;
	v41 =	vadd.f32 v50, v41  }
0x1d4: {  	v40 =	vmul.f32 v40, v32;
	v46 =	vld [tilespmem:s28+$0xCC30];
	v49 =	vmul.f32 v49, v33;
	v35 =	vadd.f32 v45, v35;
	[tilespmem:s28+$0x1030] =	vst v44  }
0x1d5: {  	v39 =	vmul.f32 v39, v32;
	v62 =	vld [tilespmem:s28+$0xC860];
	v48 =	vmul.f32 v48, v33;
	v42 =	vadd.f32 v51, v42;
	[tilespmem:s28+$0x1000] =	vst v41  }
0x1d6: {  	v37 =	vmul.f32 v37, v32;
	v57 =	vld [tilespmem:s28+$0xC440];
	v47 =	vmul.f32 v47, v33;
	v40 =	vadd.f32 v49, v40;
	[tilespmem:s28+$0xC20] =	vst v35  }
0x1d7: {  	v31 =	vmul.f32 v31, v32;
	v58 =	vld [tilespmem:s28+$0xC430];
	v43 =	vmul.f32 v60, v33;
	v39 =	vadd.f32 v48, v39;
	[tilespmem:s28+$0x1010] =	vst v42  }
0x1d8: {  	v38 =	vmul.f32 v38, v32;
	v50 =	vld [tilespmem:s28+$0xC830];
	v63 =	vmul.f32 v53, v33;
	v37 =	vadd.f32 v47, v37;
	[tilespmem:s28+$0xC70] =	vst v40  }
0x1d9: {  	v36 =	vmul.f32 v36, v32;
	v60 =	vld [tilespmem:s28+$0xC410];
	v46 =	vmul.f32 v46, v33;
	v31 =	vadd.f32 v43, v31;
	[tilespmem:s28+$0xC60] =	vst v39  }
0x1da: {  	v34 =	vmul.f32 v34, v32;
	v52 =	vld [tilespmem:s28+$0xC810];
	v44 =	vmul.f32 v59, v33;
	v38 =	vadd.f32 v63, v38;
	[tilespmem:s28+$0xC40] =	vst v37  }
0x1db: {  	v29 =	vmul.f32 v29, v32;
	v45 =	vld [tilespmem:s28+$0x1440];
	v41 =	vmul.f32 v62, v33;
	v36 =	vadd.f32 v46, v36;
	[tilespmem:s28+$0xC00] =	vst v31  }
0x1dc: {  	v21 =	vmul.f32 v21, v32;
	v48 =	vld [tilespmem:s28+$0xC850];
	v62 =	vmul.f32 v55, v33;
	v34 =	vadd.f32 v44, v34;
	[tilespmem:s28+$0xC50] =	vst v38  }
0x1dd: {  	v30 =	vmul.f32 v30, v32;
	v49 =	vld [tilespmem:s28+$0xC840];
	v42 =	vmul.f32 v61, v33;
	v29 =	vadd.f32 v41, v29;
	[tilespmem:s28+$0xC30] =	vst v36  }
0x1de: {  	v16 =	vmul.f32 v16, v32;
	v51 =	vld [tilespmem:s28+$0xC820];
	v21 =	vadd.f32 v62, v21;
	v41 =	vmul.f32 v60, v33;
	[tilespmem:s28+$0xC10] =	vst v34  }
0x1df: {  	v26 =	vmul.f32 v26, v32;
	v53 =	vld [tilespmem:s28+$0xC800];
	v30 =	vadd.f32 v42, v30;
	[tilespmem:s28+$0x860] =	vst v29;
	v38 =	vmul.f32 v50, v33  }
0x1e0: {  	v24 =	vmul.f32 v24, v32;
	v59 =	vld [tilespmem:s28+$0xC420];
	v36 =	vmul.f32 v52, v33;
	[tilespmem:s28+$0x460] =	vst v21;
	v16 =	vadd.f32 v41, v16  }
0x1e1: {  	v22 =	vmul.f32 v22, v32;
	v43 =	vld [tilespmem:s28+$0xD470];
	v34 =	vmul.f32 v54, v33;
	[tilespmem:s28+$0x870] =	vst v30;
	v26 =	vadd.f32 v38, v26  }
0x1e2: {  	v28 =	vmul.f32 v28, v32;
	v61 =	vld [tilespmem:s28+$0xC400];
	v40 =	vmul.f32 v48, v33;
	v24 =	vadd.f32 v36, v24;
	[tilespmem:s28+$0x410] =	vst v16  }
0x1e3: {  	v27 =	vmul.f32 v27, v32;
	v63 =	vld [tilespmem:s28+$0xC070];
	v39 =	vmul.f32 v49, v33;
	v22 =	vadd.f32 v34, v22;
	[tilespmem:s28+$0x830] =	vst v26  }
0x1e4: {  	v25 =	vmul.f32 v25, v32;
	v46 =	vld [tilespmem:s28+$0x1450];
	v37 =	vmul.f32 v51, v33;
	v28 =	vadd.f32 v40, v28;
	[tilespmem:s28+$0x810] =	vst v24  }
0x1e5: {  	v23 =	vmul.f32 v23, v32;
	v50 =	vld [tilespmem:s28+$0xC000];
	v35 =	vmul.f32 v53, v33;
	v27 =	vadd.f32 v39, v27;
	[tilespmem:s28+$0x470] =	vst v22  }
0x1e6: {  	v20 =	vmul.f32 v20, v32;
	v48 =	vld [tilespmem:s28+$0x1460];
	v30 =	vmul.f32 v56, v33;
	v25 =	vadd.f32 v37, v25;
	[tilespmem:s28+$0x850] =	vst v28  }
0x1e7: {  	v19 =	vmul.f32 v19, v32;
	v51 =	vld [tilespmem:s28+$0x0];
	v23 =	vadd.f32 v35, v23;
	v35 =	vmul.f32 v57, v33;
	[tilespmem:s28+$0x840] =	vst v27  }
0x1e8: {  	v18 =	vmul.f32 v18, v32;
	v34 =	vld [tilespmem:s28+$0xC060];
	v37 =	vmul.f32 v58, v33;
	v20 =	vadd.f32 v30, v20;
	[tilespmem:s28+$0x820] =	vst v25  }
0x1e9: {  	v17 =	vmul.f32 v17, v32;
	v36 =	vld [tilespmem:s28+$0xD440];
	v39 =	vmul.f32 v59, v33;
	[tilespmem:s28+$0x800] =	vst v23;
	v19 =	vadd.f32 v35, v19  }
0x1ea: {  	v15 =	vmul.f32 v15, v32;
	v38 =	vld [tilespmem:s28+$0xD450];
	v42 =	vmul.f32 v61, v33;
	v18 =	vadd.f32 v37, v18;
	[tilespmem:s28+$0x450] =	vst v20  }
0x1eb: {  	v14 =	vmul.f32 v14, v32;
	v40 =	vld [tilespmem:s28+$0xD460];
	v44 =	vmul.f32 v63, v33;
	v17 =	vadd.f32 v39, v17;
	[tilespmem:s28+$0x440] =	vst v19  }
0x1ec: {  	v49 =	vld [tilespmem:s28+$0x1470];
	v15 =	vadd.f32 v42, v15;
	v10 =	vmul.f32 v50, v33;
	v61 =	vmul.f32 v51, v32;
	[tilespmem:s28+$0x430] =	vst v18  }
0x1ed: {  	v13 =	vmul.f32 v13, v32;
	v14 =	vadd.f32 v44, v14;
	[tilespmem:s28+$0x420] =	vst v17;
	v47 =	vmul.f32 v34, v33  }
0x1ee: {  	v52 =	vmul.f32 v45, v32;
	[tilespmem:s28+$0x400] =	vst v15;
	v53 =	vmul.f32 v36, v33;
	v63 =	vadd.f32 v10, v61  }
0x1ef: {  	v54 =	vmul.f32 v46, v32;
	[tilespmem:s28+$0x70] =	vst v14;
	v55 =	vmul.f32 v38, v33;
	v13 =	vadd.f32 v47, v13  }
0x1f0: {  	v56 =	vmul.f32 v48, v32;
	v58 =	vmul.f32 v40, v33;
	v57 =	vadd.f32 v53, v52;
	[tilespmem:s28+$0x0] =	vst v63  }
0x1f1: {  	v60 =	vmul.f32 v43, v33;
	v59 =	vmul.f32 v49, v32;
	v3 =	vadd.f32 v55, v54;
	[tilespmem:s28+$0x60] =	vst v13  }
0x1f2: {  	v62 =	vadd.f32 v58, v56;
	[tilespmem:s28+$0x1440] =	vst v57  }
0x1f3: {  	s24 =	sadd.s32 $0x1, s24;
	[tilespmem:s28+$0x1450] =	vst v3;
	v3 =	vadd.f32 v60, v59  }
0x1f4: {  	p0 =	sne.s32 s24, s11;
	[tilespmem:s28+$0x1460] =	vst v62  }
.Ltmp1:
0x1f5: {  	[tilespmem:s28+$0x1470] =	vst v3;
	(pc) =	sbr.rel @p0 .LBB2_1-.Ltmp1, $4  }
0x1f6: {  	[hbm4b:s10+s2] =	stream.linear.scatter [tilespmem:s2], [sflag:$0x3], $0xC000, $0x38;
	[tilespmem:$0x1C100] =	vst v63  }
0x1f7: {  	_ =	swait.ge [sflag:s13], $0xC000  }
0x1f8: {  	[sflag:s13] =	ssyncset.done $0x0  }
0x1f9: {  	[sflag:s13] =	ssyncadd.s32 $0xFFFF4000  }
0x1fa: {  	_ =	sfence.sel $0x180000  }
0x1fb: {  	[bflag:$0x0] =	sbarrier.arrive $0xFFFF  }
0x1fc: {  	_ =	strace $0x9000004A  }
0x1fd: {  	s0 =	stileid.u32;
	[bflag:$0x2] =	sbarrier.arrive $0xFFFF  }
0x1fe: {  	p0 =	sne.s32 s0, $0x0;
	s0 =	rddreg [dreg:$0x2]  }
0x1ff: {  	s0 =	sadd.s32 @!p0 $0x100000, s0  }
0x200: {  	[sflag:s0] =	ssyncadd.tile.s32 @!p0 $0x1;
	_ =	shalt  }
.Lfunc_end2:
_tile_overlayer_lowered:
.L_overlay_start_2:
0x201: {  	(tag) =	ssettag $0x2  }
0x202: {  	s0 =	rddreg [dreg:$0x0];
	s2 =	stileid.u32  }
0x203: {  	s1 =	rddreg [dreg:$0x1];
	p0 =	sne.s32 s2, $0x0  }
0x204: {  	s3 =	rddreg [dreg:$0x2];
	[bflag:$0x3] =	sbarrier.arrive $0xFFFF;
	s2 =	simm.s32 @!p0 $0x1C03  }
0x205: {  	[timem:s3], [sflag:s2] =	dma.local @!p0 [hbm:s0], s1  }
0x206: {  	s0 =	simm.s32 @!p0 $0x3  }
0x207: {  	_ =	swait.ge @!p0 [sflag:s0], s1  }
0x208: {  	s1 =	ssub.s32 @!p0 $0x0, s1;
	[sflag:s0] =	ssyncset.done @!p0 $0x0  }
0x209: {  	[sflag:s0] =	ssyncadd.s32 @!p0 s1  }
0x20a: {  	[bflag:$0x3] =	sbarrier.arrive $0xFFFF  }
0x20b: {  	_ =	shalt  }

// kernel: kernel.7.cloned.1.call-start
scs
__scs_entry_jumppad:
0x0: {  	(pc) =	sbr.rel $0x88, $3  }
0x1: {  	(tag) =	ssettag $0x0;
	lr =	simm.s32 $0x1  }
0x2: {  	[smem:$0x3F99] =	sst lr;
	_ =	strace $0xD0000000  }
0x3: {  	_ = 	snop  }
0x4: {  	_ = 	snop  }
0x5: {  	_ = 	snop  }
0x6: {  	_ = 	snop  }
0x7: {  	_ = 	snop  }
__scs_overlays_trampoline_lowered:
0x8: {  	[smem:$0x3FA8] =	sst s0  }
0x9: {  	[smem:$0x3FA9] =	sst s1  }
0xa: {  	[smem:$0x3FAA] =	sst s2  }
0xb: {  	[smem:$0x3FAB] =	sst s3  }
0xc: {  	[smem:$0x3FAC] =	sst s4  }
0xd: {  	[smem:$0x3FAD] =	sst s5  }
0xe: {  	[smem:$0x3FAE] =	sst s6  }
0xf: {  	[smem:$0x3FAF] =	sst s7  }
0x10: {  	[smem:$0x3FB0] =	sst s8  }
0x11: {  	[smem:$0x3FB1] =	sst s9;
	s0 =	simm.s32 @!p0 $0x0  }
0x12: {  	s1 =	sld [smem:$0x3F97];
	s0 =	simm.s32 @p0 $0x1  }
0x13: {  	[smem:$0x3FB2] =	sst s0;
	s0 =	simm.s32 @!p1 $0x0  }
0x14: {  	s2 =	sld [smem:$0x3F96];
	s0 =	simm.s32 @p1 $0x1  }
0x15: {  	[smem:$0x3FB3] =	sst s0;
	s0 =	simm.s32 @!p2 $0x0  }
0x16: {  	s3 =	sld [smem:$0x3FDB];
	s0 =	simm.s32 @p2 $0x1  }
0x17: {  	s4 =	simm.s32 $0x1BF5;
	[smem:$0x3FB5] =	sst s0  }
0x18: {  	s0 =	sld [smem:$0x3F98];
	_ =	swait.ge [sflag:s4], $0x0  }
0x19: {  	s7 =	sld [smem:$0x3F99]  }
0x1a: {  	s8 =	sadd.s32 $0xFFFFE003, lr  }
0x1b: {  	s9 =	sadd.s32 $0xFFFFFEF7, lr;
	s5 =	simm.s32 $0xFFFFFFFF;
	p2 =	slt.u32 s8, $0xFFFFF086  }
0x1c: {  	p1 =	slt.u32 s9, $0xF7A;
	s5 =	simm.s32 @!p2 $0x0  }
0x1d: {  	s5 =	simm.s32 @p1 $0x1;
	p0 =	seq.s32 s7, s2  }
0x1e: {  	s7 =	smul.u32 @!p0 $0xF7A, s2;
	p2 =	seq.s32 @!p0 s5, $0x0  }
0x1f: {  	s9 =	smul.u32 $0xF7A, s1;
	s8 =	simm.s32 @!p0 $0x1BF5;
	p2 =	por !p2, p0  }
0x20: {  	[sflag:s8] =	ssyncset.s32 @!p0 $0xFFFFF086;
	s6 =	sadd.s32 @!p0 s3, s7;
	s7 =	simm.s32 @!p0 $0x108  }
0x21: {  	s3 =	sadd.s32 s3, s9;
	s6 =	sadd.s32 @!p0 $0x88, s6;
	s7 =	simm.s32 @p2 $0x1082  }
0x22: {  	[simem:s7], [sflag:s8] =	dma.local @!p0 [hbm:s6], $0xF7A  }
0x23: {  	s9 =	sor.u32 $0xD0000000, s2;
	s6 =	simm.s32 $0x108;
	_ =	swait.ge @!p0 [sflag:s8], $0x0  }
0x24: {  	s3 =	sadd.s32 $0x88, s3;
	s6 =	simm.s32 @!p1 $0x1082;
	[sflag:s4] =	ssyncset.s32 $0xFFFFF086  }
0x25: {  	[simem:s6], [sflag:s4] =	dma.local [hbm:s3], $0xF7A  }
0x26: {  	[smem:$0x3F99] =	sst s1;
	(tag) =	ssettag s2;
	_ =	strace s9  }
0x27: {  	s1 =	sld [smem:$0x3FA9]  }
0x28: {  	s2 =	sld [smem:$0x3FAA]  }
0x29: {  	s4 =	sld [smem:$0x3FAC]  }
0x2a: {  	p0 =	seq.s32 s5, $0x0;
	s5 =	sld [smem:$0x3FAD]  }
0x2b: {  	s6 =	sld [smem:$0x3FAE]  }
0x2c: {  	s7 =	sld [smem:$0x3FAF]  }
0x2d: {  	s3 =	simm.s32 $0x108;
	s8 =	sld [smem:$0x3FB0]  }
0x2e: {  	s3 =	simm.s32 @!p0 $0x1082;
	s9 =	sld [smem:$0x3FB1]  }
0x2f: {  	lr =	sadd.s32 s0, s3;
	s0 =	sld [smem:$0x3FA8]  }
0x30: {  	s3 =	sld [smem:$0x3FAB]  }
0x31: {  	[smem:$0x3FB4] =	sst s10  }
0x32: {  	s10 =	sld [smem:$0x3FB2];
	_ =	sdelay $0x3  }
0x33: {  	p0 =	seq.s32 s10, $0x1;
	s10 =	sld [smem:$0x3FB4];
	_ =	sdelay $0x3  }
0x34: {  	[smem:$0x3FB4] =	sst s10  }
0x35: {  	s10 =	sld [smem:$0x3FB3];
	_ =	sdelay $0x3  }
0x36: {  	p1 =	seq.s32 s10, $0x1;
	s10 =	sld [smem:$0x3FB4];
	_ =	sdelay $0x3  }
0x37: {  	[smem:$0x3FB4] =	sst s10  }
0x38: {  	s10 =	sld [smem:$0x3FB5]  }
0x39: {  	_ = 	snop;
	(pc) =	sbr.ind lr, $3  }
0x3a: {  	_ = 	snop  }
0x3b: {  	_ = 	snop  }
0x3c: {  	p2 =	seq.s32 s10, $0x1;
	s10 =	sld [smem:$0x3FB4]  }
0x3d: {  	_ =	shalt  }
0x3e: {  	_ =	shalt  }
0x3f: {  	_ =	shalt  }
0x40: {  	_ =	shalt  }
0x41: {  	_ =	shalt  }
0x42: {  	_ =	shalt  }
0x43: {  	_ =	shalt  }
0x44: {  	_ =	shalt  }
0x45: {  	_ =	shalt  }
0x46: {  	_ =	shalt  }
0x47: {  	_ =	shalt  }
0x48: {  	_ =	shalt  }
0x49: {  	_ =	shalt  }
0x4a: {  	_ =	shalt  }
0x4b: {  	_ =	shalt  }
0x4c: {  	_ =	shalt  }
0x4d: {  	_ =	shalt  }
0x4e: {  	_ =	shalt  }
0x4f: {  	_ =	shalt  }
0x50: {  	_ =	shalt  }
0x51: {  	_ =	shalt  }
0x52: {  	_ =	shalt  }
0x53: {  	_ =	shalt  }
0x54: {  	_ =	shalt  }
0x55: {  	_ =	shalt  }
0x56: {  	_ =	shalt  }
0x57: {  	_ =	shalt  }
0x58: {  	_ =	shalt  }
0x59: {  	_ =	shalt  }
0x5a: {  	_ =	shalt  }
0x5b: {  	_ =	shalt  }
0x5c: {  	_ =	shalt  }
0x5d: {  	_ =	shalt  }
0x5e: {  	_ =	shalt  }
0x5f: {  	_ =	shalt  }
0x60: {  	_ =	shalt  }
0x61: {  	_ =	shalt  }
0x62: {  	_ =	shalt  }
0x63: {  	_ =	shalt  }
0x64: {  	_ =	shalt  }
0x65: {  	_ =	shalt  }
0x66: {  	_ =	shalt  }
0x67: {  	_ =	shalt  }
0x68: {  	_ =	shalt  }
0x69: {  	_ =	shalt  }
0x6a: {  	_ =	shalt  }
0x6b: {  	_ =	shalt  }
0x6c: {  	_ =	shalt  }
0x6d: {  	_ =	shalt  }
0x6e: {  	_ =	shalt  }
0x6f: {  	_ =	shalt  }
0x70: {  	_ =	shalt  }
0x71: {  	_ =	shalt  }
0x72: {  	_ =	shalt  }
0x73: {  	_ =	shalt  }
0x74: {  	_ =	shalt  }
0x75: {  	_ =	shalt  }
0x76: {  	_ =	shalt  }
0x77: {  	_ =	shalt  }
0x78: {  	_ =	shalt  }
0x79: {  	_ =	shalt  }
0x7a: {  	_ =	shalt  }
0x7b: {  	_ =	shalt  }
0x7c: {  	_ =	shalt  }
0x7d: {  	_ =	shalt  }
0x7e: {  	_ =	shalt  }
0x7f: {  	_ =	shalt  }
0x80: {  	_ =	shalt  }
0x81: {  	_ =	shalt  }
0x82: {  	_ =	shalt  }
0x83: {  	_ =	shalt  }
0x84: {  	_ =	shalt  }
0x85: {  	_ =	shalt  }
0x86: {  	_ =	shalt  }
0x87: {  	_ =	shalt  }
.Lfunc_end0:
.L_simem_size_0:
called_computation_lowered:
.L_overlay_start_0:
0x88: {  	s2 =	sld [smem:$0x3FD9]  }
0x89: {  	s3 =	sld [smem:$0x3FFE];
	_ =	sdelay $0x1  }
0x8a: {  	s1 =	srdreg.scid  }
0x8b: {  	s0 =	sand.u32 $0x1, s1  }
0x8c: {  	s17 =	sshll.u32 s0, $0xA;
	s2 =	sadd.s32 s3, s2  }
0x8d: {  	s2 =	sadd.s32 s2, s17  }
0x8e: {  	[smem:$0x3FC0] =	sst s2  }
0x8f: {  	_ = 	snop  }
0x90: {  	s2 =	sld [smem:$0x3FC9];
	(tm) =	ssettm $0x1  }
0x91: {  	s18 =	sld [smem:$0x3FFB];
	_ =	sdelay $0x3  }
0x92: {  	_ =	strace s18  }
0x93: {  	s3 =	sld [smem:$0x3FFC];
	_ =	sdelay $0x3  }
0x94: {  	_ =	strace s3  }
0x95: {  	s3 =	sld [smem:$0x3FFD];
	_ =	sdelay $0x3  }
0x96: {  	_ =	strace s3  }
0x97: {  	_ =	strace $0x8FFFFFFF  }
0x98: {  	s19 =	sld [smem:$0x3FDB];
	_ =	sdelay $0x1  }
0x99: {  	s4 =	simm.s32 $_scs_section_size  }
0x9a: {  	s5 =	simm.s32 $_size__tile_overlayer_lowered;
	s6 =	simm.s32 $_tile_overlayer_lowered  }
0x9b: {  	s22 =	simm.s32 $0x1BFF;
	s21 =	sshll.u32 s6, $0x1;
	s3 =	sadd.s32 s4, s19  }
0x9c: {  	s7 =	simm.s32 $0x0;
	s20 =	sshll.u32 s5, $0x1;
	s5 =	sadd.s32 s21, s3  }
0x9d: {  	[timem:s7], [sflag:s22] =	dma.local [hbm:s5], s20  }
0x9e: {  	_ =	swait.ge [sflag:s22], s20  }
0x9f: {  	s4 =	ssub.s32 $0x0, s20;
	[sflag:s22] =	ssyncset.done $0x0  }
0xa0: {  	[sflag:s22] =	ssyncadd.s32 s4;
	_ =	sdelay $0x1  }
0xa1: {  	s23 =	simm.s32 $0x1B8B  }
0xa2: {  	_ =	swait.ge [sflag:s23], $0x1  }
0xa3: {  	[sflag:s23] =	ssyncset.done $0x0  }
0xa4: {  	s25 =	simm.s32 $0x1B8E;
	s24 =	sld [smem:$0x3FFE];
	[sflag:s23] =	ssyncadd.s32 $0xFFFFFFFF  }
0xa5: {  	s26 =	simm.s32 $execute0_lowered;
	[smem:$0x3FD2] =	sst s25  }
0xa6: {  	s5 =	sshll.u32 s26, $0x1;
	_ =	strace $0x80000046;
	[dreg:$0x1] =	wrdreg $0xFFFFFFFF  }
0xa7: {  	s28 =	simm.s32 $_size_execute0_lowered;
	s3 =	sadd.s32 s3, s5;
	[dreg:$0x0] =	wrdreg $0x0  }
0xa8: {  	s5 =	sshll.u32 s28, $0x1;
	[dreg:$0x2] =	wrdreg s3  }
0xa9: {  	[dreg:$0x3] =	wrdreg s5  }
0xaa: {  	[dreg:$0x4] =	wrdreg $0xC0  }
0xab: {  	_ =	task [dreg:s7], $0x5FFFF  }
0xac: {  	[dreg:$0x1] =	wrdreg $0xFFFFFFFF  }
0xad: {  	[dreg:$0x0] =	wrdreg $0x60  }
0xae: {  	[dreg:$0x2] =	wrdreg s2  }
0xaf: {  	[dreg:$0x3] =	wrdreg s24  }
0xb0: {  	[dreg:$0x4] =	wrdreg $0x9  }
0xb1: {  	_ =	task.clear_ibuf [dreg:s7], $0x5FFFF;
	_ =	strace $0x90000046  }
0xb2: {  	s29 =	simm.s32 $0x9;
	_ =	strace $0x80000048  }
0xb3: {  	_ =	swait.ge [sflag:s29], $0x1  }
0xb4: {  	[sflag:s29] =	ssyncadd.s32 $0xFFFFFFFF  }
0xb5: {  	_ =	strace $0x90000048  }
0xb6: {  	_ =	sfence  }
0xb7: {  	s30 =	sld [smem:$0x0];
	_ =	sdelay $0x2  }
0xb8: {  	s31 =	sshll.u32 s1, $0xD;
	s1 =	sshrl.u32 s1, $0x2  }
0xb9: {  	s3 =	sand.u32 $0x4000, s31;
	s1 =	sadd.s32 s1, s30  }
0xba: {  	s0 =	sor.u32 s3, s0;
	s1 =	sshll.u32 s1, $0x11  }
0xbb: {  	s0 =	sor.u32 s1, s0  }
0xbc: {  	s0 =	sadd.s32 $0x8F2B, s0  }
0xbd: {  	[sflag:s0] =	ssyncadd.remote.s32 $0x1  }
0xbe: {  	_ =	sfence.sel $0xFFFF  }
0xbf: {  	[dreg:$0x0] =	wrdreg $0xFFFFFFFF;
	(pc) =	sbr.abs _section_cstart, $3  }
0xc0: {  	[dreg:$0x1] =	wrdreg $0xFFFFFFFF  }
0xc1: {  	_ =	task.clear_ibuf [dreg:s7], $0x2FFFF;
	_ =	strace $0x9FFFFFFF  }
0xc2: {  	(tm) =	ssettm $0x7FFFFFFF  }
0xc3: {  	_ =	shalt  }
tec
execute0_lowered:
.L_overlay_start_1:
0x0: {  	(tag) =	ssettag $0x1  }
0x1: {  	s1 =	srdreg.scid  }
0x2: {  	s4 =	rddreg [dreg:$0x0];
	s0 =	stileid.u32  }
0x3: {  	s5 =	rddreg [dreg:$0x1];
	s2 =	simm.s32 $0x0;
	s26 =	simm.s32 $0xC000  }
0x4: {  	s8 =	simm.s32 $0xC080;
	s9 =	simm.s32 $0x1000;
	s10 =	simm.s32 $0x1800  }
0x5: {  	s11 =	simm.s32 $0x2000;
	s12 =	simm.s32 $0x2800;
	s13 =	simm.s32 $0x3000  }
0x6: {  	s14 =	simm.s32 $0x3800;
	s15 =	simm.s32 $0x4000;
	s16 =	simm.s32 $0x4800  }
0x7: {  	s17 =	simm.s32 $0x5000;
	s18 =	simm.s32 $0x5800;
	s19 =	simm.s32 $0x6000  }
0x8: {  	s20 =	simm.s32 $0x6800;
	s21 =	simm.s32 $0x7000;
	s22 =	simm.s32 $0x7800  }
0x9: {  	s28 =	simm.s32 $0xA000;
	s29 =	simm.s32 $0xA800;
	s30 =	simm.s32 $0xB000  }
0xa: {  	s31 =	simm.s32 $0xB800;
	s1 =	sand.u32 $0x1, s1;
	[smem:$0x7FF] =	sst s2  }
0xb: {  	s3 =	sshll.u32 s0, $0x4;
	_ =	strace $0x80000047;
	[dreg:$0x6] =	wrdreg s26  }
0xc: {  	s6 =	sshll.u32 s1, $0x3;
	s1 =	ssub.s32 $0x2, s1;
	[dreg:$0x7] =	wrdreg s8  }
0xd: {  	s26 =	simm.s32 $0x9800;
	s3 =	sor.u32 s6, s3;
	s23 =	sshrl.u32 s1, $0x1  }
0xe: {  	s6 =	smul.u32 $0x300, s3;
	s7 =	sadd.s32 s3, s5;
	s3 =	sadd.s32 $0x11400, s5  }
0xf: {  	s1 =	ssub.s32 s1, s23;
	s23 =	simm.s32 $0x8000;
	s24 =	sadd.s32 $0x11000, s7  }
0x10: {  	s25 =	sadd.s32 $0x11200, s7;
	s7 =	simm.s32 $0x2;
	[dreg:$0x4] =	wrdreg s24  }
0x11: {  	v2 =	vlaneseq.u32;
	s4 =	sadd.s32 s4, s6;
	[dreg:$0x5] =	wrdreg s25;
	s6 =	smax.u32 s1, $0x1  }
0x12: {  	vm0 =	vmmov $0xffff;
	v1 =	vshrl.u32 v2, $0x3;
	s24 =	simm.s32 $0x8800;
	s25 =	simm.s32 $0x9000;
	s1 =	simm.s32 $0x1  }
0x13: {  	v0 =	vand.u32 $0x7, v2;
	v2 =	vor.u32 $0x8, v2;
	v1 =	vmul.u32 $0x8, v1;
	[dreg:$0x3] =	wrdreg s4;
	s4 =	sadd.s32 $0x11500, s5;
	s5 =	sadd.s32 $0x11600, s5  }
.LBB2_1:
0x14: {  	s0 =	rddreg [dreg:$0x3]  }
0x15: {  	[tilespmem:s2], [sflag:$0x2] =	stream.linear.gather [hbm4b:s0+s2], $0xC000, $0x38;
	[tilespmem:$0xC100] =	vst v63  }
0x16: {  	_ =	swait.ge [sflag:s7], $0xC000  }
0x17: {  	s0 =	rddreg [dreg:$0x4];
	[sflag:s7] =	ssyncset.done $0x0  }
0x18: {  	s8 =	rddreg [dreg:$0x6];
	[sflag:s7] =	ssyncadd.s32 $0xFFFF4000  }
0x19: {  	[tilespmem:s8], [sflag:$0x2] =	stream.linear.gather [hbm4b:s0+s2], $0x40, $0x38;
	[tilespmem:$0xC100] =	vst v63  }
0x1a: {  	_ =	swait.ge [sflag:s7], $0x40  }
0x1b: {  	s0 =	rddreg [dreg:$0x5];
	[sflag:s7] =	ssyncset.done $0x0  }
0x1c: {  	s8 =	rddreg [dreg:$0x7];
	[sflag:s7] =	ssyncadd.s32 $0xFFFFFFC0  }
0x1d: {  	[tilespmem:s8], [sflag:$0x2] =	stream.linear.gather [hbm4b:s0+s2], $0x40, $0x38;
	[tilespmem:$0xC100] =	vst v63  }
0x1e: {  	_ =	swait.ge [sflag:s7], $0x40  }
0x1f: {  	[sflag:s7] =	ssyncset.done $0x0  }
0x20: {  	[sflag:s7] =	ssyncadd.s32 $0xFFFFFFC0  }
0x21: {  	v3 =	vld [tilespmem:$0xC000];
	_ =	sdelay $0x4  }
0x22: {  	v4 =	vshrl.u32 v3, $0x3  }
0x23: {  	v4 =	vmul.u32 $0x30, v4  }
0x24: {  	v3 =	vand.u32 $0x7, v3  }
0x25: {  	v3 =	vor.u32 v3, v4  }
0x26: {  	v4 =	vperm.xlane v3, v0;
	_ =	sdelay $0x1  }
0x27: {  	v4 =	vadd.s32 v1, v4;
	_ =	sdelay $0x3  }
0x28: {  	v3 =	vperm.xlane v3, v2  }
0x29: {  	[hbm4b:s3+s2] =	stream.indirect_vreg.scatter [tilespmem:s2], [sflag:$0x1], $0x80, v4, vm0, $0xb8;
	[tilespmem:$0xC100] =	vst v63  }
0x2a: {  	s8 =	simm.s32 $0x800;
	v3 =	vadd.s32 v1, v3  }
0x2b: {  	[hbm4b:s4+s2] =	stream.indirect_vreg.scatter [tilespmem:s8], [sflag:$0x1], $0x80, v4, vm0, $0xb8;
	[tilespmem:$0xC100] =	vst v63  }
0x2c: {  	_ = 	snop  }
0x2d: {  	[hbm4b:s5+s2] =	stream.indirect_vreg.scatter [tilespmem:s9], [sflag:$0x1], $0x80, v4, vm0, $0xb8;
	[tilespmem:$0xC100] =	vst v63  }
0x2e: {  	_ = 	snop  }
0x2f: {  	[hbm4b:s3+s2] =	stream.indirect_vreg.scatter [tilespmem:s10], [sflag:$0x1], $0x80, v3, vm0, $0xb8;
	[tilespmem:$0xC100] =	vst v63  }
0x30: {  	_ = 	snop  }
0x31: {  	[hbm4b:s4+s2] =	stream.indirect_vreg.scatter [tilespmem:s11], [sflag:$0x1], $0x80, v3, vm0, $0xb8;
	[tilespmem:$0xC100] =	vst v63  }
0x32: {  	_ = 	snop  }
0x33: {  	[hbm4b:s5+s2] =	stream.indirect_vreg.scatter [tilespmem:s12], [sflag:$0x1], $0x80, v3, vm0, $0xb8;
	[tilespmem:$0xC100] =	vst v63  }
0x34: {  	v3 =	vld [tilespmem:$0xC010];
	_ =	sdelay $0x4  }
0x35: {  	v57 =	vshrl.u32 v3, $0x3  }
0x36: {  	v4 =	vmul.u32 $0x30, v57  }
0x37: {  	v3 =	vand.u32 $0x7, v3  }
0x38: {  	v3 =	vor.u32 v3, v4  }
0x39: {  	v4 =	vperm.xlane v3, v0;
	_ =	sdelay $0x1  }
0x3a: {  	v4 =	vadd.s32 v1, v4;
	_ =	sdelay $0x3  }
0x3b: {  	v3 =	vperm.xlane v3, v2  }
0x3c: {  	[hbm4b:s3+s2] =	stream.indirect_vreg.scatter [tilespmem:s13], [sflag:$0x1], $0x80, v4, vm0, $0xb8;
	[tilespmem:$0xC100] =	vst v63  }
0x3d: {  	v3 =	vadd.s32 v1, v3  }
0x3e: {  	[hbm4b:s4+s2] =	stream.indirect_vreg.scatter [tilespmem:s14], [sflag:$0x1], $0x80, v4, vm0, $0xb8;
	[tilespmem:$0xC100] =	vst v63  }
0x3f: {  	_ = 	snop  }
0x40: {  	[hbm4b:s5+s2] =	stream.indirect_vreg.scatter [tilespmem:s15], [sflag:$0x1], $0x80, v4, vm0, $0xb8;
	[tilespmem:$0xC100] =	vst v63  }
0x41: {  	_ = 	snop  }
0x42: {  	[hbm4b:s3+s2] =	stream.indirect_vreg.scatter [tilespmem:s16], [sflag:$0x1], $0x80, v3, vm0, $0xb8;
	[tilespmem:$0xC100] =	vst v63  }
0x43: {  	_ = 	snop  }
0x44: {  	[hbm4b:s4+s2] =	stream.indirect_vreg.scatter [tilespmem:s17], [sflag:$0x1], $0x80, v3, vm0, $0xb8;
	[tilespmem:$0xC100] =	vst v63  }
0x45: {  	_ = 	snop  }
0x46: {  	[hbm4b:s5+s2] =	stream.indirect_vreg.scatter [tilespmem:s18], [sflag:$0x1], $0x80, v3, vm0, $0xb8;
	[tilespmem:$0xC100] =	vst v63  }
0x47: {  	v3 =	vld [tilespmem:$0xC020];
	_ =	sdelay $0x4  }
0x48: {  	v58 =	vshrl.u32 v3, $0x3  }
0x49: {  	v4 =	vmul.u32 $0x30, v58  }
0x4a: {  	v3 =	vand.u32 $0x7, v3  }
0x4b: {  	v3 =	vor.u32 v3, v4  }
0x4c: {  	v4 =	vperm.xlane v3, v0;
	_ =	sdelay $0x1  }
0x4d: {  	v4 =	vadd.s32 v1, v4;
	_ =	sdelay $0x3  }
0x4e: {  	v3 =	vperm.xlane v3, v2  }
0x4f: {  	[hbm4b:s3+s2] =	stream.indirect_vreg.scatter [tilespmem:s19], [sflag:$0x1], $0x80, v4, vm0, $0xb8;
	[tilespmem:$0xC100] =	vst v63  }
0x50: {  	v3 =	vadd.s32 v1, v3  }
0x51: {  	[hbm4b:s4+s2] =	stream.indirect_vreg.scatter [tilespmem:s20], [sflag:$0x1], $0x80, v4, vm0, $0xb8;
	[tilespmem:$0xC100] =	vst v63  }
0x52: {  	_ = 	snop  }
0x53: {  	[hbm4b:s5+s2] =	stream.indirect_vreg.scatter [tilespmem:s21], [sflag:$0x1], $0x80, v4, vm0, $0xb8;
	[tilespmem:$0xC100] =	vst v63  }
0x54: {  	_ = 	snop  }
0x55: {  	[hbm4b:s3+s2] =	stream.indirect_vreg.scatter [tilespmem:s22], [sflag:$0x1], $0x80, v3, vm0, $0xb8;
	[tilespmem:$0xC100] =	vst v63  }
0x56: {  	_ = 	snop  }
0x57: {  	[hbm4b:s4+s2] =	stream.indirect_vreg.scatter [tilespmem:s23], [sflag:$0x1], $0x80, v3, vm0, $0xb8;
	[tilespmem:$0xC100] =	vst v63  }
0x58: {  	_ = 	snop  }
0x59: {  	[hbm4b:s5+s2] =	stream.indirect_vreg.scatter [tilespmem:s24], [sflag:$0x1], $0x80, v3, vm0, $0xb8;
	[tilespmem:$0xC100] =	vst v63  }
0x5a: {  	v3 =	vld [tilespmem:$0xC030];
	_ =	sdelay $0x4  }
0x5b: {  	v59 =	vshrl.u32 v3, $0x3  }
0x5c: {  	v4 =	vmul.u32 $0x30, v59  }
0x5d: {  	v3 =	vand.u32 $0x7, v3  }
0x5e: {  	v3 =	vor.u32 v3, v4  }
0x5f: {  	v4 =	vperm.xlane v3, v0;
	_ =	sdelay $0x1  }
0x60: {  	v4 =	vadd.s32 v1, v4;
	_ =	sdelay $0x3  }
0x61: {  	v3 =	vperm.xlane v3, v2  }
0x62: {  	[hbm4b:s3+s2] =	stream.indirect_vreg.scatter [tilespmem:s25], [sflag:$0x1], $0x80, v4, vm0, $0xb8;
	[tilespmem:$0xC100] =	vst v63  }
0x63: {  	v3 =	vadd.s32 v1, v3  }
0x64: {  	[hbm4b:s4+s2] =	stream.indirect_vreg.scatter [tilespmem:s26], [sflag:$0x1], $0x80, v4, vm0, $0xb8;
	[tilespmem:$0xC100] =	vst v63  }
0x65: {  	_ = 	snop  }
0x66: {  	[hbm4b:s5+s2] =	stream.indirect_vreg.scatter [tilespmem:s28], [sflag:$0x1], $0x80, v4, vm0, $0xb8;
	[tilespmem:$0xC100] =	vst v63  }
0x67: {  	_ = 	snop  }
0x68: {  	[hbm4b:s3+s2] =	stream.indirect_vreg.scatter [tilespmem:s29], [sflag:$0x1], $0x80, v3, vm0, $0xb8;
	[tilespmem:$0xC100] =	vst v63  }
0x69: {  	_ = 	snop  }
0x6a: {  	[hbm4b:s4+s2] =	stream.indirect_vreg.scatter [tilespmem:s30], [sflag:$0x1], $0x80, v3, vm0, $0xb8;
	[tilespmem:$0xC100] =	vst v63  }
0x6b: {  	_ = 	snop  }
0x6c: {  	[hbm4b:s5+s2] =	stream.indirect_vreg.scatter [tilespmem:s31], [sflag:$0x1], $0x80, v3, vm0, $0xb8;
	[tilespmem:$0xC100] =	vst v63  }
0x6d: {  	_ =	swait.ge [sflag:s1], $0xC000  }
0x6e: {  	[sflag:s1] =	ssyncset.done $0x0  }
0x6f: {  	[sflag:s1] =	ssyncadd.s32 $0xFFFF4000  }
0x70: {  	v3 =	vld [tilespmem:$0xC080];
	_ =	sdelay $0x4  }
0x71: {  	v60 =	vshrl.u32 v3, $0x3  }
0x72: {  	v4 =	vmul.u32 $0x30, v60  }
0x73: {  	v3 =	vand.u32 $0x7, v3  }
0x74: {  	v3 =	vor.u32 v3, v4  }
0x75: {  	v4 =	vperm.xlane v3, v0;
	_ =	sdelay $0x1  }
0x76: {  	v4 =	vadd.s32 v1, v4;
	_ =	sdelay $0x3  }
0x77: {  	v3 =	vperm.xlane v3, v2  }
0x78: {  	[hbm4b:s3+s2] =	stream.indirect_vreg.scatter [tilespmem:s2], [sflag:$0x1], $0x80, v4, vm0, $0xb8;
	[tilespmem:$0xC100] =	vst v63  }
0x79: {  	v3 =	vadd.s32 v1, v3  }
0x7a: {  	[hbm4b:s4+s2] =	stream.indirect_vreg.scatter [tilespmem:s8], [sflag:$0x1], $0x80, v4, vm0, $0xb8;
	[tilespmem:$0xC100] =	vst v63  }
0x7b: {  	_ = 	snop  }
0x7c: {  	[hbm4b:s5+s2] =	stream.indirect_vreg.scatter [tilespmem:s9], [sflag:$0x1], $0x80, v4, vm0, $0xb8;
	[tilespmem:$0xC100] =	vst v63  }
0x7d: {  	_ = 	snop  }
0x7e: {  	[hbm4b:s3+s2] =	stream.indirect_vreg.scatter [tilespmem:s10], [sflag:$0x1], $0x80, v3, vm0, $0xb8;
	[tilespmem:$0xC100] =	vst v63  }
0x7f: {  	_ = 	snop  }
0x80: {  	[hbm4b:s4+s2] =	stream.indirect_vreg.scatter [tilespmem:s11], [sflag:$0x1], $0x80, v3, vm0, $0xb8;
	[tilespmem:$0xC100] =	vst v63  }
0x81: {  	_ = 	snop  }
0x82: {  	[hbm4b:s5+s2] =	stream.indirect_vreg.scatter [tilespmem:s12], [sflag:$0x1], $0x80, v3, vm0, $0xb8;
	[tilespmem:$0xC100] =	vst v63  }
0x83: {  	v3 =	vld [tilespmem:$0xC090];
	_ =	sdelay $0x4  }
0x84: {  	v61 =	vshrl.u32 v3, $0x3  }
0x85: {  	v4 =	vmul.u32 $0x30, v61  }
0x86: {  	v3 =	vand.u32 $0x7, v3  }
0x87: {  	v3 =	vor.u32 v3, v4  }
0x88: {  	v4 =	vperm.xlane v3, v0;
	_ =	sdelay $0x1  }
0x89: {  	v4 =	vadd.s32 v1, v4;
	_ =	sdelay $0x3  }
0x8a: {  	v3 =	vperm.xlane v3, v2  }
0x8b: {  	[hbm4b:s3+s2] =	stream.indirect_vreg.scatter [tilespmem:s13], [sflag:$0x1], $0x80, v4, vm0, $0xb8;
	[tilespmem:$0xC100] =	vst v63  }
0x8c: {  	v3 =	vadd.s32 v1, v3  }
0x8d: {  	[hbm4b:s4+s2] =	stream.indirect_vreg.scatter [tilespmem:s14], [sflag:$0x1], $0x80, v4, vm0, $0xb8;
	[tilespmem:$0xC100] =	vst v63  }
0x8e: {  	_ = 	snop  }
0x8f: {  	[hbm4b:s5+s2] =	stream.indirect_vreg.scatter [tilespmem:s15], [sflag:$0x1], $0x80, v4, vm0, $0xb8;
	[tilespmem:$0xC100] =	vst v63  }
0x90: {  	_ = 	snop  }
0x91: {  	[hbm4b:s3+s2] =	stream.indirect_vreg.scatter [tilespmem:s16], [sflag:$0x1], $0x80, v3, vm0, $0xb8;
	[tilespmem:$0xC100] =	vst v63  }
0x92: {  	_ = 	snop  }
0x93: {  	[hbm4b:s4+s2] =	stream.indirect_vreg.scatter [tilespmem:s17], [sflag:$0x1], $0x80, v3, vm0, $0xb8;
	[tilespmem:$0xC100] =	vst v63  }
0x94: {  	_ = 	snop  }
0x95: {  	[hbm4b:s5+s2] =	stream.indirect_vreg.scatter [tilespmem:s18], [sflag:$0x1], $0x80, v3, vm0, $0xb8;
	[tilespmem:$0xC100] =	vst v63  }
0x96: {  	v3 =	vld [tilespmem:$0xC0A0];
	_ =	sdelay $0x4  }
0x97: {  	v62 =	vshrl.u32 v3, $0x3  }
0x98: {  	v4 =	vmul.u32 $0x30, v62  }
0x99: {  	v3 =	vand.u32 $0x7, v3  }
0x9a: {  	v3 =	vor.u32 v3, v4  }
0x9b: {  	v4 =	vperm.xlane v3, v0;
	_ =	sdelay $0x1  }
0x9c: {  	v4 =	vadd.s32 v1, v4;
	_ =	sdelay $0x3  }
0x9d: {  	v3 =	vperm.xlane v3, v2  }
0x9e: {  	[hbm4b:s3+s2] =	stream.indirect_vreg.scatter [tilespmem:s19], [sflag:$0x1], $0x80, v4, vm0, $0xb8;
	[tilespmem:$0xC100] =	vst v63  }
0x9f: {  	v3 =	vadd.s32 v1, v3  }
0xa0: {  	[hbm4b:s4+s2] =	stream.indirect_vreg.scatter [tilespmem:s20], [sflag:$0x1], $0x80, v4, vm0, $0xb8;
	[tilespmem:$0xC100] =	vst v63  }
0xa1: {  	_ = 	snop  }
0xa2: {  	[hbm4b:s5+s2] =	stream.indirect_vreg.scatter [tilespmem:s21], [sflag:$0x1], $0x80, v4, vm0, $0xb8;
	[tilespmem:$0xC100] =	vst v63  }
0xa3: {  	_ = 	snop  }
0xa4: {  	[hbm4b:s3+s2] =	stream.indirect_vreg.scatter [tilespmem:s22], [sflag:$0x1], $0x80, v3, vm0, $0xb8;
	[tilespmem:$0xC100] =	vst v63  }
0xa5: {  	_ = 	snop  }
0xa6: {  	[hbm4b:s4+s2] =	stream.indirect_vreg.scatter [tilespmem:s23], [sflag:$0x1], $0x80, v3, vm0, $0xb8;
	[tilespmem:$0xC100] =	vst v63  }
0xa7: {  	_ = 	snop  }
0xa8: {  	[hbm4b:s5+s2] =	stream.indirect_vreg.scatter [tilespmem:s24], [sflag:$0x1], $0x80, v3, vm0, $0xb8;
	[tilespmem:$0xC100] =	vst v63  }
0xa9: {  	v3 =	vld [tilespmem:$0xC0B0];
	_ =	sdelay $0x4  }
0xaa: {  	v63 =	vshrl.u32 v3, $0x3  }
0xab: {  	v4 =	vmul.u32 $0x30, v63  }
0xac: {  	v3 =	vand.u32 $0x7, v3  }
0xad: {  	v3 =	vor.u32 v3, v4  }
0xae: {  	v4 =	vperm.xlane v3, v0;
	_ =	sdelay $0x1  }
0xaf: {  	v4 =	vadd.s32 v1, v4;
	_ =	sdelay $0x3  }
0xb0: {  	v3 =	vperm.xlane v3, v2  }
0xb1: {  	[hbm4b:s3+s2] =	stream.indirect_vreg.scatter [tilespmem:s25], [sflag:$0x1], $0x80, v4, vm0, $0xb8;
	[tilespmem:$0xC100] =	vst v63  }
0xb2: {  	v3 =	vadd.s32 v1, v3  }
0xb3: {  	[hbm4b:s4+s2] =	stream.indirect_vreg.scatter [tilespmem:s26], [sflag:$0x1], $0x80, v4, vm0, $0xb8;
	[tilespmem:$0xC100] =	vst v63  }
0xb4: {  	_ = 	snop  }
0xb5: {  	[hbm4b:s5+s2] =	stream.indirect_vreg.scatter [tilespmem:s28], [sflag:$0x1], $0x80, v4, vm0, $0xb8;
	[tilespmem:$0xC100] =	vst v63  }
0xb6: {  	_ = 	snop  }
0xb7: {  	[hbm4b:s3+s2] =	stream.indirect_vreg.scatter [tilespmem:s29], [sflag:$0x1], $0x80, v3, vm0, $0xb8;
	[tilespmem:$0xC100] =	vst v63  }
0xb8: {  	p0 =	sne.s32 s6, $0x1  }
0xb9: {  	[hbm4b:s4+s2] =	stream.indirect_vreg.scatter [tilespmem:s30], [sflag:$0x1], $0x80, v3, vm0, $0xb8;
	[tilespmem:$0xC100] =	vst v63  }
.Ltmp0:
0xba: {  	_ = 	snop;
	(pc) =	sbr.rel @p0 .LBB2_1-.Ltmp0, $4  }
0xbb: {  	[hbm4b:s5+s2] =	stream.indirect_vreg.scatter [tilespmem:s31], [sflag:$0x1], $0x80, v3, vm0, $0xb8;
	[tilespmem:$0xC100] =	vst v63  }
0xbc: {  	_ =	swait.ge [sflag:s1], $0xC000  }
0xbd: {  	[sflag:s1] =	ssyncset.done $0x0  }
0xbe: {  	s6 =	sadd.s32 $0xFFFFFFFF, s6;
	[sflag:s1] =	ssyncadd.s32 $0xFFFF4000  }
0xbf: {  	_ =	sfence.sel $0x180000  }
0xc0: {  	[bflag:$0x0] =	sbarrier.arrive $0xFFFF  }
0xc1: {  	_ =	strace $0x90000047  }
0xc2: {  	s0 =	stileid.u32;
	[bflag:$0x2] =	sbarrier.arrive $0xFFFF  }
0xc3: {  	p0 =	sne.s32 s0, $0x0;
	s0 =	rddreg [dreg:$0x2]  }
0xc4: {  	s0 =	sadd.s32 @!p0 $0x100000, s0  }
0xc5: {  	[sflag:s0] =	ssyncadd.tile.s32 @!p0 $0x1;
	_ =	shalt  }
.Lfunc_end2:
_tile_overlayer_lowered:
.L_overlay_start_2:
0xc6: {  	(tag) =	ssettag $0x2  }
0xc7: {  	s0 =	rddreg [dreg:$0x0];
	s2 =	stileid.u32  }
0xc8: {  	s1 =	rddreg [dreg:$0x1];
	p0 =	sne.s32 s2, $0x0  }
0xc9: {  	s3 =	rddreg [dreg:$0x2];
	[bflag:$0x3] =	sbarrier.arrive $0xFFFF;
	s2 =	simm.s32 @!p0 $0x1C02  }
0xca: {  	[timem:s3], [sflag:s2] =	dma.local @!p0 [hbm:s0], s1  }
0xcb: {  	s0 =	simm.s32 @!p0 $0x2  }
0xcc: {  	_ =	swait.ge @!p0 [sflag:s0], s1  }
0xcd: {  	s1 =	ssub.s32 @!p0 $0x0, s1;
	[sflag:s0] =	ssyncset.done @!p0 $0x0  }
0xce: {  	[sflag:s0] =	ssyncadd.s32 @!p0 s1  }
0xcf: {  	[bflag:$0x3] =	sbarrier.arrive $0xFFFF  }
0xd0: {  	_ =	shalt  }

</sc_bundles>
